<compile_context>
chip_gen: v7x
topology: tpu7x:2x2x1
jax: 0.10.2.dev20260603
libtpu: 0.0.44.dev20260713+nightly
codegen_flags: <defaults>
</compile_context>

<pallas_src>
import functools

import jax
import jax.numpy as jnp
from jax import lax
from jax.experimental import pallas as pl
from jax.experimental.pallas import tpu as pltpu
from jax.experimental.pallas import tpu_sc as plsc

_NS = 16
_NC = 2
_C = 128



def _sc_deg(dst3, zeros1d, n_nodes, r_nodes):
    ns, k, c = dst3.shape
    rpt = r_nodes // ns
    mesh = plsc.VectorSubcoreMesh(core_axis_name="c", subcore_axis_name="s")
    out = (jax.ShapeDtypeStruct((r_nodes,), jnp.float32),) * 2

    @functools.partial(
        pl.kernel, out_type=out, mesh=mesh,
        scratch_types=[
            pltpu.VMEM((k, c), jnp.int32),
            pltpu.VMEM((c,), jnp.float32),
            pltpu.VMEM((c,), jnp.float32),
            pltpu.VMEM_SHARED((r_nodes,), jnp.float32),
        ])
    def kern(dst_h, z_h, deg0_h, deg1_h, dstv, ones_v, zv, shared):
        ci = lax.axis_index("c")
        si = lax.axis_index("s")
        pltpu.sync_copy(z_h, zv)
        for m in range(rpt // c):
            pltpu.sync_copy(zv, shared.at[pl.ds(si * rpt + m * c, c)])
        for t in range(c // 16):
            ones_v[pl.ds(t * 16, 16)] = jnp.ones((16,), jnp.float32)
        pltpu.sync_copy(dst_h.at[si], dstv)
        plsc.subcore_barrier()
        kh = (k + 1) // 2
        lo = ci * kh
        hi = jnp.where(ci == 0, kh, k)

        def body(j, carry):
            pltpu.sync_copy(ones_v, shared.at[dstv.at[j]], add=True)
            return carry
        lax.fori_loop(lo, hi, body, 0)
        plsc.subcore_barrier()

        @pl.when(ci == 0)
        def _():
            pltpu.sync_copy(shared.at[pl.ds(si * rpt, rpt)],
                            deg0_h.at[pl.ds(si * rpt, rpt)])

        @pl.when(ci == 1)
        def _():
            pltpu.sync_copy(shared.at[pl.ds(si * rpt, rpt)],
                            deg1_h.at[pl.ds(si * rpt, rpt)])

    return kern(dst3, zeros1d)


def _sc_agg(hs0, hs1, src3, dst3, zeros2d, r_nodes):
    ns, k, c = src3.shape
    d2 = hs0.shape[1]
    rpt = r_nodes // ns
    mesh = plsc.VectorSubcoreMesh(core_axis_name="c", subcore_axis_name="s")
    out = (jax.ShapeDtypeStruct((r_nodes, d2), jnp.float32),) * 2

    @functools.partial(
        pl.kernel, out_type=out, mesh=mesh,
        scratch_types=[
            pltpu.VMEM((k, c), jnp.int32),
            pltpu.VMEM((k, c), jnp.int32),
            pltpu.VMEM((c, d2), jnp.float32),
            pltpu.VMEM_SHARED((r_nodes, d2), jnp.float32),
            pltpu.SemaphoreType.DMA,
        ])
    def kern(hs0_h, hs1_h, src_h, dst_h, z_h, agg0_h, agg1_h,
             srcv, dstv, rows, shared, sem):
        ci = lax.axis_index("c")
        si = lax.axis_index("s")
        pltpu.sync_copy(z_h, rows)
        for m in range(rpt // c):
            pltpu.sync_copy(rows, shared.at[pl.ds(si * rpt + m * c, c)])
        pltpu.sync_copy(src_h.at[si], srcv)
        pltpu.sync_copy(dst_h.at[si], dstv)
        plsc.subcore_barrier()

        def run(hs_h):
            def body(j, carry):
                pltpu.async_copy(hs_h.at[srcv.at[j]], rows, sem).wait()
                pltpu.sync_copy(rows, shared.at[dstv.at[j]], add=True)
                return carry
            lax.fori_loop(0, k, body, 0)

        @pl.when(ci == 0)
        def _():
            run(hs0_h)

        @pl.when(ci == 1)
        def _():
            run(hs1_h)

        plsc.subcore_barrier()

        @pl.when(ci == 0)
        def _():
            pltpu.sync_copy(shared.at[pl.ds(si * rpt, rpt)],
                            agg0_h.at[pl.ds(si * rpt, rpt)])

        @pl.when(ci == 1)
        def _():
            pltpu.sync_copy(shared.at[pl.ds(si * rpt, rpt)],
                            agg1_h.at[pl.ds(si * rpt, rpt)])

    return kern(hs0, hs1, src3, dst3, zeros2d)


def _sc_gather(p, eli3):
    nw, k, c = eli3.shape
    d = p.shape[1]
    tot = nw * k * c
    mesh = plsc.VectorSubcoreMesh(core_axis_name="c", subcore_axis_name="s")
    out = jax.ShapeDtypeStruct((tot, d), jnp.float32)

    @functools.partial(
        pl.kernel, out_type=out, mesh=mesh,
        scratch_types=[
            pltpu.VMEM((k, c), jnp.int32),
            pltpu.VMEM((c, d), jnp.float32),
            pltpu.SemaphoreType.DMA,
        ])
    def kern(p_h, eli_h, q_h, idxv, rows, sem):
        ci = lax.axis_index("c")
        si = lax.axis_index("s")
        w = si * _NC + ci
        pltpu.sync_copy(eli_h.at[w], idxv)

        def body(j, carry):
            pltpu.async_copy(p_h.at[idxv.at[j]], rows, sem).wait()
            pltpu.sync_copy(rows, q_h.at[pl.ds((w * k + j) * c, c)])
            return carry
        lax.fori_loop(0, k, body, 0)

    return kern(p, eli3)



def _linear_scale_body(x_ref, w_ref, b_ref, d0_ref, d1_ref, o0_ref, o1_ref):
    h = jnp.dot(x_ref[...], w_ref[...],
                preferred_element_type=jnp.float32) + b_ref[...]
    scale = lax.rsqrt(d0_ref[...] + d1_ref[...] + 1.0)
    hs = h * scale
    d2 = o0_ref.shape[1]
    o0_ref[...] = hs[:, :d2]
    o1_ref[...] = hs[:, d2:]


def _tc_linear_scale(x, w, b, deg0, deg1, bb):
    n, d = x.shape
    d2 = d // 2
    f = pl.pallas_call(
        _linear_scale_body,
        grid=(n // bb,),
        in_specs=[
            pl.BlockSpec((bb, d), lambda i: (i, 0)),
            pl.BlockSpec((d, d), lambda i: (0, 0)),
            pl.BlockSpec((1, d), lambda i: (0, 0)),
            pl.BlockSpec((bb, 1), lambda i: (i, 0)),
            pl.BlockSpec((bb, 1), lambda i: (i, 0)),
        ],
        out_specs=(pl.BlockSpec((bb, d2), lambda i: (i, 0)),
                   pl.BlockSpec((bb, d2), lambda i: (i, 0))),
        out_shape=(jax.ShapeDtypeStruct((n, d2), jnp.float32),) * 2,
    )
    return f(x, w, b.reshape(1, d), deg0, deg1)


def _post_linear_body(a0_ref, a1_ref, d0_ref, d1_ref, w2_ref, b2_ref,
                      w1n_ref, b1n_ref, o0_ref, o1_ref):
    a = jnp.concatenate([a0_ref[...], a1_ref[...]], axis=1)
    scale = lax.rsqrt(d0_ref[...] + d1_ref[...] + 1.0)
    y = jnp.maximum(a, 0.0) * scale
    xn = jnp.maximum(
        jnp.dot(y, w2_ref[...], preferred_element_type=jnp.float32)
        + b2_ref[...], 0.0)
    hs = (jnp.dot(xn, w1n_ref[...], preferred_element_type=jnp.float32)
          + b1n_ref[...]) * scale
    d2 = o0_ref.shape[1]
    o0_ref[...] = hs[:, :d2]
    o1_ref[...] = hs[:, d2:]


def _tc_post_linear(agg0, agg1, deg0, deg1, w2, b2, w1n, b1n, n, bb):
    d2 = agg0.shape[1]
    d = 2 * d2
    f = pl.pallas_call(
        _post_linear_body,
        grid=(n // bb,),
        in_specs=[
            pl.BlockSpec((bb, d2), lambda i: (i, 0)),
            pl.BlockSpec((bb, d2), lambda i: (i, 0)),
            pl.BlockSpec((bb, 1), lambda i: (i, 0)),
            pl.BlockSpec((bb, 1), lambda i: (i, 0)),
            pl.BlockSpec((d, d), lambda i: (0, 0)),
            pl.BlockSpec((1, d), lambda i: (0, 0)),
            pl.BlockSpec((d, d), lambda i: (0, 0)),
            pl.BlockSpec((1, d), lambda i: (0, 0)),
        ],
        out_specs=(pl.BlockSpec((bb, d2), lambda i: (i, 0)),
                   pl.BlockSpec((bb, d2), lambda i: (i, 0))),
        out_shape=(jax.ShapeDtypeStruct((n, d2), jnp.float32),) * 2,
    )
    return f(agg0, agg1, deg0, deg1, w2, b2.reshape(1, d),
             w1n, b1n.reshape(1, d))


def _post_final_body(a0_ref, a1_ref, d0_ref, d1_ref, w2_ref, b2_ref,
                     wa_ref, wb_ref, o_ref):
    a = jnp.concatenate([a0_ref[...], a1_ref[...]], axis=1)
    scale = lax.rsqrt(d0_ref[...] + d1_ref[...] + 1.0)
    y = jnp.maximum(a, 0.0) * scale
    h = jnp.maximum(
        jnp.dot(y, w2_ref[...], preferred_element_type=jnp.float32)
        + b2_ref[...], 0.0)
    nrm = jnp.sqrt(jnp.sum(h * h, axis=1, keepdims=True))
    hn = h / jnp.maximum(nrm, 1e-12)
    dn = (((1,), (1,)), ((), ()))
    p1 = jnp.maximum(
        lax.dot_general(hn, wa_ref[...], dn,
                        preferred_element_type=jnp.float32), 0.0)
    p2 = lax.dot_general(p1, wb_ref[...], dn,
                         preferred_element_type=jnp.float32)
    o_ref[...] = jax.nn.sigmoid(p2)


def _tc_post_final(agg0, agg1, deg0, deg1, w2, b2, wa, wb, n, bb):
    d2 = agg0.shape[1]
    d = 2 * d2
    f = pl.pallas_call(
        _post_final_body,
        grid=(n // bb,),
        in_specs=[
            pl.BlockSpec((bb, d2), lambda i: (i, 0)),
            pl.BlockSpec((bb, d2), lambda i: (i, 0)),
            pl.BlockSpec((bb, 1), lambda i: (i, 0)),
            pl.BlockSpec((bb, 1), lambda i: (i, 0)),
            pl.BlockSpec((d, d), lambda i: (0, 0)),
            pl.BlockSpec((1, d), lambda i: (0, 0)),
            pl.BlockSpec((d, d), lambda i: (0, 0)),
            pl.BlockSpec((d, d), lambda i: (0, 0)),
        ],
        out_specs=pl.BlockSpec((bb, d), lambda i: (i, 0)),
        out_shape=jax.ShapeDtypeStruct((n, d), jnp.float32),
    )
    return f(agg0, agg1, deg0, deg1, w2, b2.reshape(1, d), wa, wb)


def _dot_body(q0_ref, q1_ref, o_ref):
    s = jnp.sum(q0_ref[...] * q1_ref[...], axis=1)
    o_ref[...] = s.reshape(o_ref.shape)


def _tc_dot(q, halfrows):
    tot, d = q.shape
    rb = 8 * _C
    nb = halfrows // rb
    f = pl.pallas_call(
        _dot_body,
        grid=(nb,),
        in_specs=[
            pl.BlockSpec((rb, d), lambda i: (i, 0)),
            pl.BlockSpec((rb, d), lambda i, _nb=nb: (i + _nb, 0)),
        ],
        out_specs=pl.BlockSpec((8, _C), lambda i: (i, 0)),
        out_shape=jax.ShapeDtypeStruct((nb * 8, _C), jnp.float32),
    )
    return f(q, q)



def kernel(x, edge_index, edge_label_index,
           l0_W1, l0_b1, l0_W2, l0_b2,
           l1_W1, l1_b1, l1_W2, l1_b2,
           weight1, weight2):
    n, d = x.shape
    e = edge_index.shape[1]
    el = edge_label_index.shape[1]
    bb = 2000
    assert n % bb == 0 and d == 256

    rpt = -(-(n + 1) // (_NS * _C)) * _C
    r_nodes = rpt * _NS

    k_e = -(-e // (_NS * _C))
    e_pad = _NS * k_e * _C
    trash = n + jnp.arange(e_pad - e, dtype=jnp.int32) % (r_nodes - n)
    src3 = jnp.concatenate(
        [edge_index[0], jnp.zeros((e_pad - e,), jnp.int32)]).reshape(
            _NS, k_e, _C)
    dst3 = jnp.concatenate(
        [edge_index[1], trash]).reshape(_NS, k_e, _C)

    zeros1d = jnp.zeros((_C,), jnp.float32)
    zeros2d = jnp.zeros((_C, d // 2), jnp.float32)

    deg0, deg1 = _sc_deg(dst3, zeros1d, n, r_nodes)
    deg0 = deg0.reshape(r_nodes, 1)
    deg1 = deg1.reshape(r_nodes, 1)

    hs0, hs1 = _tc_linear_scale(x, l0_W1, l0_b1, deg0, deg1, bb)
    agg0, agg1 = _sc_agg(hs0, hs1, src3, dst3, zeros2d, r_nodes)
    hs0, hs1 = _tc_post_linear(agg0, agg1, deg0, deg1, l0_W2, l0_b2,
                               l1_W1, l1_b1, n, bb)
    agg0, agg1 = _sc_agg(hs0, hs1, src3, dst3, zeros2d, r_nodes)
    p = _tc_post_final(agg0, agg1, deg0, deg1, l1_W2, l1_b2,
                       weight1, weight2, n, bb)

    k_l = -(-2 * el // (_NS * _NC * _C))
    elp = k_l * _NS * _NC * _C // 2
    eli3 = jnp.pad(edge_label_index,
                   ((0, 0), (0, elp - el))).reshape(_NS * _NC, k_l, _C)
    q = _sc_gather(p, eli3)
    pred = _tc_dot(q, elp).reshape(elp)[:el]
    return pred

# --- scband reference (transcript-rebuilt; emitter-appended) ---
"""Pipeline reference for scband-win-gnn-22222160789854 (READ-ONLY COPY).

The authoritative reference and input builder live on the scoring server;
editing this copy changes nothing except your own understanding.
"""

import jax, jax.numpy as jnp
import numpy as np

N = 10000
E = 160000
EL = 10000
D = 256  # dim_in == hidden_dim == cfg.gnn.dim_out == dim_out
NUM_LAYERS = 2
DROPOUT = 0.0  # cfg.gnn.dropout = 0 for deterministic reference


def setup_inputs(seed: int = 0) -> dict:
    key = jax.random.key(seed)
    ks = jax.random.split(key, 20)
    inp = {}
    inp['x'] = jax.random.normal(ks[0], (N, D), dtype=jnp.float32)
    inp['edge_index'] = jax.random.randint(ks[1], (2, E), 0, N, dtype=jnp.int32)
    inp['edge_label_index'] = jax.random.randint(ks[2], (2, EL), 0, N, dtype=jnp.int32)
    s = 1.0 / np.sqrt(D)
    k = 3
    for i in range(NUM_LAYERS):
        inp[f'l{i}_W1'] = jax.random.normal(ks[k], (D, D), dtype=jnp.float32) * s; k += 1
        inp[f'l{i}_b1'] = jnp.zeros((D,), dtype=jnp.float32)
        inp[f'l{i}_W2'] = jax.random.normal(ks[k], (D, D), dtype=jnp.float32) * s; k += 1
        inp[f'l{i}_b2'] = jnp.zeros((D,), dtype=jnp.float32)
    inp['weight1'] = jax.random.normal(ks[k], (D, D), dtype=jnp.float32) * s; k += 1  # (hidden_dim, dim_out)
    inp['weight2'] = jax.random.normal(ks[k], (D, D), dtype=jnp.float32) * s  # (dim_out, hidden_dim)
    return inp


def _gcn_layer(x, edge_index, W1, b1, W2, b2):
    # Windows_GCNLayer approximation: linear -> sym-normalized scatter-add aggregate -> relu -> linear -> relu
    src = edge_index[0]
    dst = edge_index[1]
    deg = jnp.zeros((N,), dtype=jnp.float32).at[dst].add(1.0) + 1.0
    norm = jax.lax.rsqrt(deg)
    h = x @ W1 + b1
    coef = (norm[src] * norm[dst])[:, None]
    msg = jnp.take(h, src, axis=0) * coef
    agg = jnp.zeros_like(h).at[dst].add(msg)
    out = jax.nn.relu(agg)
    out = out @ W2 + b2
    return jax.nn.relu(out)


def reference(x, edge_index, edge_label_index,
              l0_W1, l0_b1, l0_W2, l0_b2,
              l1_W1, l1_b1, l1_W2, l1_b2,
              weight1, weight2):
    h = _gcn_layer(x, edge_index, l0_W1, l0_b1, l0_W2, l0_b2)
    h = _gcn_layer(h, edge_index, l1_W1, l1_b1, l1_W2, l1_b2)
    # F.normalize (L2, dim=-1, eps=1e-12)
    nrm = jnp.sqrt(jnp.sum(h * h, axis=-1, keepdims=True))
    h = h / jnp.maximum(nrm, 1e-12)
    # dropout p=0 -> identity
    p = jax.nn.relu(h @ weight1.T)
    p = jax.nn.sigmoid(p @ weight2.T)
    node_feat = jnp.take(p, edge_label_index, axis=0)  # [2, EL, D]
    pred = jnp.sum(node_feat[0] * node_feat[1], axis=-1)  # dot edge decoding
    return pred

if __name__ == "__main__":
    import jax
    _d = setup_inputs()
    print(jax.jit(kernel)(*tuple(_d.values())))

</pallas_src>

<mosaic_0001>
#map = affine_map<(d0, d1) -> (0, 0, 0)>
#map1 = affine_map<(d0, d1) -> (0)>
module attributes {stable_mosaic.version = 14 : i64} {
  func.func @kern(%arg0: i32, %arg1: i32, %arg2: memref<16x79x128xi32, #tpu.memory_space<hbm>>, %arg3: memref<128xf32, #tpu.memory_space<hbm>>, %arg4: memref<10240xf32, #tpu.memory_space<hbm>>, %arg5: memref<10240xf32, #tpu.memory_space<hbm>>, %arg6: memref<79x128xi32, #tpu.memory_space<vmem>>, %arg7: memref<128xf32, #tpu.memory_space<vmem>>, %arg8: memref<128xf32, #tpu.memory_space<vmem>>, %arg9: memref<10240xf32, #tpu.memory_space<vmem_shared>>) attributes {dimension_semantics = [#tpu.dimension_semantics<core_parallel>, #tpu.dimension_semantics<subcore_parallel>], iteration_bounds = array<i64: 2, 16>, scalar_prefetch = 0 : i64, scratch_operands = 4 : i64, tpu.core_type = #tpu.core_type<sc_vector_subcore>, window_params = [{transform_indices = #map}, {transform_indices = #map1}, {transform_indices = #map1}, {transform_indices = #map1}]} {
    "tpu.region"() ({
      %run_scoped3A = tpu.sem_alloc : memref<!tpu.dma_semaphore, #tpu.memory_space<semaphore_mem>>
      tpu.enqueue_dma source(%arg3 : memref<128xf32, #tpu.memory_space<hbm>>) target(%arg8 : memref<128xf32, #tpu.memory_space<vmem>>) target_semaphore(%run_scoped3A : memref<!tpu.dma_semaphore, #tpu.memory_space<semaphore_mem>>)
      tpu.wait_dma2 semaphore(%run_scoped3A : memref<!tpu.dma_semaphore, #tpu.memory_space<semaphore_mem>>) src(%arg3 : memref<128xf32, #tpu.memory_space<hbm>>) dst(%arg8 : memref<128xf32, #tpu.memory_space<vmem>>)
      tpu.yield
    }) : () -> ()
    %mul3A = arith.constant 640 : i32
    %mul3A_0 = arith.muli %arg1, %mul3A : i32
    %add3A = arith.constant 0 : i32
    %add3A_1 = arith.addi %mul3A_0, %add3A : i32
    "tpu.region"() ({
      %run_scoped3A = tpu.sem_alloc : memref<!tpu.dma_semaphore, #tpu.memory_space<semaphore_mem>>
      %dma_start3A = tpu.memref_slice %arg9[%add3A_1] : memref<10240xf32, #tpu.memory_space<vmem_shared>> -> memref<128xf32, #tpu.memory_space<vmem_shared>>
      %dma_start3A_85 = tpu.memref_slice %arg9[%add3A_1] : memref<10240xf32, #tpu.memory_space<vmem_shared>> -> memref<128xf32, #tpu.memory_space<vmem_shared>>
      tpu.enqueue_dma source(%arg8 : memref<128xf32, #tpu.memory_space<vmem>>) target(%dma_start3A_85 : memref<128xf32, #tpu.memory_space<vmem_shared>>) target_semaphore(%run_scoped3A : memref<!tpu.dma_semaphore, #tpu.memory_space<semaphore_mem>>)
      %dma_wait3A = tpu.memref_slice %arg9[%add3A_1] : memref<10240xf32, #tpu.memory_space<vmem_shared>> -> memref<128xf32, #tpu.memory_space<vmem_shared>>
      %dma_wait3A_86 = tpu.memref_slice %arg9[%add3A_1] : memref<10240xf32, #tpu.memory_space<vmem_shared>> -> memref<128xf32, #tpu.memory_space<vmem_shared>>
      tpu.wait_dma2 semaphore(%run_scoped3A : memref<!tpu.dma_semaphore, #tpu.memory_space<semaphore_mem>>) src(%arg8 : memref<128xf32, #tpu.memory_space<vmem>>) dst(%dma_wait3A_86 : memref<128xf32, #tpu.memory_space<vmem_shared>>)
      tpu.yield
    }) : () -> ()
    %mul3A_2 = arith.constant 640 : i32
    %mul3A_3 = arith.muli %arg1, %mul3A_2 : i32
    %add3A_4 = arith.constant 128 : i32
    %add3A_5 = arith.addi %mul3A_3, %add3A_4 : i32
    "tpu.region"() ({
      %run_scoped3A = tpu.sem_alloc : memref<!tpu.dma_semaphore, #tpu.memory_space<semaphore_mem>>
      %dma_start3A = tpu.memref_slice %arg9[%add3A_5] : memref<10240xf32, #tpu.memory_space<vmem_shared>> -> memref<128xf32, #tpu.memory_space<vmem_shared>>
      %dma_start3A_85 = tpu.memref_slice %arg9[%add3A_5] : memref<10240xf32, #tpu.memory_space<vmem_shared>> -> memref<128xf32, #tpu.memory_space<vmem_shared>>
      tpu.enqueue_dma source(%arg8 : memref<128xf32, #tpu.memory_space<vmem>>) target(%dma_start3A_85 : memref<128xf32, #tpu.memory_space<vmem_shared>>) target_semaphore(%run_scoped3A : memref<!tpu.dma_semaphore, #tpu.memory_space<semaphore_mem>>)
      %dma_wait3A = tpu.memref_slice %arg9[%add3A_5] : memref<10240xf32, #tpu.memory_space<vmem_shared>> -> memref<128xf32, #tpu.memory_space<vmem_shared>>
      %dma_wait3A_86 = tpu.memref_slice %arg9[%add3A_5] : memref<10240xf32, #tpu.memory_space<vmem_shared>> -> memref<128xf32, #tpu.memory_space<vmem_shared>>
      tpu.wait_dma2 semaphore(%run_scoped3A : memref<!tpu.dma_semaphore, #tpu.memory_space<semaphore_mem>>) src(%arg8 : memref<128xf32, #tpu.memory_space<vmem>>) dst(%dma_wait3A_86 : memref<128xf32, #tpu.memory_space<vmem_shared>>)
      tpu.yield
    }) : () -> ()
    %mul3A_6 = arith.constant 640 : i32
    %mul3A_7 = arith.muli %arg1, %mul3A_6 : i32
    %add3A_8 = arith.constant 256 : i32
    %add3A_9 = arith.addi %mul3A_7, %add3A_8 : i32
    "tpu.region"() ({
      %run_scoped3A = tpu.sem_alloc : memref<!tpu.dma_semaphore, #tpu.memory_space<semaphore_mem>>
      %dma_start3A = tpu.memref_slice %arg9[%add3A_9] : memref<10240xf32, #tpu.memory_space<vmem_shared>> -> memref<128xf32, #tpu.memory_space<vmem_shared>>
      %dma_start3A_85 = tpu.memref_slice %arg9[%add3A_9] : memref<10240xf32, #tpu.memory_space<vmem_shared>> -> memref<128xf32, #tpu.memory_space<vmem_shared>>
      tpu.enqueue_dma source(%arg8 : memref<128xf32, #tpu.memory_space<vmem>>) target(%dma_start3A_85 : memref<128xf32, #tpu.memory_space<vmem_shared>>) target_semaphore(%run_scoped3A : memref<!tpu.dma_semaphore, #tpu.memory_space<semaphore_mem>>)
      %dma_wait3A = tpu.memref_slice %arg9[%add3A_9] : memref<10240xf32, #tpu.memory_space<vmem_shared>> -> memref<128xf32, #tpu.memory_space<vmem_shared>>
      %dma_wait3A_86 = tpu.memref_slice %arg9[%add3A_9] : memref<10240xf32, #tpu.memory_space<vmem_shared>> -> memref<128xf32, #tpu.memory_space<vmem_shared>>
      tpu.wait_dma2 semaphore(%run_scoped3A : memref<!tpu.dma_semaphore, #tpu.memory_space<semaphore_mem>>) src(%arg8 : memref<128xf32, #tpu.memory_space<vmem>>) dst(%dma_wait3A_86 : memref<128xf32, #tpu.memory_space<vmem_shared>>)
      tpu.yield
    }) : () -> ()
    %mul3A_10 = arith.constant 640 : i32
    %mul3A_11 = arith.muli %arg1, %mul3A_10 : i32
    %add3A_12 = arith.constant 384 : i32
    %add3A_13 = arith.addi %mul3A_11, %add3A_12 : i32
    "tpu.region"() ({
      %run_scoped3A = tpu.sem_alloc : memref<!tpu.dma_semaphore, #tpu.memory_space<semaphore_mem>>
      %dma_start3A = tpu.memref_slice %arg9[%add3A_13] : memref<10240xf32, #tpu.memory_space<vmem_shared>> -> memref<128xf32, #tpu.memory_space<vmem_shared>>
      %dma_start3A_85 = tpu.memref_slice %arg9[%add3A_13] : memref<10240xf32, #tpu.memory_space<vmem_shared>> -> memref<128xf32, #tpu.memory_space<vmem_shared>>
      tpu.enqueue_dma source(%arg8 : memref<128xf32, #tpu.memory_space<vmem>>) target(%dma_start3A_85 : memref<128xf32, #tpu.memory_space<vmem_shared>>) target_semaphore(%run_scoped3A : memref<!tpu.dma_semaphore, #tpu.memory_space<semaphore_mem>>)
      %dma_wait3A = tpu.memref_slice %arg9[%add3A_13] : memref<10240xf32, #tpu.memory_space<vmem_shared>> -> memref<128xf32, #tpu.memory_space<vmem_shared>>
      %dma_wait3A_86 = tpu.memref_slice %arg9[%add3A_13] : memref<10240xf32, #tpu.memory_space<vmem_shared>> -> memref<128xf32, #tpu.memory_space<vmem_shared>>
      tpu.wait_dma2 semaphore(%run_scoped3A : memref<!tpu.dma_semaphore, #tpu.memory_space<semaphore_mem>>) src(%arg8 : memref<128xf32, #tpu.memory_space<vmem>>) dst(%dma_wait3A_86 : memref<128xf32, #tpu.memory_space<vmem_shared>>)
      tpu.yield
    }) : () -> ()
    %mul3A_14 = arith.constant 640 : i32
    %mul3A_15 = arith.muli %arg1, %mul3A_14 : i32
    %add3A_16 = arith.constant 512 : i32
    %add3A_17 = arith.addi %mul3A_15, %add3A_16 : i32
    "tpu.region"() ({
      %run_scoped3A = tpu.sem_alloc : memref<!tpu.dma_semaphore, #tpu.memory_space<semaphore_mem>>
      %dma_start3A = tpu.memref_slice %arg9[%add3A_17] : memref<10240xf32, #tpu.memory_space<vmem_shared>> -> memref<128xf32, #tpu.memory_space<vmem_shared>>
      %dma_start3A_85 = tpu.memref_slice %arg9[%add3A_17] : memref<10240xf32, #tpu.memory_space<vmem_shared>> -> memref<128xf32, #tpu.memory_space<vmem_shared>>
      tpu.enqueue_dma source(%arg8 : memref<128xf32, #tpu.memory_space<vmem>>) target(%dma_start3A_85 : memref<128xf32, #tpu.memory_space<vmem_shared>>) target_semaphore(%run_scoped3A : memref<!tpu.dma_semaphore, #tpu.memory_space<semaphore_mem>>)
      %dma_wait3A = tpu.memref_slice %arg9[%add3A_17] : memref<10240xf32, #tpu.memory_space<vmem_shared>> -> memref<128xf32, #tpu.memory_space<vmem_shared>>
      %dma_wait3A_86 = tpu.memref_slice %arg9[%add3A_17] : memref<10240xf32, #tpu.memory_space<vmem_shared>> -> memref<128xf32, #tpu.memory_space<vmem_shared>>
      tpu.wait_dma2 semaphore(%run_scoped3A : memref<!tpu.dma_semaphore, #tpu.memory_space<semaphore_mem>>) src(%arg8 : memref<128xf32, #tpu.memory_space<vmem>>) dst(%dma_wait3A_86 : memref<128xf32, #tpu.memory_space<vmem_shared>>)
      tpu.yield
    }) : () -> ()
    %broadcast_in_dim3A = arith.constant 1.000000e+00 : f32
    %broadcast_in_dim3A_18 = vector.broadcast %broadcast_in_dim3A : f32 to vector<16xf32>
    %swap3A = arith.constant 0 : index
    %swap3A_19 = tpu.vector_load %arg7[%swap3A] {strides = array<i32>} : memref<128xf32, #tpu.memory_space<vmem>>, vector<16xf32>,
    %swap3A_20 = vector.shape_cast %swap3A_19 : vector<16xf32> to vector<16xf32>
    %swap3A_21 = vector.shape_cast %broadcast_in_dim3A_18 : vector<16xf32> to vector<16xf32>
    tpu.vector_store %arg7[%swap3A], %swap3A_21 {strides = array<i32>} : memref<128xf32, #tpu.memory_space<vmem>>, vector<16xf32>,
    %broadcast_in_dim3A_22 = arith.constant 1.000000e+00 : f32
    %broadcast_in_dim3A_23 = vector.broadcast %broadcast_in_dim3A_22 : f32 to vector<16xf32>
    %swap3A_24 = arith.constant 16 : index
    %swap3A_25 = tpu.vector_load %arg7[%swap3A_24] {strides = array<i32>} : memref<128xf32, #tpu.memory_space<vmem>>, vector<16xf32>,
    %swap3A_26 = vector.shape_cast %swap3A_25 : vector<16xf32> to vector<16xf32>
    %swap3A_27 = vector.shape_cast %broadcast_in_dim3A_23 : vector<16xf32> to vector<16xf32>
    tpu.vector_store %arg7[%swap3A_24], %swap3A_27 {strides = array<i32>} : memref<128xf32, #tpu.memory_space<vmem>>, vector<16xf32>,
    %broadcast_in_dim3A_28 = arith.constant 1.000000e+00 : f32
    %broadcast_in_dim3A_29 = vector.broadcast %broadcast_in_dim3A_28 : f32 to vector<16xf32>
    %swap3A_30 = arith.constant 32 : index
    %swap3A_31 = tpu.vector_load %arg7[%swap3A_30] {strides = array<i32>} : memref<128xf32, #tpu.memory_space<vmem>>, vector<16xf32>,
    %swap3A_32 = vector.shape_cast %swap3A_31 : vector<16xf32> to vector<16xf32>
    %swap3A_33 = vector.shape_cast %broadcast_in_dim3A_29 : vector<16xf32> to vector<16xf32>
    tpu.vector_store %arg7[%swap3A_30], %swap3A_33 {strides = array<i32>} : memref<128xf32, #tpu.memory_space<vmem>>, vector<16xf32>,
    %broadcast_in_dim3A_34 = arith.constant 1.000000e+00 : f32
    %broadcast_in_dim3A_35 = vector.broadcast %broadcast_in_dim3A_34 : f32 to vector<16xf32>
    %swap3A_36 = arith.constant 48 : index
    %swap3A_37 = tpu.vector_load %arg7[%swap3A_36] {strides = array<i32>} : memref<128xf32, #tpu.memory_space<vmem>>, vector<16xf32>,
    %swap3A_38 = vector.shape_cast %swap3A_37 : vector<16xf32> to vector<16xf32>
    %swap3A_39 = vector.shape_cast %broadcast_in_dim3A_35 : vector<16xf32> to vector<16xf32>
    tpu.vector_store %arg7[%swap3A_36], %swap3A_39 {strides = array<i32>} : memref<128xf32, #tpu.memory_space<vmem>>, vector<16xf32>,
    %broadcast_in_dim3A_40 = arith.constant 1.000000e+00 : f32
    %broadcast_in_dim3A_41 = vector.broadcast %broadcast_in_dim3A_40 : f32 to vector<16xf32>
    %swap3A_42 = arith.constant 64 : index
    %swap3A_43 = tpu.vector_load %arg7[%swap3A_42] {strides = array<i32>} : memref<128xf32, #tpu.memory_space<vmem>>, vector<16xf32>,
    %swap3A_44 = vector.shape_cast %swap3A_43 : vector<16xf32> to vector<16xf32>
    %swap3A_45 = vector.shape_cast %broadcast_in_dim3A_41 : vector<16xf32> to vector<16xf32>
    tpu.vector_store %arg7[%swap3A_42], %swap3A_45 {strides = array<i32>} : memref<128xf32, #tpu.memory_space<vmem>>, vector<16xf32>,
    %broadcast_in_dim3A_46 = arith.constant 1.000000e+00 : f32
    %broadcast_in_dim3A_47 = vector.broadcast %broadcast_in_dim3A_46 : f32 to vector<16xf32>
    %swap3A_48 = arith.constant 80 : index
    %swap3A_49 = tpu.vector_load %arg7[%swap3A_48] {strides = array<i32>} : memref<128xf32, #tpu.memory_space<vmem>>, vector<16xf32>,
    %swap3A_50 = vector.shape_cast %swap3A_49 : vector<16xf32> to vector<16xf32>
    %swap3A_51 = vector.shape_cast %broadcast_in_dim3A_47 : vector<16xf32> to vector<16xf32>
    tpu.vector_store %arg7[%swap3A_48], %swap3A_51 {strides = array<i32>} : memref<128xf32, #tpu.memory_space<vmem>>, vector<16xf32>,
    %broadcast_in_dim3A_52 = arith.constant 1.000000e+00 : f32
    %broadcast_in_dim3A_53 = vector.broadcast %broadcast_in_dim3A_52 : f32 to vector<16xf32>
    %swap3A_54 = arith.constant 96 : index
    %swap3A_55 = tpu.vector_load %arg7[%swap3A_54] {strides = array<i32>} : memref<128xf32, #tpu.memory_space<vmem>>, vector<16xf32>,
    %swap3A_56 = vector.shape_cast %swap3A_55 : vector<16xf32> to vector<16xf32>
    %swap3A_57 = vector.shape_cast %broadcast_in_dim3A_53 : vector<16xf32> to vector<16xf32>
    tpu.vector_store %arg7[%swap3A_54], %swap3A_57 {strides = array<i32>} : memref<128xf32, #tpu.memory_space<vmem>>, vector<16xf32>,
    %broadcast_in_dim3A_58 = arith.constant 1.000000e+00 : f32
    %broadcast_in_dim3A_59 = vector.broadcast %broadcast_in_dim3A_58 : f32 to vector<16xf32>
    %swap3A_60 = arith.constant 112 : index
    %swap3A_61 = tpu.vector_load %arg7[%swap3A_60] {strides = array<i32>} : memref<128xf32, #tpu.memory_space<vmem>>, vector<16xf32>,
    %swap3A_62 = vector.shape_cast %swap3A_61 : vector<16xf32> to vector<16xf32>
    %swap3A_63 = vector.shape_cast %broadcast_in_dim3A_59 : vector<16xf32> to vector<16xf32>
    tpu.vector_store %arg7[%swap3A_60], %swap3A_63 {strides = array<i32>} : memref<128xf32, #tpu.memory_space<vmem>>, vector<16xf32>,
    "tpu.region"() ({
      %run_scoped3A = tpu.sem_alloc : memref<!tpu.dma_semaphore, #tpu.memory_space<semaphore_mem>>
      %dma_start3A = arith.constant 0 : i32
      %dma_start3A_85 = arith.constant 0 : i32
      %dma_start3A_86 = tpu.memref_slice %arg2[%arg1, %dma_start3A, %dma_start3A_85] : memref<16x79x128xi32, #tpu.memory_space<hbm>> -> memref<1x79x128xi32, #tpu.memory_space<hbm>>
      %dma_start3A_87 = tpu.memref_squeeze %dma_start3A_86 : memref<1x79x128xi32, #tpu.memory_space<hbm>> -> memref<79x128xi32, #tpu.memory_space<hbm>>
      %dma_start3A_88 = arith.constant 0 : i32
      %dma_start3A_89 = arith.constant 0 : i32
      %dma_start3A_90 = tpu.memref_slice %arg2[%arg1, %dma_start3A_88, %dma_start3A_89] : memref<16x79x128xi32, #tpu.memory_space<hbm>> -> memref<1x79x128xi32, #tpu.memory_space<hbm>>
      %dma_start3A_91 = tpu.memref_squeeze %dma_start3A_90 : memref<1x79x128xi32, #tpu.memory_space<hbm>> -> memref<79x128xi32, #tpu.memory_space<hbm>>
      tpu.enqueue_dma source(%dma_start3A_91 : memref<79x128xi32, #tpu.memory_space<hbm>>) target(%arg6 : memref<79x128xi32, #tpu.memory_space<vmem>>) target_semaphore(%run_scoped3A : memref<!tpu.dma_semaphore, #tpu.memory_space<semaphore_mem>>)
      %dma_wait3A = arith.constant 0 : i32
      %dma_wait3A_92 = arith.constant 0 : i32
      %dma_wait3A_93 = tpu.memref_slice %arg2[%arg1, %dma_wait3A, %dma_wait3A_92] : memref<16x79x128xi32, #tpu.memory_space<hbm>> -> memref<1x79x128xi32, #tpu.memory_space<hbm>>
      %dma_wait3A_94 = tpu.memref_squeeze %dma_wait3A_93 : memref<1x79x128xi32, #tpu.memory_space<hbm>> -> memref<79x128xi32, #tpu.memory_space<hbm>>
      %dma_wait3A_95 = arith.constant 0 : i32
      %dma_wait3A_96 = arith.constant 0 : i32
      %dma_wait3A_97 = tpu.memref_slice %arg2[%arg1, %dma_wait3A_95, %dma_wait3A_96] : memref<16x79x128xi32, #tpu.memory_space<hbm>> -> memref<1x79x128xi32, #tpu.memory_space<hbm>>
      %dma_wait3A_98 = tpu.memref_squeeze %dma_wait3A_97 : memref<1x79x128xi32, #tpu.memory_space<hbm>> -> memref<79x128xi32, #tpu.memory_space<hbm>>
      tpu.wait_dma2 semaphore(%run_scoped3A : memref<!tpu.dma_semaphore, #tpu.memory_space<semaphore_mem>>) src(%dma_wait3A_98 : memref<79x128xi32, #tpu.memory_space<hbm>>) dst(%arg6 : memref<79x128xi32, #tpu.memory_space<vmem>>)
      tpu.yield
    }) : () -> ()
    %barrier3A = arith.constant 0 : index
    tpu.barrier barrier_id(%barrier3A)
    %mul3A_64 = arith.constant 40 : i32
    %mul3A_65 = arith.muli %arg0, %mul3A_64 : i32
    %eq3A = arith.constant 0 : i32
    %eq3A_66 = arith.cmpi eq, %arg0, %eq3A : i32
    %jit3A = arith.constant 40 : i32
    %jit3A_67 = arith.constant 79 : i32
    %select_n3A = arith.select %eq3A_66, %jit3A, %jit3A_67 : i32
    %while3A = arith.constant 0 : i32
    %while3A_68 = arith.subi %select_n3A, %mul3A_65 : i32
    %while3A_69 = arith.addi %mul3A_65, %while3A_68 : i32
    %while3A_70 = arith.constant 1 : i32
    %while3A_71 = arith.divsi %while3A_68, %while3A_70 : i32
    %while3A_72 = arith.muli %while3A_71, %while3A_70 : i32
    %while3A_73 = arith.addi %mul3A_65, %while3A_72 : i32
    %while3A_74 = arith.constant 1 : i32
    scf.for %while3A_85 = %mul3A_65 to %while3A_73 step %while3A_74  : i32 {
      "tpu.region"() ({
        %run_scoped3A = tpu.sem_alloc : memref<!tpu.dma_semaphore, #tpu.memory_space<semaphore_mem>>
        %dma_start3A = arith.constant 0 : i32
        %dma_start3A_86 = tpu.memref_slice %arg6[%while3A_85, %dma_start3A] : memref<79x128xi32, #tpu.memory_space<vmem>> -> memref<1x128xi32, #tpu.memory_space<vmem>>
        %dma_start3A_87 = tpu.memref_squeeze %dma_start3A_86 : memref<1x128xi32, #tpu.memory_space<vmem>> -> memref<128xi32, #tpu.memory_space<vmem>>
        %dma_start3A_88 = arith.constant 0 : i32
        %dma_start3A_89 = tpu.memref_slice %arg9[%dma_start3A_88] : memref<10240xf32, #tpu.memory_space<vmem_shared>> -> memref<10240xf32, #tpu.memory_space<vmem_shared>>
        tpu.enqueue_indirect_dma source(%arg7 : memref<128xf32, #tpu.memory_space<vmem>>) target(%dma_start3A_89 : memref<10240xf32, #tpu.memory_space<vmem_shared>>) offsets(%dma_start3A_87 : memref<128xi32, #tpu.memory_space<vmem>>) semaphore(%run_scoped3A : memref<!tpu.dma_semaphore, #tpu.memory_space<semaphore_mem>>) {add = true}
        %dma_wait3A = arith.constant 0 : i32
        %dma_wait3A_90 = tpu.memref_slice %arg6[%while3A_85, %dma_wait3A] : memref<79x128xi32, #tpu.memory_space<vmem>> -> memref<1x128xi32, #tpu.memory_space<vmem>>
        %dma_wait3A_91 = tpu.memref_squeeze %dma_wait3A_90 : memref<1x128xi32, #tpu.memory_space<vmem>> -> memref<128xi32, #tpu.memory_space<vmem>>
        %dma_wait3A_92 = arith.constant 0 : i32
        %dma_wait3A_93 = tpu.memref_slice %arg9[%dma_wait3A_92] : memref<10240xf32, #tpu.memory_space<vmem_shared>> -> memref<10240xf32, #tpu.memory_space<vmem_shared>>
        tpu.wait_indirect_dma semaphore(%run_scoped3A : memref<!tpu.dma_semaphore, #tpu.memory_space<semaphore_mem>>) src(%arg7 : memref<128xf32, #tpu.memory_space<vmem>>) dst(%dma_wait3A_93 : memref<10240xf32, #tpu.memory_space<vmem_shared>>)
        tpu.yield
      }) : () -> ()
    }
    %while3A_75 = arith.constant 1 : i32
    scf.for %while3A_85 = %while3A_73 to %while3A_69 step %while3A_75  : i32 {
      "tpu.region"() ({
        %run_scoped3A = tpu.sem_alloc : memref<!tpu.dma_semaphore, #tpu.memory_space<semaphore_mem>>
        %dma_start3A = arith.constant 0 : i32
        %dma_start3A_86 = tpu.memref_slice %arg6[%while3A_85, %dma_start3A] : memref<79x128xi32, #tpu.memory_space<vmem>> -> memref<1x128xi32, #tpu.memory_space<vmem>>
        %dma_start3A_87 = tpu.memref_squeeze %dma_start3A_86 : memref<1x128xi32, #tpu.memory_space<vmem>> -> memref<128xi32, #tpu.memory_space<vmem>>
        %dma_start3A_88 = arith.constant 0 : i32
        %dma_start3A_89 = tpu.memref_slice %arg9[%dma_start3A_88] : memref<10240xf32, #tpu.memory_space<vmem_shared>> -> memref<10240xf32, #tpu.memory_space<vmem_shared>>
        tpu.enqueue_indirect_dma source(%arg7 : memref<128xf32, #tpu.memory_space<vmem>>) target(%dma_start3A_89 : memref<10240xf32, #tpu.memory_space<vmem_shared>>) offsets(%dma_start3A_87 : memref<128xi32, #tpu.memory_space<vmem>>) semaphore(%run_scoped3A : memref<!tpu.dma_semaphore, #tpu.memory_space<semaphore_mem>>) {add = true}
        %dma_wait3A = arith.constant 0 : i32
        %dma_wait3A_90 = tpu.memref_slice %arg6[%while3A_85, %dma_wait3A] : memref<79x128xi32, #tpu.memory_space<vmem>> -> memref<1x128xi32, #tpu.memory_space<vmem>>
        %dma_wait3A_91 = tpu.memref_squeeze %dma_wait3A_90 : memref<1x128xi32, #tpu.memory_space<vmem>> -> memref<128xi32, #tpu.memory_space<vmem>>
        %dma_wait3A_92 = arith.constant 0 : i32
        %dma_wait3A_93 = tpu.memref_slice %arg9[%dma_wait3A_92] : memref<10240xf32, #tpu.memory_space<vmem_shared>> -> memref<10240xf32, #tpu.memory_space<vmem_shared>>
        tpu.wait_indirect_dma semaphore(%run_scoped3A : memref<!tpu.dma_semaphore, #tpu.memory_space<semaphore_mem>>) src(%arg7 : memref<128xf32, #tpu.memory_space<vmem>>) dst(%dma_wait3A_93 : memref<10240xf32, #tpu.memory_space<vmem_shared>>)
        tpu.yield
      }) : () -> ()
    }
    %barrier3A_76 = arith.constant 0 : index
    tpu.barrier barrier_id(%barrier3A_76)
    %eq3A_77 = arith.constant 0 : i32
    %eq3A_78 = arith.cmpi eq, %arg0, %eq3A_77 : i32
    %convert_element_type3A = arith.extui %eq3A_78 : i1 to i32
    %cond3A = arith.constant 0 : i32
    %cond3A_79 = arith.cmpi ne, %convert_element_type3A, %cond3A : i32
    scf.if %cond3A_79 {
      %mul3A_85 = arith.constant 640 : i32
      %mul3A_86 = arith.muli %arg1, %mul3A_85 : i32
      %mul3A_87 = arith.constant 640 : i32
      %mul3A_88 = arith.muli %arg1, %mul3A_87 : i32
      "tpu.region"() ({
        %run_scoped3A = tpu.sem_alloc : memref<!tpu.dma_semaphore, #tpu.memory_space<semaphore_mem>>
        %dma_start3A = tpu.memref_slice %arg4[%mul3A_88] : memref<10240xf32, #tpu.memory_space<hbm>> -> memref<640xf32, #tpu.memory_space<hbm>>
        %dma_start3A_89 = tpu.memref_slice %arg9[%mul3A_86] : memref<10240xf32, #tpu.memory_space<vmem_shared>> -> memref<640xf32, #tpu.memory_space<vmem_shared>>
        tpu.enqueue_dma source(%dma_start3A_89 : memref<640xf32, #tpu.memory_space<vmem_shared>>) target(%dma_start3A : memref<640xf32, #tpu.memory_space<hbm>>) target_semaphore(%run_scoped3A : memref<!tpu.dma_semaphore, #tpu.memory_space<semaphore_mem>>)
        %dma_wait3A = tpu.memref_slice %arg4[%mul3A_88] : memref<10240xf32, #tpu.memory_space<hbm>> -> memref<640xf32, #tpu.memory_space<hbm>>
        %dma_wait3A_90 = tpu.memref_slice %arg9[%mul3A_86] : memref<10240xf32, #tpu.memory_space<vmem_shared>> -> memref<640xf32, #tpu.memory_space<vmem_shared>>
        tpu.wait_dma2 semaphore(%run_scoped3A : memref<!tpu.dma_semaphore, #tpu.memory_space<semaphore_mem>>) src(%dma_wait3A_90 : memref<640xf32, #tpu.memory_space<vmem_shared>>) dst(%dma_wait3A : memref<640xf32, #tpu.memory_space<hbm>>)
        tpu.yield
      }) : () -> ()
    } else {
    }
    %eq3A_80 = arith.constant 1 : i32
    %eq3A_81 = arith.cmpi eq, %arg0, %eq3A_80 : i32
    %convert_element_type3A_82 = arith.extui %eq3A_81 : i1 to i32
    %cond3A_83 = arith.constant 0 : i32
    %cond3A_84 = arith.cmpi ne, %convert_element_type3A_82, %cond3A_83 : i32
    scf.if %cond3A_84 {
      %mul3A_85 = arith.constant 640 : i32
      %mul3A_86 = arith.muli %arg1, %mul3A_85 : i32
      %mul3A_87 = arith.constant 640 : i32
      %mul3A_88 = arith.muli %arg1, %mul3A_87 : i32
      "tpu.region"() ({
        %run_scoped3A = tpu.sem_alloc : memref<!tpu.dma_semaphore, #tpu.memory_space<semaphore_mem>>
        %dma_start3A = tpu.memref_slice %arg5[%mul3A_88] : memref<10240xf32, #tpu.memory_space<hbm>> -> memref<640xf32, #tpu.memory_space<hbm>>
        %dma_start3A_89 = tpu.memref_slice %arg9[%mul3A_86] : memref<10240xf32, #tpu.memory_space<vmem_shared>> -> memref<640xf32, #tpu.memory_space<vmem_shared>>
        tpu.enqueue_dma source(%dma_start3A_89 : memref<640xf32, #tpu.memory_space<vmem_shared>>) target(%dma_start3A : memref<640xf32, #tpu.memory_space<hbm>>) target_semaphore(%run_scoped3A : memref<!tpu.dma_semaphore, #tpu.memory_space<semaphore_mem>>)
        %dma_wait3A = tpu.memref_slice %arg5[%mul3A_88] : memref<10240xf32, #tpu.memory_space<hbm>> -> memref<640xf32, #tpu.memory_space<hbm>>
        %dma_wait3A_90 = tpu.memref_slice %arg9[%mul3A_86] : memref<10240xf32, #tpu.memory_space<vmem_shared>> -> memref<640xf32, #tpu.memory_space<vmem_shared>>
        tpu.wait_dma2 semaphore(%run_scoped3A : memref<!tpu.dma_semaphore, #tpu.memory_space<semaphore_mem>>) src(%dma_wait3A_90 : memref<640xf32, #tpu.memory_space<vmem_shared>>) dst(%dma_wait3A : memref<640xf32, #tpu.memory_space<hbm>>)
        tpu.yield
      }) : () -> ()
    } else {
    }
    return
  }
}

#map = affine_map<(d0, d1) -> (0, 0)>
#map1 = affine_map<(d0, d1) -> (0, 0, 0)>
module attributes {stable_mosaic.version = 14 : i64} {
  func.func @kern(%arg0: i32, %arg1: i32, %arg2: memref<10000x128xf32, #tpu.memory_space<hbm>>, %arg3: memref<10000x128xf32, #tpu.memory_space<hbm>>, %arg4: memref<16x79x128xi32, #tpu.memory_space<hbm>>, %arg5: memref<16x79x128xi32, #tpu.memory_space<hbm>>, %arg6: memref<128x128xf32, #tpu.memory_space<hbm>>, %arg7: memref<10240x128xf32, #tpu.memory_space<hbm>>, %arg8: memref<10240x128xf32, #tpu.memory_space<hbm>>, %arg9: memref<79x128xi32, #tpu.memory_space<vmem>>, %arg10: memref<79x128xi32, #tpu.memory_space<vmem>>, %arg11: memref<128x128xf32, #tpu.memory_space<vmem>>, %arg12: memref<10240x128xf32, #tpu.memory_space<vmem_shared>>, %arg13: memref<!tpu.dma_semaphore, #tpu.memory_space<semaphore_mem>>) attributes {dimension_semantics = [#tpu.dimension_semantics<core_parallel>, #tpu.dimension_semantics<subcore_parallel>], iteration_bounds = array<i64: 2, 16>, scalar_prefetch = 0 : i64, scratch_operands = 5 : i64, tpu.core_type = #tpu.core_type<sc_vector_subcore>, window_params = [{transform_indices = #map}, {transform_indices = #map}, {transform_indices = #map1}, {transform_indices = #map1}, {transform_indices = #map}, {transform_indices = #map}, {transform_indices = #map}]} {
    "tpu.region"() ({
      %run_scoped3A = tpu.sem_alloc : memref<!tpu.dma_semaphore, #tpu.memory_space<semaphore_mem>>
      tpu.enqueue_dma source(%arg6 : memref<128x128xf32, #tpu.memory_space<hbm>>) target(%arg11 : memref<128x128xf32, #tpu.memory_space<vmem>>) target_semaphore(%run_scoped3A : memref<!tpu.dma_semaphore, #tpu.memory_space<semaphore_mem>>)
      tpu.wait_dma2 semaphore(%run_scoped3A : memref<!tpu.dma_semaphore, #tpu.memory_space<semaphore_mem>>) src(%arg6 : memref<128x128xf32, #tpu.memory_space<hbm>>) dst(%arg11 : memref<128x128xf32, #tpu.memory_space<vmem>>)
      tpu.yield
    }) : () -> ()
    %mul3A = arith.constant 640 : i32
    %mul3A_0 = arith.muli %arg1, %mul3A : i32
    %add3A = arith.constant 0 : i32
    %add3A_1 = arith.addi %mul3A_0, %add3A : i32
    "tpu.region"() ({
      %run_scoped3A = tpu.sem_alloc : memref<!tpu.dma_semaphore, #tpu.memory_space<semaphore_mem>>
      %dma_start3A = arith.constant 0 : i32
      %dma_start3A_36 = tpu.memref_slice %arg12[%add3A_1, %dma_start3A] : memref<10240x128xf32, #tpu.memory_space<vmem_shared>> -> memref<128x128xf32, #tpu.memory_space<vmem_shared>>
      %dma_start3A_37 = arith.constant 0 : i32
      %dma_start3A_38 = tpu.memref_slice %arg12[%add3A_1, %dma_start3A_37] : memref<10240x128xf32, #tpu.memory_space<vmem_shared>> -> memref<128x128xf32, #tpu.memory_space<vmem_shared>>
      tpu.enqueue_dma source(%arg11 : memref<128x128xf32, #tpu.memory_space<vmem>>) target(%dma_start3A_38 : memref<128x128xf32, #tpu.memory_space<vmem_shared>>) target_semaphore(%run_scoped3A : memref<!tpu.dma_semaphore, #tpu.memory_space<semaphore_mem>>)
      %dma_wait3A = arith.constant 0 : i32
      %dma_wait3A_39 = tpu.memref_slice %arg12[%add3A_1, %dma_wait3A] : memref<10240x128xf32, #tpu.memory_space<vmem_shared>> -> memref<128x128xf32, #tpu.memory_space<vmem_shared>>
      %dma_wait3A_40 = arith.constant 0 : i32
      %dma_wait3A_41 = tpu.memref_slice %arg12[%add3A_1, %dma_wait3A_40] : memref<10240x128xf32, #tpu.memory_space<vmem_shared>> -> memref<128x128xf32, #tpu.memory_space<vmem_shared>>
      tpu.wait_dma2 semaphore(%run_scoped3A : memref<!tpu.dma_semaphore, #tpu.memory_space<semaphore_mem>>) src(%arg11 : memref<128x128xf32, #tpu.memory_space<vmem>>) dst(%dma_wait3A_41 : memref<128x128xf32, #tpu.memory_space<vmem_shared>>)
      tpu.yield
    }) : () -> ()
    %mul3A_2 = arith.constant 640 : i32
    %mul3A_3 = arith.muli %arg1, %mul3A_2 : i32
    %add3A_4 = arith.constant 128 : i32
    %add3A_5 = arith.addi %mul3A_3, %add3A_4 : i32
    "tpu.region"() ({
      %run_scoped3A = tpu.sem_alloc : memref<!tpu.dma_semaphore, #tpu.memory_space<semaphore_mem>>
      %dma_start3A = arith.constant 0 : i32
      %dma_start3A_36 = tpu.memref_slice %arg12[%add3A_5, %dma_start3A] : memref<10240x128xf32, #tpu.memory_space<vmem_shared>> -> memref<128x128xf32, #tpu.memory_space<vmem_shared>>
      %dma_start3A_37 = arith.constant 0 : i32
      %dma_start3A_38 = tpu.memref_slice %arg12[%add3A_5, %dma_start3A_37] : memref<10240x128xf32, #tpu.memory_space<vmem_shared>> -> memref<128x128xf32, #tpu.memory_space<vmem_shared>>
      tpu.enqueue_dma source(%arg11 : memref<128x128xf32, #tpu.memory_space<vmem>>) target(%dma_start3A_38 : memref<128x128xf32, #tpu.memory_space<vmem_shared>>) target_semaphore(%run_scoped3A : memref<!tpu.dma_semaphore, #tpu.memory_space<semaphore_mem>>)
      %dma_wait3A = arith.constant 0 : i32
      %dma_wait3A_39 = tpu.memref_slice %arg12[%add3A_5, %dma_wait3A] : memref<10240x128xf32, #tpu.memory_space<vmem_shared>> -> memref<128x128xf32, #tpu.memory_space<vmem_shared>>
      %dma_wait3A_40 = arith.constant 0 : i32
      %dma_wait3A_41 = tpu.memref_slice %arg12[%add3A_5, %dma_wait3A_40] : memref<10240x128xf32, #tpu.memory_space<vmem_shared>> -> memref<128x128xf32, #tpu.memory_space<vmem_shared>>
      tpu.wait_dma2 semaphore(%run_scoped3A : memref<!tpu.dma_semaphore, #tpu.memory_space<semaphore_mem>>) src(%arg11 : memref<128x128xf32, #tpu.memory_space<vmem>>) dst(%dma_wait3A_41 : memref<128x128xf32, #tpu.memory_space<vmem_shared>>)
      tpu.yield
    }) : () -> ()
    %mul3A_6 = arith.constant 640 : i32
    %mul3A_7 = arith.muli %arg1, %mul3A_6 : i32
    %add3A_8 = arith.constant 256 : i32
    %add3A_9 = arith.addi %mul3A_7, %add3A_8 : i32
    "tpu.region"() ({
      %run_scoped3A = tpu.sem_alloc : memref<!tpu.dma_semaphore, #tpu.memory_space<semaphore_mem>>
      %dma_start3A = arith.constant 0 : i32
      %dma_start3A_36 = tpu.memref_slice %arg12[%add3A_9, %dma_start3A] : memref<10240x128xf32, #tpu.memory_space<vmem_shared>> -> memref<128x128xf32, #tpu.memory_space<vmem_shared>>
      %dma_start3A_37 = arith.constant 0 : i32
      %dma_start3A_38 = tpu.memref_slice %arg12[%add3A_9, %dma_start3A_37] : memref<10240x128xf32, #tpu.memory_space<vmem_shared>> -> memref<128x128xf32, #tpu.memory_space<vmem_shared>>
      tpu.enqueue_dma source(%arg11 : memref<128x128xf32, #tpu.memory_space<vmem>>) target(%dma_start3A_38 : memref<128x128xf32, #tpu.memory_space<vmem_shared>>) target_semaphore(%run_scoped3A : memref<!tpu.dma_semaphore, #tpu.memory_space<semaphore_mem>>)
      %dma_wait3A = arith.constant 0 : i32
      %dma_wait3A_39 = tpu.memref_slice %arg12[%add3A_9, %dma_wait3A] : memref<10240x128xf32, #tpu.memory_space<vmem_shared>> -> memref<128x128xf32, #tpu.memory_space<vmem_shared>>
      %dma_wait3A_40 = arith.constant 0 : i32
      %dma_wait3A_41 = tpu.memref_slice %arg12[%add3A_9, %dma_wait3A_40] : memref<10240x128xf32, #tpu.memory_space<vmem_shared>> -> memref<128x128xf32, #tpu.memory_space<vmem_shared>>
      tpu.wait_dma2 semaphore(%run_scoped3A : memref<!tpu.dma_semaphore, #tpu.memory_space<semaphore_mem>>) src(%arg11 : memref<128x128xf32, #tpu.memory_space<vmem>>) dst(%dma_wait3A_41 : memref<128x128xf32, #tpu.memory_space<vmem_shared>>)
      tpu.yield
    }) : () -> ()
    %mul3A_10 = arith.constant 640 : i32
    %mul3A_11 = arith.muli %arg1, %mul3A_10 : i32
    %add3A_12 = arith.constant 384 : i32
    %add3A_13 = arith.addi %mul3A_11, %add3A_12 : i32
    "tpu.region"() ({
      %run_scoped3A = tpu.sem_alloc : memref<!tpu.dma_semaphore, #tpu.memory_space<semaphore_mem>>
      %dma_start3A = arith.constant 0 : i32
      %dma_start3A_36 = tpu.memref_slice %arg12[%add3A_13, %dma_start3A] : memref<10240x128xf32, #tpu.memory_space<vmem_shared>> -> memref<128x128xf32, #tpu.memory_space<vmem_shared>>
      %dma_start3A_37 = arith.constant 0 : i32
      %dma_start3A_38 = tpu.memref_slice %arg12[%add3A_13, %dma_start3A_37] : memref<10240x128xf32, #tpu.memory_space<vmem_shared>> -> memref<128x128xf32, #tpu.memory_space<vmem_shared>>
      tpu.enqueue_dma source(%arg11 : memref<128x128xf32, #tpu.memory_space<vmem>>) target(%dma_start3A_38 : memref<128x128xf32, #tpu.memory_space<vmem_shared>>) target_semaphore(%run_scoped3A : memref<!tpu.dma_semaphore, #tpu.memory_space<semaphore_mem>>)
      %dma_wait3A = arith.constant 0 : i32
      %dma_wait3A_39 = tpu.memref_slice %arg12[%add3A_13, %dma_wait3A] : memref<10240x128xf32, #tpu.memory_space<vmem_shared>> -> memref<128x128xf32, #tpu.memory_space<vmem_shared>>
      %dma_wait3A_40 = arith.constant 0 : i32
      %dma_wait3A_41 = tpu.memref_slice %arg12[%add3A_13, %dma_wait3A_40] : memref<10240x128xf32, #tpu.memory_space<vmem_shared>> -> memref<128x128xf32, #tpu.memory_space<vmem_shared>>
      tpu.wait_dma2 semaphore(%run_scoped3A : memref<!tpu.dma_semaphore, #tpu.memory_space<semaphore_mem>>) src(%arg11 : memref<128x128xf32, #tpu.memory_space<vmem>>) dst(%dma_wait3A_41 : memref<128x128xf32, #tpu.memory_space<vmem_shared>>)
      tpu.yield
    }) : () -> ()
    %mul3A_14 = arith.constant 640 : i32
    %mul3A_15 = arith.muli %arg1, %mul3A_14 : i32
    %add3A_16 = arith.constant 512 : i32
    %add3A_17 = arith.addi %mul3A_15, %add3A_16 : i32
    "tpu.region"() ({
      %run_scoped3A = tpu.sem_alloc : memref<!tpu.dma_semaphore, #tpu.memory_space<semaphore_mem>>
      %dma_start3A = arith.constant 0 : i32
      %dma_start3A_36 = tpu.memref_slice %arg12[%add3A_17, %dma_start3A] : memref<10240x128xf32, #tpu.memory_space<vmem_shared>> -> memref<128x128xf32, #tpu.memory_space<vmem_shared>>
      %dma_start3A_37 = arith.constant 0 : i32
      %dma_start3A_38 = tpu.memref_slice %arg12[%add3A_17, %dma_start3A_37] : memref<10240x128xf32, #tpu.memory_space<vmem_shared>> -> memref<128x128xf32, #tpu.memory_space<vmem_shared>>
      tpu.enqueue_dma source(%arg11 : memref<128x128xf32, #tpu.memory_space<vmem>>) target(%dma_start3A_38 : memref<128x128xf32, #tpu.memory_space<vmem_shared>>) target_semaphore(%run_scoped3A : memref<!tpu.dma_semaphore, #tpu.memory_space<semaphore_mem>>)
      %dma_wait3A = arith.constant 0 : i32
      %dma_wait3A_39 = tpu.memref_slice %arg12[%add3A_17, %dma_wait3A] : memref<10240x128xf32, #tpu.memory_space<vmem_shared>> -> memref<128x128xf32, #tpu.memory_space<vmem_shared>>
      %dma_wait3A_40 = arith.constant 0 : i32
      %dma_wait3A_41 = tpu.memref_slice %arg12[%add3A_17, %dma_wait3A_40] : memref<10240x128xf32, #tpu.memory_space<vmem_shared>> -> memref<128x128xf32, #tpu.memory_space<vmem_shared>>
      tpu.wait_dma2 semaphore(%run_scoped3A : memref<!tpu.dma_semaphore, #tpu.memory_space<semaphore_mem>>) src(%arg11 : memref<128x128xf32, #tpu.memory_space<vmem>>) dst(%dma_wait3A_41 : memref<128x128xf32, #tpu.memory_space<vmem_shared>>)
      tpu.yield
    }) : () -> ()
    "tpu.region"() ({
      %run_scoped3A = tpu.sem_alloc : memref<!tpu.dma_semaphore, #tpu.memory_space<semaphore_mem>>
      %dma_start3A = arith.constant 0 : i32
      %dma_start3A_36 = arith.constant 0 : i32
      %dma_start3A_37 = tpu.memref_slice %arg4[%arg1, %dma_start3A, %dma_start3A_36] : memref<16x79x128xi32, #tpu.memory_space<hbm>> -> memref<1x79x128xi32, #tpu.memory_space<hbm>>
      %dma_start3A_38 = tpu.memref_squeeze %dma_start3A_37 : memref<1x79x128xi32, #tpu.memory_space<hbm>> -> memref<79x128xi32, #tpu.memory_space<hbm>>
      %dma_start3A_39 = arith.constant 0 : i32
      %dma_start3A_40 = arith.constant 0 : i32
      %dma_start3A_41 = tpu.memref_slice %arg4[%arg1, %dma_start3A_39, %dma_start3A_40] : memref<16x79x128xi32, #tpu.memory_space<hbm>> -> memref<1x79x128xi32, #tpu.memory_space<hbm>>
      %dma_start3A_42 = tpu.memref_squeeze %dma_start3A_41 : memref<1x79x128xi32, #tpu.memory_space<hbm>> -> memref<79x128xi32, #tpu.memory_space<hbm>>
      tpu.enqueue_dma source(%dma_start3A_42 : memref<79x128xi32, #tpu.memory_space<hbm>>) target(%arg9 : memref<79x128xi32, #tpu.memory_space<vmem>>) target_semaphore(%run_scoped3A : memref<!tpu.dma_semaphore, #tpu.memory_space<semaphore_mem>>)
      %dma_wait3A = arith.constant 0 : i32
      %dma_wait3A_43 = arith.constant 0 : i32
      %dma_wait3A_44 = tpu.memref_slice %arg4[%arg1, %dma_wait3A, %dma_wait3A_43] : memref<16x79x128xi32, #tpu.memory_space<hbm>> -> memref<1x79x128xi32, #tpu.memory_space<hbm>>
      %dma_wait3A_45 = tpu.memref_squeeze %dma_wait3A_44 : memref<1x79x128xi32, #tpu.memory_space<hbm>> -> memref<79x128xi32, #tpu.memory_space<hbm>>
      %dma_wait3A_46 = arith.constant 0 : i32
      %dma_wait3A_47 = arith.constant 0 : i32
      %dma_wait3A_48 = tpu.memref_slice %arg4[%arg1, %dma_wait3A_46, %dma_wait3A_47] : memref<16x79x128xi32, #tpu.memory_space<hbm>> -> memref<1x79x128xi32, #tpu.memory_space<hbm>>
      %dma_wait3A_49 = tpu.memref_squeeze %dma_wait3A_48 : memref<1x79x128xi32, #tpu.memory_space<hbm>> -> memref<79x128xi32, #tpu.memory_space<hbm>>
      tpu.wait_dma2 semaphore(%run_scoped3A : memref<!tpu.dma_semaphore, #tpu.memory_space<semaphore_mem>>) src(%dma_wait3A_49 : memref<79x128xi32, #tpu.memory_space<hbm>>) dst(%arg9 : memref<79x128xi32, #tpu.memory_space<vmem>>)
      tpu.yield
    }) : () -> ()
    "tpu.region"() ({
      %run_scoped3A = tpu.sem_alloc : memref<!tpu.dma_semaphore, #tpu.memory_space<semaphore_mem>>
      %dma_start3A = arith.constant 0 : i32
      %dma_start3A_36 = arith.constant 0 : i32
      %dma_start3A_37 = tpu.memref_slice %arg5[%arg1, %dma_start3A, %dma_start3A_36] : memref<16x79x128xi32, #tpu.memory_space<hbm>> -> memref<1x79x128xi32, #tpu.memory_space<hbm>>
      %dma_start3A_38 = tpu.memref_squeeze %dma_start3A_37 : memref<1x79x128xi32, #tpu.memory_space<hbm>> -> memref<79x128xi32, #tpu.memory_space<hbm>>
      %dma_start3A_39 = arith.constant 0 : i32
      %dma_start3A_40 = arith.constant 0 : i32
      %dma_start3A_41 = tpu.memref_slice %arg5[%arg1, %dma_start3A_39, %dma_start3A_40] : memref<16x79x128xi32, #tpu.memory_space<hbm>> -> memref<1x79x128xi32, #tpu.memory_space<hbm>>
      %dma_start3A_42 = tpu.memref_squeeze %dma_start3A_41 : memref<1x79x128xi32, #tpu.memory_space<hbm>> -> memref<79x128xi32, #tpu.memory_space<hbm>>
      tpu.enqueue_dma source(%dma_start3A_42 : memref<79x128xi32, #tpu.memory_space<hbm>>) target(%arg10 : memref<79x128xi32, #tpu.memory_space<vmem>>) target_semaphore(%run_scoped3A : memref<!tpu.dma_semaphore, #tpu.memory_space<semaphore_mem>>)
      %dma_wait3A = arith.constant 0 : i32
      %dma_wait3A_43 = arith.constant 0 : i32
      %dma_wait3A_44 = tpu.memref_slice %arg5[%arg1, %dma_wait3A, %dma_wait3A_43] : memref<16x79x128xi32, #tpu.memory_space<hbm>> -> memref<1x79x128xi32, #tpu.memory_space<hbm>>
      %dma_wait3A_45 = tpu.memref_squeeze %dma_wait3A_44 : memref<1x79x128xi32, #tpu.memory_space<hbm>> -> memref<79x128xi32, #tpu.memory_space<hbm>>
      %dma_wait3A_46 = arith.constant 0 : i32
      %dma_wait3A_47 = arith.constant 0 : i32
      %dma_wait3A_48 = tpu.memref_slice %arg5[%arg1, %dma_wait3A_46, %dma_wait3A_47] : memref<16x79x128xi32, #tpu.memory_space<hbm>> -> memref<1x79x128xi32, #tpu.memory_space<hbm>>
      %dma_wait3A_49 = tpu.memref_squeeze %dma_wait3A_48 : memref<1x79x128xi32, #tpu.memory_space<hbm>> -> memref<79x128xi32, #tpu.memory_space<hbm>>
      tpu.wait_dma2 semaphore(%run_scoped3A : memref<!tpu.dma_semaphore, #tpu.memory_space<semaphore_mem>>) src(%dma_wait3A_49 : memref<79x128xi32, #tpu.memory_space<hbm>>) dst(%arg10 : memref<79x128xi32, #tpu.memory_space<vmem>>)
      tpu.yield
    }) : () -> ()
    %barrier3A = arith.constant 0 : index
    tpu.barrier barrier_id(%barrier3A)
    %eq3A = arith.constant 0 : i32
    %eq3A_18 = arith.cmpi eq, %arg0, %eq3A : i32
    %convert_element_type3A = arith.extui %eq3A_18 : i1 to i32
    %cond3A = arith.constant 0 : i32
    %cond3A_19 = arith.cmpi ne, %convert_element_type3A, %cond3A : i32
    scf.if %cond3A_19 {
      %scan3A = arith.constant 0 : i32
      %scan3A_36 = arith.constant 0 : i32
      %scan3A_37 = arith.constant 79 : i32
      %scan3A_38 = arith.addi %scan3A_36, %scan3A_37 : i32
      %scan3A_39 = arith.constant 1 : i32
      scf.for %scan3A_41 = %scan3A_36 to %scan3A_38 step %scan3A_39  : i32 {
        %dma_start3A = arith.constant 0 : i32
        %dma_start3A_42 = tpu.memref_slice %arg9[%scan3A_41, %dma_start3A] : memref<79x128xi32, #tpu.memory_space<vmem>> -> memref<1x128xi32, #tpu.memory_space<vmem>>
        %dma_start3A_43 = tpu.memref_squeeze %dma_start3A_42 : memref<1x128xi32, #tpu.memory_space<vmem>> -> memref<128xi32, #tpu.memory_space<vmem>>
        %dma_start3A_44 = arith.constant 0 : i32
        %dma_start3A_45 = arith.constant 0 : i32
        %dma_start3A_46 = tpu.memref_slice %arg2[%dma_start3A_44, %dma_start3A_45] : memref<10000x128xf32, #tpu.memory_space<hbm>> -> memref<10000x128xf32, #tpu.memory_space<hbm>>
        tpu.enqueue_indirect_dma source(%dma_start3A_46 : memref<10000x128xf32, #tpu.memory_space<hbm>>) target(%arg11 : memref<128x128xf32, #tpu.memory_space<vmem>>) offsets(%dma_start3A_43 : memref<128xi32, #tpu.memory_space<vmem>>) semaphore(%arg13 : memref<!tpu.dma_semaphore, #tpu.memory_space<semaphore_mem>>)
        %dma_wait3A = arith.constant 0 : i32
        %dma_wait3A_47 = tpu.memref_slice %arg9[%scan3A_41, %dma_wait3A] : memref<79x128xi32, #tpu.memory_space<vmem>> -> memref<1x128xi32, #tpu.memory_space<vmem>>
        %dma_wait3A_48 = tpu.memref_squeeze %dma_wait3A_47 : memref<1x128xi32, #tpu.memory_space<vmem>> -> memref<128xi32, #tpu.memory_space<vmem>>
        %dma_wait3A_49 = arith.constant 0 : i32
        %dma_wait3A_50 = arith.constant 0 : i32
        %dma_wait3A_51 = tpu.memref_slice %arg2[%dma_wait3A_49, %dma_wait3A_50] : memref<10000x128xf32, #tpu.memory_space<hbm>> -> memref<10000x128xf32, #tpu.memory_space<hbm>>
        tpu.wait_indirect_dma semaphore(%arg13 : memref<!tpu.dma_semaphore, #tpu.memory_space<semaphore_mem>>) src(%dma_wait3A_51 : memref<10000x128xf32, #tpu.memory_space<hbm>>) dst(%arg11 : memref<128x128xf32, #tpu.memory_space<vmem>>)
        "tpu.region"() ({
          %run_scoped3A = tpu.sem_alloc : memref<!tpu.dma_semaphore, #tpu.memory_space<semaphore_mem>>
          %dma_start3A_52 = arith.constant 0 : i32
          %dma_start3A_53 = tpu.memref_slice %arg10[%scan3A_41, %dma_start3A_52] : memref<79x128xi32, #tpu.memory_space<vmem>> -> memref<1x128xi32, #tpu.memory_space<vmem>>
          %dma_start3A_54 = tpu.memref_squeeze %dma_start3A_53 : memref<1x128xi32, #tpu.memory_space<vmem>> -> memref<128xi32, #tpu.memory_space<vmem>>
          %dma_start3A_55 = arith.constant 0 : i32
          %dma_start3A_56 = arith.constant 0 : i32
          %dma_start3A_57 = tpu.memref_slice %arg12[%dma_start3A_55, %dma_start3A_56] : memref<10240x128xf32, #tpu.memory_space<vmem_shared>> -> memref<10240x128xf32, #tpu.memory_space<vmem_shared>>
          tpu.enqueue_indirect_dma source(%arg11 : memref<128x128xf32, #tpu.memory_space<vmem>>) target(%dma_start3A_57 : memref<10240x128xf32, #tpu.memory_space<vmem_shared>>) offsets(%dma_start3A_54 : memref<128xi32, #tpu.memory_space<vmem>>) semaphore(%run_scoped3A : memref<!tpu.dma_semaphore, #tpu.memory_space<semaphore_mem>>) {add = true}
          %dma_wait3A_58 = arith.constant 0 : i32
          %dma_wait3A_59 = tpu.memref_slice %arg10[%scan3A_41, %dma_wait3A_58] : memref<79x128xi32, #tpu.memory_space<vmem>> -> memref<1x128xi32, #tpu.memory_space<vmem>>
          %dma_wait3A_60 = tpu.memref_squeeze %dma_wait3A_59 : memref<1x128xi32, #tpu.memory_space<vmem>> -> memref<128xi32, #tpu.memory_space<vmem>>
          %dma_wait3A_61 = arith.constant 0 : i32
          %dma_wait3A_62 = arith.constant 0 : i32
          %dma_wait3A_63 = tpu.memref_slice %arg12[%dma_wait3A_61, %dma_wait3A_62] : memref<10240x128xf32, #tpu.memory_space<vmem_shared>> -> memref<10240x128xf32, #tpu.memory_space<vmem_shared>>
          tpu.wait_indirect_dma semaphore(%run_scoped3A : memref<!tpu.dma_semaphore, #tpu.memory_space<semaphore_mem>>) src(%arg11 : memref<128x128xf32, #tpu.memory_space<vmem>>) dst(%dma_wait3A_63 : memref<10240x128xf32, #tpu.memory_space<vmem_shared>>)
          tpu.yield
        }) : () -> ()
      }
      %scan3A_40 = arith.constant 79 : i32
    } else {
    }
    %eq3A_20 = arith.constant 1 : i32
    %eq3A_21 = arith.cmpi eq, %arg0, %eq3A_20 : i32
    %convert_element_type3A_22 = arith.extui %eq3A_21 : i1 to i32
    %cond3A_23 = arith.constant 0 : i32
    %cond3A_24 = arith.cmpi ne, %convert_element_type3A_22, %cond3A_23 : i32
    scf.if %cond3A_24 {
      %scan3A = arith.constant 0 : i32
      %scan3A_36 = arith.constant 0 : i32
      %scan3A_37 = arith.constant 79 : i32
      %scan3A_38 = arith.addi %scan3A_36, %scan3A_37 : i32
      %scan3A_39 = arith.constant 1 : i32
      scf.for %scan3A_41 = %scan3A_36 to %scan3A_38 step %scan3A_39  : i32 {
        %dma_start3A = arith.constant 0 : i32
        %dma_start3A_42 = tpu.memref_slice %arg9[%scan3A_41, %dma_start3A] : memref<79x128xi32, #tpu.memory_space<vmem>> -> memref<1x128xi32, #tpu.memory_space<vmem>>
        %dma_start3A_43 = tpu.memref_squeeze %dma_start3A_42 : memref<1x128xi32, #tpu.memory_space<vmem>> -> memref<128xi32, #tpu.memory_space<vmem>>
        %dma_start3A_44 = arith.constant 0 : i32
        %dma_start3A_45 = arith.constant 0 : i32
        %dma_start3A_46 = tpu.memref_slice %arg3[%dma_start3A_44, %dma_start3A_45] : memref<10000x128xf32, #tpu.memory_space<hbm>> -> memref<10000x128xf32, #tpu.memory_space<hbm>>
        tpu.enqueue_indirect_dma source(%dma_start3A_46 : memref<10000x128xf32, #tpu.memory_space<hbm>>) target(%arg11 : memref<128x128xf32, #tpu.memory_space<vmem>>) offsets(%dma_start3A_43 : memref<128xi32, #tpu.memory_space<vmem>>) semaphore(%arg13 : memref<!tpu.dma_semaphore, #tpu.memory_space<semaphore_mem>>)
        %dma_wait3A = arith.constant 0 : i32
        %dma_wait3A_47 = tpu.memref_slice %arg9[%scan3A_41, %dma_wait3A] : memref<79x128xi32, #tpu.memory_space<vmem>> -> memref<1x128xi32, #tpu.memory_space<vmem>>
        %dma_wait3A_48 = tpu.memref_squeeze %dma_wait3A_47 : memref<1x128xi32, #tpu.memory_space<vmem>> -> memref<128xi32, #tpu.memory_space<vmem>>
        %dma_wait3A_49 = arith.constant 0 : i32
        %dma_wait3A_50 = arith.constant 0 : i32
        %dma_wait3A_51 = tpu.memref_slice %arg3[%dma_wait3A_49, %dma_wait3A_50] : memref<10000x128xf32, #tpu.memory_space<hbm>> -> memref<10000x128xf32, #tpu.memory_space<hbm>>
        tpu.wait_indirect_dma semaphore(%arg13 : memref<!tpu.dma_semaphore, #tpu.memory_space<semaphore_mem>>) src(%dma_wait3A_51 : memref<10000x128xf32, #tpu.memory_space<hbm>>) dst(%arg11 : memref<128x128xf32, #tpu.memory_space<vmem>>)
        "tpu.region"() ({
          %run_scoped3A = tpu.sem_alloc : memref<!tpu.dma_semaphore, #tpu.memory_space<semaphore_mem>>
          %dma_start3A_52 = arith.constant 0 : i32
          %dma_start3A_53 = tpu.memref_slice %arg10[%scan3A_41, %dma_start3A_52] : memref<79x128xi32, #tpu.memory_space<vmem>> -> memref<1x128xi32, #tpu.memory_space<vmem>>
          %dma_start3A_54 = tpu.memref_squeeze %dma_start3A_53 : memref<1x128xi32, #tpu.memory_space<vmem>> -> memref<128xi32, #tpu.memory_space<vmem>>
          %dma_start3A_55 = arith.constant 0 : i32
          %dma_start3A_56 = arith.constant 0 : i32
          %dma_start3A_57 = tpu.memref_slice %arg12[%dma_start3A_55, %dma_start3A_56] : memref<10240x128xf32, #tpu.memory_space<vmem_shared>> -> memref<10240x128xf32, #tpu.memory_space<vmem_shared>>
          tpu.enqueue_indirect_dma source(%arg11 : memref<128x128xf32, #tpu.memory_space<vmem>>) target(%dma_start3A_57 : memref<10240x128xf32, #tpu.memory_space<vmem_shared>>) offsets(%dma_start3A_54 : memref<128xi32, #tpu.memory_space<vmem>>) semaphore(%run_scoped3A : memref<!tpu.dma_semaphore, #tpu.memory_space<semaphore_mem>>) {add = true}
          %dma_wait3A_58 = arith.constant 0 : i32
          %dma_wait3A_59 = tpu.memref_slice %arg10[%scan3A_41, %dma_wait3A_58] : memref<79x128xi32, #tpu.memory_space<vmem>> -> memref<1x128xi32, #tpu.memory_space<vmem>>
          %dma_wait3A_60 = tpu.memref_squeeze %dma_wait3A_59 : memref<1x128xi32, #tpu.memory_space<vmem>> -> memref<128xi32, #tpu.memory_space<vmem>>
          %dma_wait3A_61 = arith.constant 0 : i32
          %dma_wait3A_62 = arith.constant 0 : i32
          %dma_wait3A_63 = tpu.memref_slice %arg12[%dma_wait3A_61, %dma_wait3A_62] : memref<10240x128xf32, #tpu.memory_space<vmem_shared>> -> memref<10240x128xf32, #tpu.memory_space<vmem_shared>>
          tpu.wait_indirect_dma semaphore(%run_scoped3A : memref<!tpu.dma_semaphore, #tpu.memory_space<semaphore_mem>>) src(%arg11 : memref<128x128xf32, #tpu.memory_space<vmem>>) dst(%dma_wait3A_63 : memref<10240x128xf32, #tpu.memory_space<vmem_shared>>)
          tpu.yield
        }) : () -> ()
      }
      %scan3A_40 = arith.constant 79 : i32
    } else {
    }
    %barrier3A_25 = arith.constant 0 : index
    tpu.barrier barrier_id(%barrier3A_25)
    %eq3A_26 = arith.constant 0 : i32
    %eq3A_27 = arith.cmpi eq, %arg0, %eq3A_26 : i32
    %convert_element_type3A_28 = arith.extui %eq3A_27 : i1 to i32
    %cond3A_29 = arith.constant 0 : i32
    %cond3A_30 = arith.cmpi ne, %convert_element_type3A_28, %cond3A_29 : i32
    scf.if %cond3A_30 {
      %mul3A_36 = arith.constant 640 : i32
      %mul3A_37 = arith.muli %arg1, %mul3A_36 : i32
      %mul3A_38 = arith.constant 640 : i32
      %mul3A_39 = arith.muli %arg1, %mul3A_38 : i32
      "tpu.region"() ({
        %run_scoped3A = tpu.sem_alloc : memref<!tpu.dma_semaphore, #tpu.memory_space<semaphore_mem>>
        %dma_start3A = arith.constant 0 : i32
        %dma_start3A_40 = tpu.memref_slice %arg7[%mul3A_39, %dma_start3A] : memref<10240x128xf32, #tpu.memory_space<hbm>> -> memref<640x128xf32, #tpu.memory_space<hbm>>
        %dma_start3A_41 = arith.constant 0 : i32
        %dma_start3A_42 = tpu.memref_slice %arg12[%mul3A_37, %dma_start3A_41] : memref<10240x128xf32, #tpu.memory_space<vmem_shared>> -> memref<640x128xf32, #tpu.memory_space<vmem_shared>>
        tpu.enqueue_dma source(%dma_start3A_42 : memref<640x128xf32, #tpu.memory_space<vmem_shared>>) target(%dma_start3A_40 : memref<640x128xf32, #tpu.memory_space<hbm>>) target_semaphore(%run_scoped3A : memref<!tpu.dma_semaphore, #tpu.memory_space<semaphore_mem>>)
        %dma_wait3A = arith.constant 0 : i32
        %dma_wait3A_43 = tpu.memref_slice %arg7[%mul3A_39, %dma_wait3A] : memref<10240x128xf32, #tpu.memory_space<hbm>> -> memref<640x128xf32, #tpu.memory_space<hbm>>
        %dma_wait3A_44 = arith.constant 0 : i32
        %dma_wait3A_45 = tpu.memref_slice %arg12[%mul3A_37, %dma_wait3A_44] : memref<10240x128xf32, #tpu.memory_space<vmem_shared>> -> memref<640x128xf32, #tpu.memory_space<vmem_shared>>
        tpu.wait_dma2 semaphore(%run_scoped3A : memref<!tpu.dma_semaphore, #tpu.memory_space<semaphore_mem>>) src(%dma_wait3A_45 : memref<640x128xf32, #tpu.memory_space<vmem_shared>>) dst(%dma_wait3A_43 : memref<640x128xf32, #tpu.memory_space<hbm>>)
        tpu.yield
      }) : () -> ()
    } else {
    }
    %eq3A_31 = arith.constant 1 : i32
    %eq3A_32 = arith.cmpi eq, %arg0, %eq3A_31 : i32
    %convert_element_type3A_33 = arith.extui %eq3A_32 : i1 to i32
    %cond3A_34 = arith.constant 0 : i32
    %cond3A_35 = arith.cmpi ne, %convert_element_type3A_33, %cond3A_34 : i32
    scf.if %cond3A_35 {
      %mul3A_36 = arith.constant 640 : i32
      %mul3A_37 = arith.muli %arg1, %mul3A_36 : i32
      %mul3A_38 = arith.constant 640 : i32
      %mul3A_39 = arith.muli %arg1, %mul3A_38 : i32
      "tpu.region"() ({
        %run_scoped3A = tpu.sem_alloc : memref<!tpu.dma_semaphore, #tpu.memory_space<semaphore_mem>>
        %dma_start3A = arith.constant 0 : i32
        %dma_start3A_40 = tpu.memref_slice %arg8[%mul3A_39, %dma_start3A] : memref<10240x128xf32, #tpu.memory_space<hbm>> -> memref<640x128xf32, #tpu.memory_space<hbm>>
        %dma_start3A_41 = arith.constant 0 : i32
        %dma_start3A_42 = tpu.memref_slice %arg12[%mul3A_37, %dma_start3A_41] : memref<10240x128xf32, #tpu.memory_space<vmem_shared>> -> memref<640x128xf32, #tpu.memory_space<vmem_shared>>
        tpu.enqueue_dma source(%dma_start3A_42 : memref<640x128xf32, #tpu.memory_space<vmem_shared>>) target(%dma_start3A_40 : memref<640x128xf32, #tpu.memory_space<hbm>>) target_semaphore(%run_scoped3A : memref<!tpu.dma_semaphore, #tpu.memory_space<semaphore_mem>>)
        %dma_wait3A = arith.constant 0 : i32
        %dma_wait3A_43 = tpu.memref_slice %arg8[%mul3A_39, %dma_wait3A] : memref<10240x128xf32, #tpu.memory_space<hbm>> -> memref<640x128xf32, #tpu.memory_space<hbm>>
        %dma_wait3A_44 = arith.constant 0 : i32
        %dma_wait3A_45 = tpu.memref_slice %arg12[%mul3A_37, %dma_wait3A_44] : memref<10240x128xf32, #tpu.memory_space<vmem_shared>> -> memref<640x128xf32, #tpu.memory_space<vmem_shared>>
        tpu.wait_dma2 semaphore(%run_scoped3A : memref<!tpu.dma_semaphore, #tpu.memory_space<semaphore_mem>>) src(%dma_wait3A_45 : memref<640x128xf32, #tpu.memory_space<vmem_shared>>) dst(%dma_wait3A_43 : memref<640x128xf32, #tpu.memory_space<hbm>>)
        tpu.yield
      }) : () -> ()
    } else {
    }
    return
  }
}

#map = affine_map<(d0, d1) -> (0, 0)>
#map1 = affine_map<(d0, d1) -> (0, 0, 0)>
module attributes {stable_mosaic.version = 14 : i64} {
  func.func @kern(%arg0: i32, %arg1: i32, %arg2: memref<10000x256xf32, #tpu.memory_space<hbm>>, %arg3: memref<32x5x128xi32, #tpu.memory_space<hbm>>, %arg4: memref<20480x256xf32, #tpu.memory_space<hbm>>, %arg5: memref<5x128xi32, #tpu.memory_space<vmem>>, %arg6: memref<128x256xf32, #tpu.memory_space<vmem>>, %arg7: memref<!tpu.dma_semaphore, #tpu.memory_space<semaphore_mem>>) attributes {dimension_semantics = [#tpu.dimension_semantics<core_parallel>, #tpu.dimension_semantics<subcore_parallel>], iteration_bounds = array<i64: 2, 16>, scalar_prefetch = 0 : i64, scratch_operands = 3 : i64, tpu.core_type = #tpu.core_type<sc_vector_subcore>, window_params = [{transform_indices = #map}, {transform_indices = #map1}, {transform_indices = #map}]} {
    %mul3A = arith.constant 2 : i32
    %mul3A_0 = arith.muli %arg1, %mul3A : i32
    %add3A = arith.addi %mul3A_0, %arg0 : i32
    "tpu.region"() ({
      %run_scoped3A = tpu.sem_alloc : memref<!tpu.dma_semaphore, #tpu.memory_space<semaphore_mem>>
      %dma_start3A = arith.constant 0 : i32
      %dma_start3A_6 = arith.constant 0 : i32
      %dma_start3A_7 = tpu.memref_slice %arg3[%add3A, %dma_start3A, %dma_start3A_6] : memref<32x5x128xi32, #tpu.memory_space<hbm>> -> memref<1x5x128xi32, #tpu.memory_space<hbm>>
      %dma_start3A_8 = tpu.memref_squeeze %dma_start3A_7 : memref<1x5x128xi32, #tpu.memory_space<hbm>> -> memref<5x128xi32, #tpu.memory_space<hbm>>
      %dma_start3A_9 = arith.constant 0 : i32
      %dma_start3A_10 = arith.constant 0 : i32
      %dma_start3A_11 = tpu.memref_slice %arg3[%add3A, %dma_start3A_9, %dma_start3A_10] : memref<32x5x128xi32, #tpu.memory_space<hbm>> -> memref<1x5x128xi32, #tpu.memory_space<hbm>>
      %dma_start3A_12 = tpu.memref_squeeze %dma_start3A_11 : memref<1x5x128xi32, #tpu.memory_space<hbm>> -> memref<5x128xi32, #tpu.memory_space<hbm>>
      tpu.enqueue_dma source(%dma_start3A_12 : memref<5x128xi32, #tpu.memory_space<hbm>>) target(%arg5 : memref<5x128xi32, #tpu.memory_space<vmem>>) target_semaphore(%run_scoped3A : memref<!tpu.dma_semaphore, #tpu.memory_space<semaphore_mem>>)
      %dma_wait3A = arith.constant 0 : i32
      %dma_wait3A_13 = arith.constant 0 : i32
      %dma_wait3A_14 = tpu.memref_slice %arg3[%add3A, %dma_wait3A, %dma_wait3A_13] : memref<32x5x128xi32, #tpu.memory_space<hbm>> -> memref<1x5x128xi32, #tpu.memory_space<hbm>>
      %dma_wait3A_15 = tpu.memref_squeeze %dma_wait3A_14 : memref<1x5x128xi32, #tpu.memory_space<hbm>> -> memref<5x128xi32, #tpu.memory_space<hbm>>
      %dma_wait3A_16 = arith.constant 0 : i32
      %dma_wait3A_17 = arith.constant 0 : i32
      %dma_wait3A_18 = tpu.memref_slice %arg3[%add3A, %dma_wait3A_16, %dma_wait3A_17] : memref<32x5x128xi32, #tpu.memory_space<hbm>> -> memref<1x5x128xi32, #tpu.memory_space<hbm>>
      %dma_wait3A_19 = tpu.memref_squeeze %dma_wait3A_18 : memref<1x5x128xi32, #tpu.memory_space<hbm>> -> memref<5x128xi32, #tpu.memory_space<hbm>>
      tpu.wait_dma2 semaphore(%run_scoped3A : memref<!tpu.dma_semaphore, #tpu.memory_space<semaphore_mem>>) src(%dma_wait3A_19 : memref<5x128xi32, #tpu.memory_space<hbm>>) dst(%arg5 : memref<5x128xi32, #tpu.memory_space<vmem>>)
      tpu.yield
    }) : () -> ()
    %scan3A = arith.constant 0 : i32
    %scan3A_1 = arith.constant 0 : i32
    %scan3A_2 = arith.constant 5 : i32
    %scan3A_3 = arith.addi %scan3A_1, %scan3A_2 : i32
    %scan3A_4 = arith.constant 1 : i32
    scf.for %scan3A_6 = %scan3A_1 to %scan3A_3 step %scan3A_4  : i32 {
      %dma_start3A = arith.constant 0 : i32
      %dma_start3A_7 = tpu.memref_slice %arg5[%scan3A_6, %dma_start3A] : memref<5x128xi32, #tpu.memory_space<vmem>> -> memref<1x128xi32, #tpu.memory_space<vmem>>
      %dma_start3A_8 = tpu.memref_squeeze %dma_start3A_7 : memref<1x128xi32, #tpu.memory_space<vmem>> -> memref<128xi32, #tpu.memory_space<vmem>>
      %dma_start3A_9 = arith.constant 0 : i32
      %dma_start3A_10 = arith.constant 0 : i32
      %dma_start3A_11 = tpu.memref_slice %arg2[%dma_start3A_9, %dma_start3A_10] : memref<10000x256xf32, #tpu.memory_space<hbm>> -> memref<10000x256xf32, #tpu.memory_space<hbm>>
      tpu.enqueue_indirect_dma source(%dma_start3A_11 : memref<10000x256xf32, #tpu.memory_space<hbm>>) target(%arg6 : memref<128x256xf32, #tpu.memory_space<vmem>>) offsets(%dma_start3A_8 : memref<128xi32, #tpu.memory_space<vmem>>) semaphore(%arg7 : memref<!tpu.dma_semaphore, #tpu.memory_space<semaphore_mem>>)
      %dma_wait3A = arith.constant 0 : i32
      %dma_wait3A_12 = tpu.memref_slice %arg5[%scan3A_6, %dma_wait3A] : memref<5x128xi32, #tpu.memory_space<vmem>> -> memref<1x128xi32, #tpu.memory_space<vmem>>
      %dma_wait3A_13 = tpu.memref_squeeze %dma_wait3A_12 : memref<1x128xi32, #tpu.memory_space<vmem>> -> memref<128xi32, #tpu.memory_space<vmem>>
      %dma_wait3A_14 = arith.constant 0 : i32
      %dma_wait3A_15 = arith.constant 0 : i32
      %dma_wait3A_16 = tpu.memref_slice %arg2[%dma_wait3A_14, %dma_wait3A_15] : memref<10000x256xf32, #tpu.memory_space<hbm>> -> memref<10000x256xf32, #tpu.memory_space<hbm>>
      tpu.wait_indirect_dma semaphore(%arg7 : memref<!tpu.dma_semaphore, #tpu.memory_space<semaphore_mem>>) src(%dma_wait3A_16 : memref<10000x256xf32, #tpu.memory_space<hbm>>) dst(%arg6 : memref<128x256xf32, #tpu.memory_space<vmem>>)
      %mul3A_17 = arith.constant 5 : i32
      %mul3A_18 = arith.muli %add3A, %mul3A_17 : i32
      %add3A_19 = arith.addi %mul3A_18, %scan3A_6 : i32
      %mul3A_20 = arith.constant 128 : i32
      %mul3A_21 = arith.muli %add3A_19, %mul3A_20 : i32
      "tpu.region"() ({
        %run_scoped3A = tpu.sem_alloc : memref<!tpu.dma_semaphore, #tpu.memory_space<semaphore_mem>>
        %dma_start3A_22 = arith.constant 0 : i32
        %dma_start3A_23 = tpu.memref_slice %arg4[%mul3A_21, %dma_start3A_22] : memref<20480x256xf32, #tpu.memory_space<hbm>> -> memref<128x256xf32, #tpu.memory_space<hbm>>
        %dma_start3A_24 = arith.constant 0 : i32
        %dma_start3A_25 = tpu.memref_slice %arg4[%mul3A_21, %dma_start3A_24] : memref<20480x256xf32, #tpu.memory_space<hbm>> -> memref<128x256xf32, #tpu.memory_space<hbm>>
        tpu.enqueue_dma source(%arg6 : memref<128x256xf32, #tpu.memory_space<vmem>>) target(%dma_start3A_25 : memref<128x256xf32, #tpu.memory_space<hbm>>) target_semaphore(%run_scoped3A : memref<!tpu.dma_semaphore, #tpu.memory_space<semaphore_mem>>)
        %dma_wait3A_26 = arith.constant 0 : i32
        %dma_wait3A_27 = tpu.memref_slice %arg4[%mul3A_21, %dma_wait3A_26] : memref<20480x256xf32, #tpu.memory_space<hbm>> -> memref<128x256xf32, #tpu.memory_space<hbm>>
        %dma_wait3A_28 = arith.constant 0 : i32
        %dma_wait3A_29 = tpu.memref_slice %arg4[%mul3A_21, %dma_wait3A_28] : memref<20480x256xf32, #tpu.memory_space<hbm>> -> memref<128x256xf32, #tpu.memory_space<hbm>>
        tpu.wait_dma2 semaphore(%run_scoped3A : memref<!tpu.dma_semaphore, #tpu.memory_space<semaphore_mem>>) src(%arg6 : memref<128x256xf32, #tpu.memory_space<vmem>>) dst(%dma_wait3A_29 : memref<128x256xf32, #tpu.memory_space<hbm>>)
        tpu.yield
      }) : () -> ()
    }
    %scan3A_5 = arith.constant 5 : i32
    return
  }
}

#map = affine_map<(d0, d1) -> (0, 0)>
#map1 = affine_map<(d0, d1) -> (0, 0, 0)>
module attributes {stable_mosaic.version = 14 : i64} {
  func.func @kern(%arg0: i32, %arg1: i32, %arg2: memref<10000x128xf32, #tpu.memory_space<hbm>>, %arg3: memref<10000x128xf32, #tpu.memory_space<hbm>>, %arg4: memref<16x79x128xi32, #tpu.memory_space<hbm>>, %arg5: memref<16x79x128xi32, #tpu.memory_space<hbm>>, %arg6: memref<128x128xf32, #tpu.memory_space<hbm>>, %arg7: memref<10240x128xf32, #tpu.memory_space<hbm>>, %arg8: memref<10240x128xf32, #tpu.memory_space<hbm>>, %arg9: memref<79x128xi32, #tpu.memory_space<vmem>>, %arg10: memref<79x128xi32, #tpu.memory_space<vmem>>, %arg11: memref<128x128xf32, #tpu.memory_space<vmem>>, %arg12: memref<10240x128xf32, #tpu.memory_space<vmem_shared>>, %arg13: memref<!tpu.dma_semaphore, #tpu.memory_space<semaphore_mem>>) attributes {dimension_semantics = [#tpu.dimension_semantics<core_parallel>, #tpu.dimension_semantics<subcore_parallel>], iteration_bounds = array<i64: 2, 16>, scalar_prefetch = 0 : i64, scratch_operands = 5 : i64, tpu.core_type = #tpu.core_type<sc_vector_subcore>, window_params = [{transform_indices = #map}, {transform_indices = #map}, {transform_indices = #map1}, {transform_indices = #map1}, {transform_indices = #map}, {transform_indices = #map}, {transform_indices = #map}]} {
    "tpu.region"() ({
      %run_scoped3A = tpu.sem_alloc : memref<!tpu.dma_semaphore, #tpu.memory_space<semaphore_mem>>
      tpu.enqueue_dma source(%arg6 : memref<128x128xf32, #tpu.memory_space<hbm>>) target(%arg11 : memref<128x128xf32, #tpu.memory_space<vmem>>) target_semaphore(%run_scoped3A : memref<!tpu.dma_semaphore, #tpu.memory_space<semaphore_mem>>)
      tpu.wait_dma2 semaphore(%run_scoped3A : memref<!tpu.dma_semaphore, #tpu.memory_space<semaphore_mem>>) src(%arg6 : memref<128x128xf32, #tpu.memory_space<hbm>>) dst(%arg11 : memref<128x128xf32, #tpu.memory_space<vmem>>)
      tpu.yield
    }) : () -> ()
    %mul3A = arith.constant 640 : i32
    %mul3A_0 = arith.muli %arg1, %mul3A : i32
    %add3A = arith.constant 0 : i32
    %add3A_1 = arith.addi %mul3A_0, %add3A : i32
    "tpu.region"() ({
      %run_scoped3A = tpu.sem_alloc : memref<!tpu.dma_semaphore, #tpu.memory_space<semaphore_mem>>
      %dma_start3A = arith.constant 0 : i32
      %dma_start3A_36 = tpu.memref_slice %arg12[%add3A_1, %dma_start3A] : memref<10240x128xf32, #tpu.memory_space<vmem_shared>> -> memref<128x128xf32, #tpu.memory_space<vmem_shared>>
      %dma_start3A_37 = arith.constant 0 : i32
      %dma_start3A_38 = tpu.memref_slice %arg12[%add3A_1, %dma_start3A_37] : memref<10240x128xf32, #tpu.memory_space<vmem_shared>> -> memref<128x128xf32, #tpu.memory_space<vmem_shared>>
      tpu.enqueue_dma source(%arg11 : memref<128x128xf32, #tpu.memory_space<vmem>>) target(%dma_start3A_38 : memref<128x128xf32, #tpu.memory_space<vmem_shared>>) target_semaphore(%run_scoped3A : memref<!tpu.dma_semaphore, #tpu.memory_space<semaphore_mem>>)
      %dma_wait3A = arith.constant 0 : i32
      %dma_wait3A_39 = tpu.memref_slice %arg12[%add3A_1, %dma_wait3A] : memref<10240x128xf32, #tpu.memory_space<vmem_shared>> -> memref<128x128xf32, #tpu.memory_space<vmem_shared>>
      %dma_wait3A_40 = arith.constant 0 : i32
      %dma_wait3A_41 = tpu.memref_slice %arg12[%add3A_1, %dma_wait3A_40] : memref<10240x128xf32, #tpu.memory_space<vmem_shared>> -> memref<128x128xf32, #tpu.memory_space<vmem_shared>>
      tpu.wait_dma2 semaphore(%run_scoped3A : memref<!tpu.dma_semaphore, #tpu.memory_space<semaphore_mem>>) src(%arg11 : memref<128x128xf32, #tpu.memory_space<vmem>>) dst(%dma_wait3A_41 : memref<128x128xf32, #tpu.memory_space<vmem_shared>>)
      tpu.yield
    }) : () -> ()
    %mul3A_2 = arith.constant 640 : i32
    %mul3A_3 = arith.muli %arg1, %mul3A_2 : i32
    %add3A_4 = arith.constant 128 : i32
    %add3A_5 = arith.addi %mul3A_3, %add3A_4 : i32
    "tpu.region"() ({
      %run_scoped3A = tpu.sem_alloc : memref<!tpu.dma_semaphore, #tpu.memory_space<semaphore_mem>>
      %dma_start3A = arith.constant 0 : i32
      %dma_start3A_36 = tpu.memref_slice %arg12[%add3A_5, %dma_start3A] : memref<10240x128xf32, #tpu.memory_space<vmem_shared>> -> memref<128x128xf32, #tpu.memory_space<vmem_shared>>
      %dma_start3A_37 = arith.constant 0 : i32
      %dma_start3A_38 = tpu.memref_slice %arg12[%add3A_5, %dma_start3A_37] : memref<10240x128xf32, #tpu.memory_space<vmem_shared>> -> memref<128x128xf32, #tpu.memory_space<vmem_shared>>
      tpu.enqueue_dma source(%arg11 : memref<128x128xf32, #tpu.memory_space<vmem>>) target(%dma_start3A_38 : memref<128x128xf32, #tpu.memory_space<vmem_shared>>) target_semaphore(%run_scoped3A : memref<!tpu.dma_semaphore, #tpu.memory_space<semaphore_mem>>)
      %dma_wait3A = arith.constant 0 : i32
      %dma_wait3A_39 = tpu.memref_slice %arg12[%add3A_5, %dma_wait3A] : memref<10240x128xf32, #tpu.memory_space<vmem_shared>> -> memref<128x128xf32, #tpu.memory_space<vmem_shared>>
      %dma_wait3A_40 = arith.constant 0 : i32
      %dma_wait3A_41 = tpu.memref_slice %arg12[%add3A_5, %dma_wait3A_40] : memref<10240x128xf32, #tpu.memory_space<vmem_shared>> -> memref<128x128xf32, #tpu.memory_space<vmem_shared>>
      tpu.wait_dma2 semaphore(%run_scoped3A : memref<!tpu.dma_semaphore, #tpu.memory_space<semaphore_mem>>) src(%arg11 : memref<128x128xf32, #tpu.memory_space<vmem>>) dst(%dma_wait3A_41 : memref<128x128xf32, #tpu.memory_space<vmem_shared>>)
      tpu.yield
    }) : () -> ()
    %mul3A_6 = arith.constant 640 : i32
    %mul3A_7 = arith.muli %arg1, %mul3A_6 : i32
    %add3A_8 = arith.constant 256 : i32
    %add3A_9 = arith.addi %mul3A_7, %add3A_8 : i32
    "tpu.region"() ({
      %run_scoped3A = tpu.sem_alloc : memref<!tpu.dma_semaphore, #tpu.memory_space<semaphore_mem>>
      %dma_start3A = arith.constant 0 : i32
      %dma_start3A_36 = tpu.memref_slice %arg12[%add3A_9, %dma_start3A] : memref<10240x128xf32, #tpu.memory_space<vmem_shared>> -> memref<128x128xf32, #tpu.memory_space<vmem_shared>>
      %dma_start3A_37 = arith.constant 0 : i32
      %dma_start3A_38 = tpu.memref_slice %arg12[%add3A_9, %dma_start3A_37] : memref<10240x128xf32, #tpu.memory_space<vmem_shared>> -> memref<128x128xf32, #tpu.memory_space<vmem_shared>>
      tpu.enqueue_dma source(%arg11 : memref<128x128xf32, #tpu.memory_space<vmem>>) target(%dma_start3A_38 : memref<128x128xf32, #tpu.memory_space<vmem_shared>>) target_semaphore(%run_scoped3A : memref<!tpu.dma_semaphore, #tpu.memory_space<semaphore_mem>>)
      %dma_wait3A = arith.constant 0 : i32
      %dma_wait3A_39 = tpu.memref_slice %arg12[%add3A_9, %dma_wait3A] : memref<10240x128xf32, #tpu.memory_space<vmem_shared>> -> memref<128x128xf32, #tpu.memory_space<vmem_shared>>
      %dma_wait3A_40 = arith.constant 0 : i32
      %dma_wait3A_41 = tpu.memref_slice %arg12[%add3A_9, %dma_wait3A_40] : memref<10240x128xf32, #tpu.memory_space<vmem_shared>> -> memref<128x128xf32, #tpu.memory_space<vmem_shared>>
      tpu.wait_dma2 semaphore(%run_scoped3A : memref<!tpu.dma_semaphore, #tpu.memory_space<semaphore_mem>>) src(%arg11 : memref<128x128xf32, #tpu.memory_space<vmem>>) dst(%dma_wait3A_41 : memref<128x128xf32, #tpu.memory_space<vmem_shared>>)
      tpu.yield
    }) : () -> ()
    %mul3A_10 = arith.constant 640 : i32
    %mul3A_11 = arith.muli %arg1, %mul3A_10 : i32
    %add3A_12 = arith.constant 384 : i32
    %add3A_13 = arith.addi %mul3A_11, %add3A_12 : i32
    "tpu.region"() ({
      %run_scoped3A = tpu.sem_alloc : memref<!tpu.dma_semaphore, #tpu.memory_space<semaphore_mem>>
      %dma_start3A = arith.constant 0 : i32
      %dma_start3A_36 = tpu.memref_slice %arg12[%add3A_13, %dma_start3A] : memref<10240x128xf32, #tpu.memory_space<vmem_shared>> -> memref<128x128xf32, #tpu.memory_space<vmem_shared>>
      %dma_start3A_37 = arith.constant 0 : i32
      %dma_start3A_38 = tpu.memref_slice %arg12[%add3A_13, %dma_start3A_37] : memref<10240x128xf32, #tpu.memory_space<vmem_shared>> -> memref<128x128xf32, #tpu.memory_space<vmem_shared>>
      tpu.enqueue_dma source(%arg11 : memref<128x128xf32, #tpu.memory_space<vmem>>) target(%dma_start3A_38 : memref<128x128xf32, #tpu.memory_space<vmem_shared>>) target_semaphore(%run_scoped3A : memref<!tpu.dma_semaphore, #tpu.memory_space<semaphore_mem>>)
      %dma_wait3A = arith.constant 0 : i32
      %dma_wait3A_39 = tpu.memref_slice %arg12[%add3A_13, %dma_wait3A] : memref<10240x128xf32, #tpu.memory_space<vmem_shared>> -> memref<128x128xf32, #tpu.memory_space<vmem_shared>>
      %dma_wait3A_40 = arith.constant 0 : i32
      %dma_wait3A_41 = tpu.memref_slice %arg12[%add3A_13, %dma_wait3A_40] : memref<10240x128xf32, #tpu.memory_space<vmem_shared>> -> memref<128x128xf32, #tpu.memory_space<vmem_shared>>
      tpu.wait_dma2 semaphore(%run_scoped3A : memref<!tpu.dma_semaphore, #tpu.memory_space<semaphore_mem>>) src(%arg11 : memref<128x128xf32, #tpu.memory_space<vmem>>) dst(%dma_wait3A_41 : memref<128x128xf32, #tpu.memory_space<vmem_shared>>)
      tpu.yield
    }) : () -> ()
    %mul3A_14 = arith.constant 640 : i32
    %mul3A_15 = arith.muli %arg1, %mul3A_14 : i32
    %add3A_16 = arith.constant 512 : i32
    %add3A_17 = arith.addi %mul3A_15, %add3A_16 : i32
    "tpu.region"() ({
      %run_scoped3A = tpu.sem_alloc : memref<!tpu.dma_semaphore, #tpu.memory_space<semaphore_mem>>
      %dma_start3A = arith.constant 0 : i32
      %dma_start3A_36 = tpu.memref_slice %arg12[%add3A_17, %dma_start3A] : memref<10240x128xf32, #tpu.memory_space<vmem_shared>> -> memref<128x128xf32, #tpu.memory_space<vmem_shared>>
      %dma_start3A_37 = arith.constant 0 : i32
      %dma_start3A_38 = tpu.memref_slice %arg12[%add3A_17, %dma_start3A_37] : memref<10240x128xf32, #tpu.memory_space<vmem_shared>> -> memref<128x128xf32, #tpu.memory_space<vmem_shared>>
      tpu.enqueue_dma source(%arg11 : memref<128x128xf32, #tpu.memory_space<vmem>>) target(%dma_start3A_38 : memref<128x128xf32, #tpu.memory_space<vmem_shared>>) target_semaphore(%run_scoped3A : memref<!tpu.dma_semaphore, #tpu.memory_space<semaphore_mem>>)
      %dma_wait3A = arith.constant 0 : i32
      %dma_wait3A_39 = tpu.memref_slice %arg12[%add3A_17, %dma_wait3A] : memref<10240x128xf32, #tpu.memory_space<vmem_shared>> -> memref<128x128xf32, #tpu.memory_space<vmem_shared>>
      %dma_wait3A_40 = arith.constant 0 : i32
      %dma_wait3A_41 = tpu.memref_slice %arg12[%add3A_17, %dma_wait3A_40] : memref<10240x128xf32, #tpu.memory_space<vmem_shared>> -> memref<128x128xf32, #tpu.memory_space<vmem_shared>>
      tpu.wait_dma2 semaphore(%run_scoped3A : memref<!tpu.dma_semaphore, #tpu.memory_space<semaphore_mem>>) src(%arg11 : memref<128x128xf32, #tpu.memory_space<vmem>>) dst(%dma_wait3A_41 : memref<128x128xf32, #tpu.memory_space<vmem_shared>>)
      tpu.yield
    }) : () -> ()
    "tpu.region"() ({
      %run_scoped3A = tpu.sem_alloc : memref<!tpu.dma_semaphore, #tpu.memory_space<semaphore_mem>>
      %dma_start3A = arith.constant 0 : i32
      %dma_start3A_36 = arith.constant 0 : i32
      %dma_start3A_37 = tpu.memref_slice %arg4[%arg1, %dma_start3A, %dma_start3A_36] : memref<16x79x128xi32, #tpu.memory_space<hbm>> -> memref<1x79x128xi32, #tpu.memory_space<hbm>>
      %dma_start3A_38 = tpu.memref_squeeze %dma_start3A_37 : memref<1x79x128xi32, #tpu.memory_space<hbm>> -> memref<79x128xi32, #tpu.memory_space<hbm>>
      %dma_start3A_39 = arith.constant 0 : i32
      %dma_start3A_40 = arith.constant 0 : i32
      %dma_start3A_41 = tpu.memref_slice %arg4[%arg1, %dma_start3A_39, %dma_start3A_40] : memref<16x79x128xi32, #tpu.memory_space<hbm>> -> memref<1x79x128xi32, #tpu.memory_space<hbm>>
      %dma_start3A_42 = tpu.memref_squeeze %dma_start3A_41 : memref<1x79x128xi32, #tpu.memory_space<hbm>> -> memref<79x128xi32, #tpu.memory_space<hbm>>
      tpu.enqueue_dma source(%dma_start3A_42 : memref<79x128xi32, #tpu.memory_space<hbm>>) target(%arg9 : memref<79x128xi32, #tpu.memory_space<vmem>>) target_semaphore(%run_scoped3A : memref<!tpu.dma_semaphore, #tpu.memory_space<semaphore_mem>>)
      %dma_wait3A = arith.constant 0 : i32
      %dma_wait3A_43 = arith.constant 0 : i32
      %dma_wait3A_44 = tpu.memref_slice %arg4[%arg1, %dma_wait3A, %dma_wait3A_43] : memref<16x79x128xi32, #tpu.memory_space<hbm>> -> memref<1x79x128xi32, #tpu.memory_space<hbm>>
      %dma_wait3A_45 = tpu.memref_squeeze %dma_wait3A_44 : memref<1x79x128xi32, #tpu.memory_space<hbm>> -> memref<79x128xi32, #tpu.memory_space<hbm>>
      %dma_wait3A_46 = arith.constant 0 : i32
      %dma_wait3A_47 = arith.constant 0 : i32
      %dma_wait3A_48 = tpu.memref_slice %arg4[%arg1, %dma_wait3A_46, %dma_wait3A_47] : memref<16x79x128xi32, #tpu.memory_space<hbm>> -> memref<1x79x128xi32, #tpu.memory_space<hbm>>
      %dma_wait3A_49 = tpu.memref_squeeze %dma_wait3A_48 : memref<1x79x128xi32, #tpu.memory_space<hbm>> -> memref<79x128xi32, #tpu.memory_space<hbm>>
      tpu.wait_dma2 semaphore(%run_scoped3A : memref<!tpu.dma_semaphore, #tpu.memory_space<semaphore_mem>>) src(%dma_wait3A_49 : memref<79x128xi32, #tpu.memory_space<hbm>>) dst(%arg9 : memref<79x128xi32, #tpu.memory_space<vmem>>)
      tpu.yield
    }) : () -> ()
    "tpu.region"() ({
      %run_scoped3A = tpu.sem_alloc : memref<!tpu.dma_semaphore, #tpu.memory_space<semaphore_mem>>
      %dma_start3A = arith.constant 0 : i32
      %dma_start3A_36 = arith.constant 0 : i32
      %dma_start3A_37 = tpu.memref_slice %arg5[%arg1, %dma_start3A, %dma_start3A_36] : memref<16x79x128xi32, #tpu.memory_space<hbm>> -> memref<1x79x128xi32, #tpu.memory_space<hbm>>
      %dma_start3A_38 = tpu.memref_squeeze %dma_start3A_37 : memref<1x79x128xi32, #tpu.memory_space<hbm>> -> memref<79x128xi32, #tpu.memory_space<hbm>>
      %dma_start3A_39 = arith.constant 0 : i32
      %dma_start3A_40 = arith.constant 0 : i32
      %dma_start3A_41 = tpu.memref_slice %arg5[%arg1, %dma_start3A_39, %dma_start3A_40] : memref<16x79x128xi32, #tpu.memory_space<hbm>> -> memref<1x79x128xi32, #tpu.memory_space<hbm>>
      %dma_start3A_42 = tpu.memref_squeeze %dma_start3A_41 : memref<1x79x128xi32, #tpu.memory_space<hbm>> -> memref<79x128xi32, #tpu.memory_space<hbm>>
      tpu.enqueue_dma source(%dma_start3A_42 : memref<79x128xi32, #tpu.memory_space<hbm>>) target(%arg10 : memref<79x128xi32, #tpu.memory_space<vmem>>) target_semaphore(%run_scoped3A : memref<!tpu.dma_semaphore, #tpu.memory_space<semaphore_mem>>)
      %dma_wait3A = arith.constant 0 : i32
      %dma_wait3A_43 = arith.constant 0 : i32
      %dma_wait3A_44 = tpu.memref_slice %arg5[%arg1, %dma_wait3A, %dma_wait3A_43] : memref<16x79x128xi32, #tpu.memory_space<hbm>> -> memref<1x79x128xi32, #tpu.memory_space<hbm>>
      %dma_wait3A_45 = tpu.memref_squeeze %dma_wait3A_44 : memref<1x79x128xi32, #tpu.memory_space<hbm>> -> memref<79x128xi32, #tpu.memory_space<hbm>>
      %dma_wait3A_46 = arith.constant 0 : i32
      %dma_wait3A_47 = arith.constant 0 : i32
      %dma_wait3A_48 = tpu.memref_slice %arg5[%arg1, %dma_wait3A_46, %dma_wait3A_47] : memref<16x79x128xi32, #tpu.memory_space<hbm>> -> memref<1x79x128xi32, #tpu.memory_space<hbm>>
      %dma_wait3A_49 = tpu.memref_squeeze %dma_wait3A_48 : memref<1x79x128xi32, #tpu.memory_space<hbm>> -> memref<79x128xi32, #tpu.memory_space<hbm>>
      tpu.wait_dma2 semaphore(%run_scoped3A : memref<!tpu.dma_semaphore, #tpu.memory_space<semaphore_mem>>) src(%dma_wait3A_49 : memref<79x128xi32, #tpu.memory_space<hbm>>) dst(%arg10 : memref<79x128xi32, #tpu.memory_space<vmem>>)
      tpu.yield
    }) : () -> ()
    %barrier3A = arith.constant 0 : index
    tpu.barrier barrier_id(%barrier3A)
    %eq3A = arith.constant 0 : i32
    %eq3A_18 = arith.cmpi eq, %arg0, %eq3A : i32
    %convert_element_type3A = arith.extui %eq3A_18 : i1 to i32
    %cond3A = arith.constant 0 : i32
    %cond3A_19 = arith.cmpi ne, %convert_element_type3A, %cond3A : i32
    scf.if %cond3A_19 {
      %scan3A = arith.constant 0 : i32
      %scan3A_36 = arith.constant 0 : i32
      %scan3A_37 = arith.constant 79 : i32
      %scan3A_38 = arith.addi %scan3A_36, %scan3A_37 : i32
      %scan3A_39 = arith.constant 1 : i32
      scf.for %scan3A_41 = %scan3A_36 to %scan3A_38 step %scan3A_39  : i32 {
        %dma_start3A = arith.constant 0 : i32
        %dma_start3A_42 = tpu.memref_slice %arg9[%scan3A_41, %dma_start3A] : memref<79x128xi32, #tpu.memory_space<vmem>> -> memref<1x128xi32, #tpu.memory_space<vmem>>
        %dma_start3A_43 = tpu.memref_squeeze %dma_start3A_42 : memref<1x128xi32, #tpu.memory_space<vmem>> -> memref<128xi32, #tpu.memory_space<vmem>>
        %dma_start3A_44 = arith.constant 0 : i32
        %dma_start3A_45 = arith.constant 0 : i32
        %dma_start3A_46 = tpu.memref_slice %arg2[%dma_start3A_44, %dma_start3A_45] : memref<10000x128xf32, #tpu.memory_space<hbm>> -> memref<10000x128xf32, #tpu.memory_space<hbm>>
        tpu.enqueue_indirect_dma source(%dma_start3A_46 : memref<10000x128xf32, #tpu.memory_space<hbm>>) target(%arg11 : memref<128x128xf32, #tpu.memory_space<vmem>>) offsets(%dma_start3A_43 : memref<128xi32, #tpu.memory_space<vmem>>) semaphore(%arg13 : memref<!tpu.dma_semaphore, #tpu.memory_space<semaphore_mem>>)
        %dma_wait3A = arith.constant 0 : i32
        %dma_wait3A_47 = tpu.memref_slice %arg9[%scan3A_41, %dma_wait3A] : memref<79x128xi32, #tpu.memory_space<vmem>> -> memref<1x128xi32, #tpu.memory_space<vmem>>
        %dma_wait3A_48 = tpu.memref_squeeze %dma_wait3A_47 : memref<1x128xi32, #tpu.memory_space<vmem>> -> memref<128xi32, #tpu.memory_space<vmem>>
        %dma_wait3A_49 = arith.constant 0 : i32
        %dma_wait3A_50 = arith.constant 0 : i32
        %dma_wait3A_51 = tpu.memref_slice %arg2[%dma_wait3A_49, %dma_wait3A_50] : memref<10000x128xf32, #tpu.memory_space<hbm>> -> memref<10000x128xf32, #tpu.memory_space<hbm>>
        tpu.wait_indirect_dma semaphore(%arg13 : memref<!tpu.dma_semaphore, #tpu.memory_space<semaphore_mem>>) src(%dma_wait3A_51 : memref<10000x128xf32, #tpu.memory_space<hbm>>) dst(%arg11 : memref<128x128xf32, #tpu.memory_space<vmem>>)
        "tpu.region"() ({
          %run_scoped3A = tpu.sem_alloc : memref<!tpu.dma_semaphore, #tpu.memory_space<semaphore_mem>>
          %dma_start3A_52 = arith.constant 0 : i32
          %dma_start3A_53 = tpu.memref_slice %arg10[%scan3A_41, %dma_start3A_52] : memref<79x128xi32, #tpu.memory_space<vmem>> -> memref<1x128xi32, #tpu.memory_space<vmem>>
          %dma_start3A_54 = tpu.memref_squeeze %dma_start3A_53 : memref<1x128xi32, #tpu.memory_space<vmem>> -> memref<128xi32, #tpu.memory_space<vmem>>
          %dma_start3A_55 = arith.constant 0 : i32
          %dma_start3A_56 = arith.constant 0 : i32
          %dma_start3A_57 = tpu.memref_slice %arg12[%dma_start3A_55, %dma_start3A_56] : memref<10240x128xf32, #tpu.memory_space<vmem_shared>> -> memref<10240x128xf32, #tpu.memory_space<vmem_shared>>
          tpu.enqueue_indirect_dma source(%arg11 : memref<128x128xf32, #tpu.memory_space<vmem>>) target(%dma_start3A_57 : memref<10240x128xf32, #tpu.memory_space<vmem_shared>>) offsets(%dma_start3A_54 : memref<128xi32, #tpu.memory_space<vmem>>) semaphore(%run_scoped3A : memref<!tpu.dma_semaphore, #tpu.memory_space<semaphore_mem>>) {add = true}
          %dma_wait3A_58 = arith.constant 0 : i32
          %dma_wait3A_59 = tpu.memref_slice %arg10[%scan3A_41, %dma_wait3A_58] : memref<79x128xi32, #tpu.memory_space<vmem>> -> memref<1x128xi32, #tpu.memory_space<vmem>>
          %dma_wait3A_60 = tpu.memref_squeeze %dma_wait3A_59 : memref<1x128xi32, #tpu.memory_space<vmem>> -> memref<128xi32, #tpu.memory_space<vmem>>
          %dma_wait3A_61 = arith.constant 0 : i32
          %dma_wait3A_62 = arith.constant 0 : i32
          %dma_wait3A_63 = tpu.memref_slice %arg12[%dma_wait3A_61, %dma_wait3A_62] : memref<10240x128xf32, #tpu.memory_space<vmem_shared>> -> memref<10240x128xf32, #tpu.memory_space<vmem_shared>>
          tpu.wait_indirect_dma semaphore(%run_scoped3A : memref<!tpu.dma_semaphore, #tpu.memory_space<semaphore_mem>>) src(%arg11 : memref<128x128xf32, #tpu.memory_space<vmem>>) dst(%dma_wait3A_63 : memref<10240x128xf32, #tpu.memory_space<vmem_shared>>)
          tpu.yield
        }) : () -> ()
      }
      %scan3A_40 = arith.constant 79 : i32
    } else {
    }
    %eq3A_20 = arith.constant 1 : i32
    %eq3A_21 = arith.cmpi eq, %arg0, %eq3A_20 : i32
    %convert_element_type3A_22 = arith.extui %eq3A_21 : i1 to i32
    %cond3A_23 = arith.constant 0 : i32
    %cond3A_24 = arith.cmpi ne, %convert_element_type3A_22, %cond3A_23 : i32
    scf.if %cond3A_24 {
      %scan3A = arith.constant 0 : i32
      %scan3A_36 = arith.constant 0 : i32
      %scan3A_37 = arith.constant 79 : i32
      %scan3A_38 = arith.addi %scan3A_36, %scan3A_37 : i32
      %scan3A_39 = arith.constant 1 : i32
      scf.for %scan3A_41 = %scan3A_36 to %scan3A_38 step %scan3A_39  : i32 {
        %dma_start3A = arith.constant 0 : i32
        %dma_start3A_42 = tpu.memref_slice %arg9[%scan3A_41, %dma_start3A] : memref<79x128xi32, #tpu.memory_space<vmem>> -> memref<1x128xi32, #tpu.memory_space<vmem>>
        %dma_start3A_43 = tpu.memref_squeeze %dma_start3A_42 : memref<1x128xi32, #tpu.memory_space<vmem>> -> memref<128xi32, #tpu.memory_space<vmem>>
        %dma_start3A_44 = arith.constant 0 : i32
        %dma_start3A_45 = arith.constant 0 : i32
        %dma_start3A_46 = tpu.memref_slice %arg3[%dma_start3A_44, %dma_start3A_45] : memref<10000x128xf32, #tpu.memory_space<hbm>> -> memref<10000x128xf32, #tpu.memory_space<hbm>>
        tpu.enqueue_indirect_dma source(%dma_start3A_46 : memref<10000x128xf32, #tpu.memory_space<hbm>>) target(%arg11 : memref<128x128xf32, #tpu.memory_space<vmem>>) offsets(%dma_start3A_43 : memref<128xi32, #tpu.memory_space<vmem>>) semaphore(%arg13 : memref<!tpu.dma_semaphore, #tpu.memory_space<semaphore_mem>>)
        %dma_wait3A = arith.constant 0 : i32
        %dma_wait3A_47 = tpu.memref_slice %arg9[%scan3A_41, %dma_wait3A] : memref<79x128xi32, #tpu.memory_space<vmem>> -> memref<1x128xi32, #tpu.memory_space<vmem>>
        %dma_wait3A_48 = tpu.memref_squeeze %dma_wait3A_47 : memref<1x128xi32, #tpu.memory_space<vmem>> -> memref<128xi32, #tpu.memory_space<vmem>>
        %dma_wait3A_49 = arith.constant 0 : i32
        %dma_wait3A_50 = arith.constant 0 : i32
        %dma_wait3A_51 = tpu.memref_slice %arg3[%dma_wait3A_49, %dma_wait3A_50] : memref<10000x128xf32, #tpu.memory_space<hbm>> -> memref<10000x128xf32, #tpu.memory_space<hbm>>
        tpu.wait_indirect_dma semaphore(%arg13 : memref<!tpu.dma_semaphore, #tpu.memory_space<semaphore_mem>>) src(%dma_wait3A_51 : memref<10000x128xf32, #tpu.memory_space<hbm>>) dst(%arg11 : memref<128x128xf32, #tpu.memory_space<vmem>>)
        "tpu.region"() ({
          %run_scoped3A = tpu.sem_alloc : memref<!tpu.dma_semaphore, #tpu.memory_space<semaphore_mem>>
          %dma_start3A_52 = arith.constant 0 : i32
          %dma_start3A_53 = tpu.memref_slice %arg10[%scan3A_41, %dma_start3A_52] : memref<79x128xi32, #tpu.memory_space<vmem>> -> memref<1x128xi32, #tpu.memory_space<vmem>>
          %dma_start3A_54 = tpu.memref_squeeze %dma_start3A_53 : memref<1x128xi32, #tpu.memory_space<vmem>> -> memref<128xi32, #tpu.memory_space<vmem>>
          %dma_start3A_55 = arith.constant 0 : i32
          %dma_start3A_56 = arith.constant 0 : i32
          %dma_start3A_57 = tpu.memref_slice %arg12[%dma_start3A_55, %dma_start3A_56] : memref<10240x128xf32, #tpu.memory_space<vmem_shared>> -> memref<10240x128xf32, #tpu.memory_space<vmem_shared>>
          tpu.enqueue_indirect_dma source(%arg11 : memref<128x128xf32, #tpu.memory_space<vmem>>) target(%dma_start3A_57 : memref<10240x128xf32, #tpu.memory_space<vmem_shared>>) offsets(%dma_start3A_54 : memref<128xi32, #tpu.memory_space<vmem>>) semaphore(%run_scoped3A : memref<!tpu.dma_semaphore, #tpu.memory_space<semaphore_mem>>) {add = true}
          %dma_wait3A_58 = arith.constant 0 : i32
          %dma_wait3A_59 = tpu.memref_slice %arg10[%scan3A_41, %dma_wait3A_58] : memref<79x128xi32, #tpu.memory_space<vmem>> -> memref<1x128xi32, #tpu.memory_space<vmem>>
          %dma_wait3A_60 = tpu.memref_squeeze %dma_wait3A_59 : memref<1x128xi32, #tpu.memory_space<vmem>> -> memref<128xi32, #tpu.memory_space<vmem>>
          %dma_wait3A_61 = arith.constant 0 : i32
          %dma_wait3A_62 = arith.constant 0 : i32
          %dma_wait3A_63 = tpu.memref_slice %arg12[%dma_wait3A_61, %dma_wait3A_62] : memref<10240x128xf32, #tpu.memory_space<vmem_shared>> -> memref<10240x128xf32, #tpu.memory_space<vmem_shared>>
          tpu.wait_indirect_dma semaphore(%run_scoped3A : memref<!tpu.dma_semaphore, #tpu.memory_space<semaphore_mem>>) src(%arg11 : memref<128x128xf32, #tpu.memory_space<vmem>>) dst(%dma_wait3A_63 : memref<10240x128xf32, #tpu.memory_space<vmem_shared>>)
          tpu.yield
        }) : () -> ()
      }
      %scan3A_40 = arith.constant 79 : i32
    } else {
    }
    %barrier3A_25 = arith.constant 0 : index
    tpu.barrier barrier_id(%barrier3A_25)
    %eq3A_26 = arith.constant 0 : i32
    %eq3A_27 = arith.cmpi eq, %arg0, %eq3A_26 : i32
    %convert_element_type3A_28 = arith.extui %eq3A_27 : i1 to i32
    %cond3A_29 = arith.constant 0 : i32
    %cond3A_30 = arith.cmpi ne, %convert_element_type3A_28, %cond3A_29 : i32
    scf.if %cond3A_30 {
      %mul3A_36 = arith.constant 640 : i32
      %mul3A_37 = arith.muli %arg1, %mul3A_36 : i32
      %mul3A_38 = arith.constant 640 : i32
      %mul3A_39 = arith.muli %arg1, %mul3A_38 : i32
      "tpu.region"() ({
        %run_scoped3A = tpu.sem_alloc : memref<!tpu.dma_semaphore, #tpu.memory_space<semaphore_mem>>
        %dma_start3A = arith.constant 0 : i32
        %dma_start3A_40 = tpu.memref_slice %arg7[%mul3A_39, %dma_start3A] : memref<10240x128xf32, #tpu.memory_space<hbm>> -> memref<640x128xf32, #tpu.memory_space<hbm>>
        %dma_start3A_41 = arith.constant 0 : i32
        %dma_start3A_42 = tpu.memref_slice %arg12[%mul3A_37, %dma_start3A_41] : memref<10240x128xf32, #tpu.memory_space<vmem_shared>> -> memref<640x128xf32, #tpu.memory_space<vmem_shared>>
        tpu.enqueue_dma source(%dma_start3A_42 : memref<640x128xf32, #tpu.memory_space<vmem_shared>>) target(%dma_start3A_40 : memref<640x128xf32, #tpu.memory_space<hbm>>) target_semaphore(%run_scoped3A : memref<!tpu.dma_semaphore, #tpu.memory_space<semaphore_mem>>)
        %dma_wait3A = arith.constant 0 : i32
        %dma_wait3A_43 = tpu.memref_slice %arg7[%mul3A_39, %dma_wait3A] : memref<10240x128xf32, #tpu.memory_space<hbm>> -> memref<640x128xf32, #tpu.memory_space<hbm>>
        %dma_wait3A_44 = arith.constant 0 : i32
        %dma_wait3A_45 = tpu.memref_slice %arg12[%mul3A_37, %dma_wait3A_44] : memref<10240x128xf32, #tpu.memory_space<vmem_shared>> -> memref<640x128xf32, #tpu.memory_space<vmem_shared>>
        tpu.wait_dma2 semaphore(%run_scoped3A : memref<!tpu.dma_semaphore, #tpu.memory_space<semaphore_mem>>) src(%dma_wait3A_45 : memref<640x128xf32, #tpu.memory_space<vmem_shared>>) dst(%dma_wait3A_43 : memref<640x128xf32, #tpu.memory_space<hbm>>)
        tpu.yield
      }) : () -> ()
    } else {
    }
    %eq3A_31 = arith.constant 1 : i32
    %eq3A_32 = arith.cmpi eq, %arg0, %eq3A_31 : i32
    %convert_element_type3A_33 = arith.extui %eq3A_32 : i1 to i32
    %cond3A_34 = arith.constant 0 : i32
    %cond3A_35 = arith.cmpi ne, %convert_element_type3A_33, %cond3A_34 : i32
    scf.if %cond3A_35 {
      %mul3A_36 = arith.constant 640 : i32
      %mul3A_37 = arith.muli %arg1, %mul3A_36 : i32
      %mul3A_38 = arith.constant 640 : i32
      %mul3A_39 = arith.muli %arg1, %mul3A_38 : i32
      "tpu.region"() ({
        %run_scoped3A = tpu.sem_alloc : memref<!tpu.dma_semaphore, #tpu.memory_space<semaphore_mem>>
        %dma_start3A = arith.constant 0 : i32
        %dma_start3A_40 = tpu.memref_slice %arg8[%mul3A_39, %dma_start3A] : memref<10240x128xf32, #tpu.memory_space<hbm>> -> memref<640x128xf32, #tpu.memory_space<hbm>>
        %dma_start3A_41 = arith.constant 0 : i32
        %dma_start3A_42 = tpu.memref_slice %arg12[%mul3A_37, %dma_start3A_41] : memref<10240x128xf32, #tpu.memory_space<vmem_shared>> -> memref<640x128xf32, #tpu.memory_space<vmem_shared>>
        tpu.enqueue_dma source(%dma_start3A_42 : memref<640x128xf32, #tpu.memory_space<vmem_shared>>) target(%dma_start3A_40 : memref<640x128xf32, #tpu.memory_space<hbm>>) target_semaphore(%run_scoped3A : memref<!tpu.dma_semaphore, #tpu.memory_space<semaphore_mem>>)
        %dma_wait3A = arith.constant 0 : i32
        %dma_wait3A_43 = tpu.memref_slice %arg8[%mul3A_39, %dma_wait3A] : memref<10240x128xf32, #tpu.memory_space<hbm>> -> memref<640x128xf32, #tpu.memory_space<hbm>>
        %dma_wait3A_44 = arith.constant 0 : i32
        %dma_wait3A_45 = tpu.memref_slice %arg12[%mul3A_37, %dma_wait3A_44] : memref<10240x128xf32, #tpu.memory_space<vmem_shared>> -> memref<640x128xf32, #tpu.memory_space<vmem_shared>>
        tpu.wait_dma2 semaphore(%run_scoped3A : memref<!tpu.dma_semaphore, #tpu.memory_space<semaphore_mem>>) src(%dma_wait3A_45 : memref<640x128xf32, #tpu.memory_space<vmem_shared>>) dst(%dma_wait3A_43 : memref<640x128xf32, #tpu.memory_space<hbm>>)
        tpu.yield
      }) : () -> ()
    } else {
    }
    return
  }
}

module attributes {stable_mosaic.version = 14 : i64} {
  func.func @_linear_scale_body(%arg0: i32, %arg1: memref<2000x256xf32, #tpu.memory_space<vmem>>, %arg2: memref<256x256xf32, #tpu.memory_space<vmem>>, %arg3: memref<1x256xf32, #tpu.memory_space<vmem>>, %arg4: memref<2000x1xf32, #tpu.memory_space<vmem>>, %arg5: memref<2000x1xf32, #tpu.memory_space<vmem>>, %arg6: memref<2000x128xf32, #tpu.memory_space<vmem>>, %arg7: memref<2000x128xf32, #tpu.memory_space<vmem>>) attributes {dimension_semantics = [#tpu.dimension_semantics<arbitrary>], iteration_bounds = array<i64: 5>, scalar_prefetch = 0 : i64, scratch_operands = 0 : i64, tpu.core_type = #tpu.core_type<tc>, window_params = [{transform_indices = @transform_0, window_bounds = array<i64: 2000, 256>}, {pipeline_mode = #tpu.pipeline_mode<synchronous>, transform_indices = @transform_1, window_bounds = array<i64: 256, 256>}, {pipeline_mode = #tpu.pipeline_mode<synchronous>, transform_indices = @transform_2, window_bounds = array<i64: 1, 256>}, {transform_indices = @transform_3, window_bounds = array<i64: 2000, 1>}, {transform_indices = @transform_4, window_bounds = array<i64: 2000, 1>}, {transform_indices = @transform_5, window_bounds = array<i64: 2000, 128>}, {transform_indices = @transform_6, window_bounds = array<i64: 2000, 128>}]} {
    %get3A = arith.constant 0 : index
    %get3A_0 = arith.constant 0 : index
    %get3A_1 = vector.load %arg1[%get3A, %get3A_0] : memref<2000x256xf32, #tpu.memory_space<vmem>>, vector<2000x256xf32>
    %get3A_2 = arith.constant 0 : index
    %get3A_3 = arith.constant 0 : index
    %get3A_4 = vector.load %arg2[%get3A_2, %get3A_3] : memref<256x256xf32, #tpu.memory_space<vmem>>, vector<256x256xf32>
    %dot_general3A = arith.constant dense<0.000000e+00> : vector<2000x256xf32>
    %dot_general3A_5 = tpu.matmul %get3A_1, %get3A_4, %dot_general3A {dimension_numbers = #tpu.dot_dimension_numbers<[1], [0], [0], [1], [0, 0, 1, 1], [], []>, transpose_lhs_hint = false} : vector<2000x256xf32>, vector<256x256xf32>, vector<2000x256xf32> -> vector<2000x256xf32>
    %get3A_6 = arith.constant 0 : index
    %get3A_7 = arith.constant 0 : index
    %get3A_8 = vector.load %arg3[%get3A_6, %get3A_7] : memref<1x256xf32, #tpu.memory_space<vmem>>, vector<1x256xf32>
    %add3A = vector.broadcast %get3A_8 : vector<1x256xf32> to vector<2000x256xf32>
    %add3A_9 = arith.addf %dot_general3A_5, %add3A : vector<2000x256xf32>
    %get3A_10 = arith.constant 0 : index
    %get3A_11 = arith.constant 0 : index
    %get3A_12 = vector.load %arg4[%get3A_10, %get3A_11] : memref<2000x1xf32, #tpu.memory_space<vmem>>, vector<2000x1xf32>
    %get3A_13 = arith.constant 0 : index
    %get3A_14 = arith.constant 0 : index
    %get3A_15 = vector.load %arg5[%get3A_13, %get3A_14] : memref<2000x1xf32, #tpu.memory_space<vmem>>, vector<2000x1xf32>
    %add3A_16 = arith.addf %get3A_12, %get3A_15 : vector<2000x1xf32>
    %add3A_17 = arith.constant 1.000000e+00 : f32
    %add3A_18 = vector.broadcast %add3A_17 : f32 to vector<2000x1xf32>
    %add3A_19 = arith.addf %add3A_16, %add3A_18 : vector<2000x1xf32>
    %rsqrt3A = math.rsqrt %add3A_19 : vector<2000x1xf32>
    %mul3A = vector.broadcast %rsqrt3A : vector<2000x1xf32> to vector<2000x256xf32>
    %mul3A_20 = arith.mulf %add3A_9, %mul3A : vector<2000x256xf32>
    %slice3A = vector.extract_strided_slice %mul3A_20 {offsets = [0, 0], sizes = [2000, 128], strides = [1, 1]} : vector<2000x256xf32> to vector<2000x128xf32>
    %swap3A = arith.constant 0 : index
    %swap3A_21 = arith.constant 0 : index
    %swap3A_22 = vector.load %arg6[%swap3A, %swap3A_21] : memref<2000x128xf32, #tpu.memory_space<vmem>>, vector<2000x128xf32>
    tpu.vector_store %arg6[%swap3A, %swap3A_21], %slice3A {strides = array<i32>} : memref<2000x128xf32, #tpu.memory_space<vmem>>, vector<2000x128xf32>,
    %slice3A_23 = vector.extract_strided_slice %mul3A_20 {offsets = [0, 128], sizes = [2000, 128], strides = [1, 1]} : vector<2000x256xf32> to vector<2000x128xf32>
    %swap3A_24 = arith.constant 0 : index
    %swap3A_25 = arith.constant 0 : index
    %swap3A_26 = vector.load %arg7[%swap3A_24, %swap3A_25] : memref<2000x128xf32, #tpu.memory_space<vmem>>, vector<2000x128xf32>
    tpu.vector_store %arg7[%swap3A_24, %swap3A_25], %slice3A_23 {strides = array<i32>} : memref<2000x128xf32, #tpu.memory_space<vmem>>, vector<2000x128xf32>,
    return
  }
  func.func @transform_0(%arg0: i32) -> (i32, i32) {
    %c0_i32 = arith.constant 0 : i32
    %c0_i32_0 = arith.constant 0 : i32
    return %arg0, %c0_i32 : i32, i32
  }
  func.func @transform_1(%arg0: i32) -> (i32, i32) {
    %c0_i32 = arith.constant 0 : i32
    %c0_i32_0 = arith.constant 0 : i32
    %c0_i32_1 = arith.constant 0 : i32
    return %c0_i32, %c0_i32_0 : i32, i32
  }
  func.func @transform_2(%arg0: i32) -> (i32, i32) {
    %c0_i32 = arith.constant 0 : i32
    %c0_i32_0 = arith.constant 0 : i32
    %c0_i32_1 = arith.constant 0 : i32
    return %c0_i32, %c0_i32_0 : i32, i32
  }
  func.func @transform_3(%arg0: i32) -> (i32, i32) {
    %c0_i32 = arith.constant 0 : i32
    %c0_i32_0 = arith.constant 0 : i32
    return %arg0, %c0_i32 : i32, i32
  }
  func.func @transform_4(%arg0: i32) -> (i32, i32) {
    %c0_i32 = arith.constant 0 : i32
    %c0_i32_0 = arith.constant 0 : i32
    return %arg0, %c0_i32 : i32, i32
  }
  func.func @transform_5(%arg0: i32) -> (i32, i32) {
    %c0_i32 = arith.constant 0 : i32
    %c0_i32_0 = arith.constant 0 : i32
    return %arg0, %c0_i32 : i32, i32
  }
  func.func @transform_6(%arg0: i32) -> (i32, i32) {
    %c0_i32 = arith.constant 0 : i32
    %c0_i32_0 = arith.constant 0 : i32
    return %arg0, %c0_i32 : i32, i32
  }
}

module attributes {stable_mosaic.version = 14 : i64} {
  func.func @_post_linear_body(%arg0: i32, %arg1: memref<2000x128xf32, #tpu.memory_space<vmem>>, %arg2: memref<2000x128xf32, #tpu.memory_space<vmem>>, %arg3: memref<2000x1xf32, #tpu.memory_space<vmem>>, %arg4: memref<2000x1xf32, #tpu.memory_space<vmem>>, %arg5: memref<256x256xf32, #tpu.memory_space<vmem>>, %arg6: memref<1x256xf32, #tpu.memory_space<vmem>>, %arg7: memref<256x256xf32, #tpu.memory_space<vmem>>, %arg8: memref<1x256xf32, #tpu.memory_space<vmem>>, %arg9: memref<2000x128xf32, #tpu.memory_space<vmem>>, %arg10: memref<2000x128xf32, #tpu.memory_space<vmem>>) attributes {dimension_semantics = [#tpu.dimension_semantics<arbitrary>], iteration_bounds = array<i64: 5>, scalar_prefetch = 0 : i64, scratch_operands = 0 : i64, tpu.core_type = #tpu.core_type<tc>, window_params = [{transform_indices = @transform_0, window_bounds = array<i64: 2000, 128>}, {transform_indices = @transform_1, window_bounds = array<i64: 2000, 128>}, {transform_indices = @transform_2, window_bounds = array<i64: 2000, 1>}, {transform_indices = @transform_3, window_bounds = array<i64: 2000, 1>}, {pipeline_mode = #tpu.pipeline_mode<synchronous>, transform_indices = @transform_4, window_bounds = array<i64: 256, 256>}, {pipeline_mode = #tpu.pipeline_mode<synchronous>, transform_indices = @transform_5, window_bounds = array<i64: 1, 256>}, {pipeline_mode = #tpu.pipeline_mode<synchronous>, transform_indices = @transform_6, window_bounds = array<i64: 256, 256>}, {pipeline_mode = #tpu.pipeline_mode<synchronous>, transform_indices = @transform_7, window_bounds = array<i64: 1, 256>}, {transform_indices = @transform_8, window_bounds = array<i64: 2000, 128>}, {transform_indices = @transform_9, window_bounds = array<i64: 2000, 128>}]} {
    %get3A = arith.constant 0 : index
    %get3A_0 = arith.constant 0 : index
    %get3A_1 = vector.load %arg1[%get3A, %get3A_0] : memref<2000x128xf32, #tpu.memory_space<vmem>>, vector<2000x128xf32>
    %get3A_2 = arith.constant 0 : index
    %get3A_3 = arith.constant 0 : index
    %get3A_4 = vector.load %arg2[%get3A_2, %get3A_3] : memref<2000x128xf32, #tpu.memory_space<vmem>>, vector<2000x128xf32>
    %concatenate3A = tpu.concatenate %get3A_1, %get3A_4 in 1 : vector<2000x128xf32>, vector<2000x128xf32> -> vector<2000x256xf32>
    %get3A_5 = arith.constant 0 : index
    %get3A_6 = arith.constant 0 : index
    %get3A_7 = vector.load %arg3[%get3A_5, %get3A_6] : memref<2000x1xf32, #tpu.memory_space<vmem>>, vector<2000x1xf32>
    %get3A_8 = arith.constant 0 : index
    %get3A_9 = arith.constant 0 : index
    %get3A_10 = vector.load %arg4[%get3A_8, %get3A_9] : memref<2000x1xf32, #tpu.memory_space<vmem>>, vector<2000x1xf32>
    %add3A = arith.addf %get3A_7, %get3A_10 : vector<2000x1xf32>
    %add3A_11 = arith.constant 1.000000e+00 : f32
    %add3A_12 = vector.broadcast %add3A_11 : f32 to vector<2000x1xf32>
    %add3A_13 = arith.addf %add3A, %add3A_12 : vector<2000x1xf32>
    %rsqrt3A = math.rsqrt %add3A_13 : vector<2000x1xf32>
    %max3A = arith.constant 0.000000e+00 : f32
    %max3A_14 = vector.broadcast %max3A : f32 to vector<2000x256xf32>
    %max3A_15 = arith.maximumf %concatenate3A, %max3A_14 : vector<2000x256xf32>
    %mul3A = vector.broadcast %rsqrt3A : vector<2000x1xf32> to vector<2000x256xf32>
    %mul3A_16 = arith.mulf %max3A_15, %mul3A : vector<2000x256xf32>
    %get3A_17 = arith.constant 0 : index
    %get3A_18 = arith.constant 0 : index
    %get3A_19 = vector.load %arg5[%get3A_17, %get3A_18] : memref<256x256xf32, #tpu.memory_space<vmem>>, vector<256x256xf32>
    %dot_general3A = arith.constant dense<0.000000e+00> : vector<2000x256xf32>
    %dot_general3A_20 = tpu.matmul %mul3A_16, %get3A_19, %dot_general3A {dimension_numbers = #tpu.dot_dimension_numbers<[1], [0], [0], [1], [0, 0, 1, 1], [], []>, transpose_lhs_hint = false} : vector<2000x256xf32>, vector<256x256xf32>, vector<2000x256xf32> -> vector<2000x256xf32>
    %get3A_21 = arith.constant 0 : index
    %get3A_22 = arith.constant 0 : index
    %get3A_23 = vector.load %arg6[%get3A_21, %get3A_22] : memref<1x256xf32, #tpu.memory_space<vmem>>, vector<1x256xf32>
    %add3A_24 = vector.broadcast %get3A_23 : vector<1x256xf32> to vector<2000x256xf32>
    %add3A_25 = arith.addf %dot_general3A_20, %add3A_24 : vector<2000x256xf32>
    %max3A_26 = arith.constant 0.000000e+00 : f32
    %max3A_27 = vector.broadcast %max3A_26 : f32 to vector<2000x256xf32>
    %max3A_28 = arith.maximumf %add3A_25, %max3A_27 : vector<2000x256xf32>
    %get3A_29 = arith.constant 0 : index
    %get3A_30 = arith.constant 0 : index
    %get3A_31 = vector.load %arg7[%get3A_29, %get3A_30] : memref<256x256xf32, #tpu.memory_space<vmem>>, vector<256x256xf32>
    %dot_general3A_32 = arith.constant dense<0.000000e+00> : vector<2000x256xf32>
    %dot_general3A_33 = tpu.matmul %max3A_28, %get3A_31, %dot_general3A_32 {dimension_numbers = #tpu.dot_dimension_numbers<[1], [0], [0], [1], [0, 0, 1, 1], [], []>, transpose_lhs_hint = false} : vector<2000x256xf32>, vector<256x256xf32>, vector<2000x256xf32> -> vector<2000x256xf32>
    %get3A_34 = arith.constant 0 : index
    %get3A_35 = arith.constant 0 : index
    %get3A_36 = vector.load %arg8[%get3A_34, %get3A_35] : memref<1x256xf32, #tpu.memory_space<vmem>>, vector<1x256xf32>
    %add3A_37 = vector.broadcast %get3A_36 : vector<1x256xf32> to vector<2000x256xf32>
    %add3A_38 = arith.addf %dot_general3A_33, %add3A_37 : vector<2000x256xf32>
    %mul3A_39 = vector.broadcast %rsqrt3A : vector<2000x1xf32> to vector<2000x256xf32>
    %mul3A_40 = arith.mulf %add3A_38, %mul3A_39 : vector<2000x256xf32>
    %slice3A = vector.extract_strided_slice %mul3A_40 {offsets = [0, 0], sizes = [2000, 128], strides = [1, 1]} : vector<2000x256xf32> to vector<2000x128xf32>
    %swap3A = arith.constant 0 : index
    %swap3A_41 = arith.constant 0 : index
    %swap3A_42 = vector.load %arg9[%swap3A, %swap3A_41] : memref<2000x128xf32, #tpu.memory_space<vmem>>, vector<2000x128xf32>
    tpu.vector_store %arg9[%swap3A, %swap3A_41], %slice3A {strides = array<i32>} : memref<2000x128xf32, #tpu.memory_space<vmem>>, vector<2000x128xf32>,
    %slice3A_43 = vector.extract_strided_slice %mul3A_40 {offsets = [0, 128], sizes = [2000, 128], strides = [1, 1]} : vector<2000x256xf32> to vector<2000x128xf32>
    %swap3A_44 = arith.constant 0 : index
    %swap3A_45 = arith.constant 0 : index
    %swap3A_46 = vector.load %arg10[%swap3A_44, %swap3A_45] : memref<2000x128xf32, #tpu.memory_space<vmem>>, vector<2000x128xf32>
    tpu.vector_store %arg10[%swap3A_44, %swap3A_45], %slice3A_43 {strides = array<i32>} : memref<2000x128xf32, #tpu.memory_space<vmem>>, vector<2000x128xf32>,
    return
  }
  func.func @transform_0(%arg0: i32) -> (i32, i32) {
    %c0_i32 = arith.constant 0 : i32
    %c0_i32_0 = arith.constant 0 : i32
    return %arg0, %c0_i32 : i32, i32
  }
  func.func @transform_1(%arg0: i32) -> (i32, i32) {
    %c0_i32 = arith.constant 0 : i32
    %c0_i32_0 = arith.constant 0 : i32
    return %arg0, %c0_i32 : i32, i32
  }
  func.func @transform_2(%arg0: i32) -> (i32, i32) {
    %c0_i32 = arith.constant 0 : i32
    %c0_i32_0 = arith.constant 0 : i32
    return %arg0, %c0_i32 : i32, i32
  }
  func.func @transform_3(%arg0: i32) -> (i32, i32) {
    %c0_i32 = arith.constant 0 : i32
    %c0_i32_0 = arith.constant 0 : i32
    return %arg0, %c0_i32 : i32, i32
  }
  func.func @transform_4(%arg0: i32) -> (i32, i32) {
    %c0_i32 = arith.constant 0 : i32
    %c0_i32_0 = arith.constant 0 : i32
    %c0_i32_1 = arith.constant 0 : i32
    return %c0_i32, %c0_i32_0 : i32, i32
  }
  func.func @transform_5(%arg0: i32) -> (i32, i32) {
    %c0_i32 = arith.constant 0 : i32
    %c0_i32_0 = arith.constant 0 : i32
    %c0_i32_1 = arith.constant 0 : i32
    return %c0_i32, %c0_i32_0 : i32, i32
  }
  func.func @transform_6(%arg0: i32) -> (i32, i32) {
    %c0_i32 = arith.constant 0 : i32
    %c0_i32_0 = arith.constant 0 : i32
    %c0_i32_1 = arith.constant 0 : i32
    return %c0_i32, %c0_i32_0 : i32, i32
  }
  func.func @transform_7(%arg0: i32) -> (i32, i32) {
    %c0_i32 = arith.constant 0 : i32
    %c0_i32_0 = arith.constant 0 : i32
    %c0_i32_1 = arith.constant 0 : i32
    return %c0_i32, %c0_i32_0 : i32, i32
  }
  func.func @transform_8(%arg0: i32) -> (i32, i32) {
    %c0_i32 = arith.constant 0 : i32
    %c0_i32_0 = arith.constant 0 : i32
    return %arg0, %c0_i32 : i32, i32
  }
  func.func @transform_9(%arg0: i32) -> (i32, i32) {
    %c0_i32 = arith.constant 0 : i32
    %c0_i32_0 = arith.constant 0 : i32
    return %arg0, %c0_i32 : i32, i32
  }
}

module attributes {stable_mosaic.version = 14 : i64} {
  func.func @_post_final_body(%arg0: i32, %arg1: memref<2000x128xf32, #tpu.memory_space<vmem>>, %arg2: memref<2000x128xf32, #tpu.memory_space<vmem>>, %arg3: memref<2000x1xf32, #tpu.memory_space<vmem>>, %arg4: memref<2000x1xf32, #tpu.memory_space<vmem>>, %arg5: memref<256x256xf32, #tpu.memory_space<vmem>>, %arg6: memref<1x256xf32, #tpu.memory_space<vmem>>, %arg7: memref<256x256xf32, #tpu.memory_space<vmem>>, %arg8: memref<256x256xf32, #tpu.memory_space<vmem>>, %arg9: memref<2000x256xf32, #tpu.memory_space<vmem>>) attributes {dimension_semantics = [#tpu.dimension_semantics<arbitrary>], iteration_bounds = array<i64: 5>, scalar_prefetch = 0 : i64, scratch_operands = 0 : i64, tpu.core_type = #tpu.core_type<tc>, window_params = [{transform_indices = @transform_0, window_bounds = array<i64: 2000, 128>}, {transform_indices = @transform_1, window_bounds = array<i64: 2000, 128>}, {transform_indices = @transform_2, window_bounds = array<i64: 2000, 1>}, {transform_indices = @transform_3, window_bounds = array<i64: 2000, 1>}, {pipeline_mode = #tpu.pipeline_mode<synchronous>, transform_indices = @transform_4, window_bounds = array<i64: 256, 256>}, {pipeline_mode = #tpu.pipeline_mode<synchronous>, transform_indices = @transform_5, window_bounds = array<i64: 1, 256>}, {pipeline_mode = #tpu.pipeline_mode<synchronous>, transform_indices = @transform_6, window_bounds = array<i64: 256, 256>}, {pipeline_mode = #tpu.pipeline_mode<synchronous>, transform_indices = @transform_7, window_bounds = array<i64: 256, 256>}, {transform_indices = @transform_8, window_bounds = array<i64: 2000, 256>}]} {
    %get3A = arith.constant 0 : index
    %get3A_0 = arith.constant 0 : index
    %get3A_1 = vector.load %arg1[%get3A, %get3A_0] : memref<2000x128xf32, #tpu.memory_space<vmem>>, vector<2000x128xf32>
    %get3A_2 = arith.constant 0 : index
    %get3A_3 = arith.constant 0 : index
    %get3A_4 = vector.load %arg2[%get3A_2, %get3A_3] : memref<2000x128xf32, #tpu.memory_space<vmem>>, vector<2000x128xf32>
    %concatenate3A = tpu.concatenate %get3A_1, %get3A_4 in 1 : vector<2000x128xf32>, vector<2000x128xf32> -> vector<2000x256xf32>
    %get3A_5 = arith.constant 0 : index
    %get3A_6 = arith.constant 0 : index
    %get3A_7 = vector.load %arg3[%get3A_5, %get3A_6] : memref<2000x1xf32, #tpu.memory_space<vmem>>, vector<2000x1xf32>
    %get3A_8 = arith.constant 0 : index
    %get3A_9 = arith.constant 0 : index
    %get3A_10 = vector.load %arg4[%get3A_8, %get3A_9] : memref<2000x1xf32, #tpu.memory_space<vmem>>, vector<2000x1xf32>
    %add3A = arith.addf %get3A_7, %get3A_10 : vector<2000x1xf32>
    %add3A_11 = arith.constant 1.000000e+00 : f32
    %add3A_12 = vector.broadcast %add3A_11 : f32 to vector<2000x1xf32>
    %add3A_13 = arith.addf %add3A, %add3A_12 : vector<2000x1xf32>
    %rsqrt3A = math.rsqrt %add3A_13 : vector<2000x1xf32>
    %max3A = arith.constant 0.000000e+00 : f32
    %max3A_14 = vector.broadcast %max3A : f32 to vector<2000x256xf32>
    %max3A_15 = arith.maximumf %concatenate3A, %max3A_14 : vector<2000x256xf32>
    %mul3A = vector.broadcast %rsqrt3A : vector<2000x1xf32> to vector<2000x256xf32>
    %mul3A_16 = arith.mulf %max3A_15, %mul3A : vector<2000x256xf32>
    %get3A_17 = arith.constant 0 : index
    %get3A_18 = arith.constant 0 : index
    %get3A_19 = vector.load %arg5[%get3A_17, %get3A_18] : memref<256x256xf32, #tpu.memory_space<vmem>>, vector<256x256xf32>
    %dot_general3A = arith.constant dense<0.000000e+00> : vector<2000x256xf32>
    %dot_general3A_20 = tpu.matmul %mul3A_16, %get3A_19, %dot_general3A {dimension_numbers = #tpu.dot_dimension_numbers<[1], [0], [0], [1], [0, 0, 1, 1], [], []>, transpose_lhs_hint = false} : vector<2000x256xf32>, vector<256x256xf32>, vector<2000x256xf32> -> vector<2000x256xf32>
    %get3A_21 = arith.constant 0 : index
    %get3A_22 = arith.constant 0 : index
    %get3A_23 = vector.load %arg6[%get3A_21, %get3A_22] : memref<1x256xf32, #tpu.memory_space<vmem>>, vector<1x256xf32>
    %add3A_24 = vector.broadcast %get3A_23 : vector<1x256xf32> to vector<2000x256xf32>
    %add3A_25 = arith.addf %dot_general3A_20, %add3A_24 : vector<2000x256xf32>
    %max3A_26 = arith.constant 0.000000e+00 : f32
    %max3A_27 = vector.broadcast %max3A_26 : f32 to vector<2000x256xf32>
    %max3A_28 = arith.maximumf %add3A_25, %max3A_27 : vector<2000x256xf32>
    %mul3A_29 = arith.mulf %max3A_28, %max3A_28 : vector<2000x256xf32>
    %reduce_sum3A = arith.constant dense<0.000000e+00> : vector<2000xf32>
    %reduce_sum3A_30 = vector.multi_reduction <add>, %mul3A_29, %reduce_sum3A [1] : vector<2000x256xf32> to vector<2000xf32>
    %broadcast_in_dim3A = vector.shape_cast %reduce_sum3A_30 : vector<2000xf32> to vector<2000x1xf32>
    %sqrt3A = math.sqrt %broadcast_in_dim3A : vector<2000x1xf32>
    %max3A_31 = arith.constant 9.99999996E-13 : f32
    %max3A_32 = vector.broadcast %max3A_31 : f32 to vector<2000x1xf32>
    %max3A_33 = arith.maximumf %sqrt3A, %max3A_32 : vector<2000x1xf32>
    %div3A = vector.broadcast %max3A_33 : vector<2000x1xf32> to vector<2000x256xf32>
    %div3A_34 = arith.divf %max3A_28, %div3A : vector<2000x256xf32>
    %get3A_35 = arith.constant 0 : index
    %get3A_36 = arith.constant 0 : index
    %get3A_37 = vector.load %arg7[%get3A_35, %get3A_36] : memref<256x256xf32, #tpu.memory_space<vmem>>, vector<256x256xf32>
    %dot_general3A_38 = arith.constant dense<0.000000e+00> : vector<2000x256xf32>
    %dot_general3A_39 = tpu.matmul %div3A_34, %get3A_37, %dot_general3A_38 {dimension_numbers = #tpu.dot_dimension_numbers<[1], [1], [0], [0], [0, 0, 1, 0], [], []>, transpose_lhs_hint = false} : vector<2000x256xf32>, vector<256x256xf32>, vector<2000x256xf32> -> vector<2000x256xf32>
    %max3A_40 = arith.constant 0.000000e+00 : f32
    %max3A_41 = vector.broadcast %max3A_40 : f32 to vector<2000x256xf32>
    %max3A_42 = arith.maximumf %dot_general3A_39, %max3A_41 : vector<2000x256xf32>
    %get3A_43 = arith.constant 0 : index
    %get3A_44 = arith.constant 0 : index
    %get3A_45 = vector.load %arg8[%get3A_43, %get3A_44] : memref<256x256xf32, #tpu.memory_space<vmem>>, vector<256x256xf32>
    %dot_general3A_46 = arith.constant dense<0.000000e+00> : vector<2000x256xf32>
    %dot_general3A_47 = tpu.matmul %max3A_42, %get3A_45, %dot_general3A_46 {dimension_numbers = #tpu.dot_dimension_numbers<[1], [1], [0], [0], [0, 0, 1, 0], [], []>, transpose_lhs_hint = false} : vector<2000x256xf32>, vector<256x256xf32>, vector<2000x256xf32> -> vector<2000x256xf32>
    %logistic3A = arith.negf %dot_general3A_47 : vector<2000x256xf32>
    %logistic3A_48 = math.exp %logistic3A : vector<2000x256xf32>
    %logistic3A_49 = arith.constant 1.000000e+00 : f32
    %logistic3A_50 = vector.broadcast %logistic3A_49 : f32 to vector<2000x256xf32>
    %logistic3A_51 = arith.addf %logistic3A_50, %logistic3A_48 : vector<2000x256xf32>
    %logistic3A_52 = arith.divf %logistic3A_50, %logistic3A_51 : vector<2000x256xf32>
    %swap3A = arith.constant 0 : index
    %swap3A_53 = arith.constant 0 : index
    %swap3A_54 = vector.load %arg9[%swap3A, %swap3A_53] : memref<2000x256xf32, #tpu.memory_space<vmem>>, vector<2000x256xf32>
    tpu.vector_store %arg9[%swap3A, %swap3A_53], %logistic3A_52 {strides = array<i32>} : memref<2000x256xf32, #tpu.memory_space<vmem>>, vector<2000x256xf32>,
    return
  }
  func.func @transform_0(%arg0: i32) -> (i32, i32) {
    %c0_i32 = arith.constant 0 : i32
    %c0_i32_0 = arith.constant 0 : i32
    return %arg0, %c0_i32 : i32, i32
  }
  func.func @transform_1(%arg0: i32) -> (i32, i32) {
    %c0_i32 = arith.constant 0 : i32
    %c0_i32_0 = arith.constant 0 : i32
    return %arg0, %c0_i32 : i32, i32
  }
  func.func @transform_2(%arg0: i32) -> (i32, i32) {
    %c0_i32 = arith.constant 0 : i32
    %c0_i32_0 = arith.constant 0 : i32
    return %arg0, %c0_i32 : i32, i32
  }
  func.func @transform_3(%arg0: i32) -> (i32, i32) {
    %c0_i32 = arith.constant 0 : i32
    %c0_i32_0 = arith.constant 0 : i32
    return %arg0, %c0_i32 : i32, i32
  }
  func.func @transform_4(%arg0: i32) -> (i32, i32) {
    %c0_i32 = arith.constant 0 : i32
    %c0_i32_0 = arith.constant 0 : i32
    %c0_i32_1 = arith.constant 0 : i32
    return %c0_i32, %c0_i32_0 : i32, i32
  }
  func.func @transform_5(%arg0: i32) -> (i32, i32) {
    %c0_i32 = arith.constant 0 : i32
    %c0_i32_0 = arith.constant 0 : i32
    %c0_i32_1 = arith.constant 0 : i32
    return %c0_i32, %c0_i32_0 : i32, i32
  }
  func.func @transform_6(%arg0: i32) -> (i32, i32) {
    %c0_i32 = arith.constant 0 : i32
    %c0_i32_0 = arith.constant 0 : i32
    %c0_i32_1 = arith.constant 0 : i32
    return %c0_i32, %c0_i32_0 : i32, i32
  }
  func.func @transform_7(%arg0: i32) -> (i32, i32) {
    %c0_i32 = arith.constant 0 : i32
    %c0_i32_0 = arith.constant 0 : i32
    %c0_i32_1 = arith.constant 0 : i32
    return %c0_i32, %c0_i32_0 : i32, i32
  }
  func.func @transform_8(%arg0: i32) -> (i32, i32) {
    %c0_i32 = arith.constant 0 : i32
    %c0_i32_0 = arith.constant 0 : i32
    return %arg0, %c0_i32 : i32, i32
  }
}

module attributes {stable_mosaic.version = 14 : i64} {
  func.func @_dot_body(%arg0: i32, %arg1: memref<1024x256xf32, #tpu.memory_space<vmem>>, %arg2: memref<1024x256xf32, #tpu.memory_space<vmem>>, %arg3: memref<8x128xf32, #tpu.memory_space<vmem>>) attributes {dimension_semantics = [#tpu.dimension_semantics<arbitrary>], iteration_bounds = array<i64: 10>, scalar_prefetch = 0 : i64, scratch_operands = 0 : i64, tpu.core_type = #tpu.core_type<tc>, window_params = [{transform_indices = @transform_0, window_bounds = array<i64: 1024, 256>}, {transform_indices = @transform_1, window_bounds = array<i64: 1024, 256>}, {transform_indices = @transform_2, window_bounds = array<i64: 8, 128>}]} {
    %get3A = arith.constant 0 : index
    %get3A_0 = arith.constant 0 : index
    %get3A_1 = vector.load %arg1[%get3A, %get3A_0] : memref<1024x256xf32, #tpu.memory_space<vmem>>, vector<1024x256xf32>
    %get3A_2 = arith.constant 0 : index
    %get3A_3 = arith.constant 0 : index
    %get3A_4 = vector.load %arg2[%get3A_2, %get3A_3] : memref<1024x256xf32, #tpu.memory_space<vmem>>, vector<1024x256xf32>
    %mul3A = arith.mulf %get3A_1, %get3A_4 : vector<1024x256xf32>
    %reduce_sum3A = arith.constant dense<0.000000e+00> : vector<1024xf32>
    %reduce_sum3A_5 = vector.multi_reduction <add>, %mul3A, %reduce_sum3A [1] : vector<1024x256xf32> to vector<1024xf32>
    %reshape3A = vector.shape_cast %reduce_sum3A_5 : vector<1024xf32> to vector<8x128xf32>
    %swap3A = arith.constant 0 : index
    %swap3A_6 = arith.constant 0 : index
    %swap3A_7 = vector.load %arg3[%swap3A, %swap3A_6] : memref<8x128xf32, #tpu.memory_space<vmem>>, vector<8x128xf32>
    tpu.vector_store %arg3[%swap3A, %swap3A_6], %reshape3A {strides = array<i32>} : memref<8x128xf32, #tpu.memory_space<vmem>>, vector<8x128xf32>,
    return
  }
  func.func @transform_0(%arg0: i32) -> (i32, i32) {
    %c0_i32 = arith.constant 0 : i32
    %c0_i32_0 = arith.constant 0 : i32
    return %arg0, %c0_i32 : i32, i32
  }
  func.func @transform_1(%arg0: i32) -> (i32, i32) {
    %add3A = arith.constant 10 : i32
    %add3A_0 = arith.addi %arg0, %add3A : i32
    %c0_i32 = arith.constant 0 : i32
    %c0_i32_1 = arith.constant 0 : i32
    return %add3A_0, %c0_i32 : i32, i32
  }
  func.func @transform_2(%arg0: i32) -> (i32, i32) {
    %c0_i32 = arith.constant 0 : i32
    %c0_i32_0 = arith.constant 0 : i32
    return %arg0, %c0_i32 : i32, i32
  }
}

</mosaic_0001>

<sc_bundles>
// kernel: kernel.10.cloned.1.call-start
scs
__scs_entry_jumppad:
0x0: {  	(pc) =	sbr.rel $0x88, $3  }
0x1: {  	(tag) =	ssettag $0x0;
	lr =	simm.s32 $0x1  }
0x2: {  	[smem:$0x3F94] =	sst lr;
	_ =	strace $0xD0000000  }
0x3: {  	_ = 	snop  }
0x4: {  	_ = 	snop  }
0x5: {  	_ = 	snop  }
0x6: {  	_ = 	snop  }
0x7: {  	_ = 	snop  }
__scs_overlays_trampoline_lowered:
0x8: {  	[smem:$0x3FA3] =	sst s0  }
0x9: {  	[smem:$0x3FA4] =	sst s1  }
0xa: {  	[smem:$0x3FA5] =	sst s2  }
0xb: {  	[smem:$0x3FA6] =	sst s3  }
0xc: {  	[smem:$0x3FA7] =	sst s4  }
0xd: {  	[smem:$0x3FA8] =	sst s5  }
0xe: {  	[smem:$0x3FA9] =	sst s6  }
0xf: {  	[smem:$0x3FAA] =	sst s7  }
0x10: {  	[smem:$0x3FAB] =	sst s8  }
0x11: {  	[smem:$0x3FAC] =	sst s9;
	s0 =	simm.s32 @!p0 $0x0  }
0x12: {  	s1 =	sld [smem:$0x3F92];
	s0 =	simm.s32 @p0 $0x1  }
0x13: {  	[smem:$0x3FAD] =	sst s0;
	s0 =	simm.s32 @!p1 $0x0  }
0x14: {  	s2 =	sld [smem:$0x3F91];
	s0 =	simm.s32 @p1 $0x1  }
0x15: {  	[smem:$0x3FAE] =	sst s0;
	s0 =	simm.s32 @!p2 $0x0  }
0x16: {  	s3 =	sld [smem:$0x3FDB];
	s0 =	simm.s32 @p2 $0x1  }
0x17: {  	s4 =	simm.s32 $0x1BF5;
	[smem:$0x3FB0] =	sst s0  }
0x18: {  	s0 =	sld [smem:$0x3F93];
	_ =	swait.ge [sflag:s4], $0x0  }
0x19: {  	s7 =	sld [smem:$0x3F94]  }
0x1a: {  	s8 =	sadd.s32 $0xFFFFE003, lr  }
0x1b: {  	s9 =	sadd.s32 $0xFFFFFEF7, lr;
	s5 =	simm.s32 $0xFFFFFFFF;
	p2 =	slt.u32 s8, $0xFFFFF086  }
0x1c: {  	p1 =	slt.u32 s9, $0xF7A;
	s5 =	simm.s32 @!p2 $0x0  }
0x1d: {  	s5 =	simm.s32 @p1 $0x1;
	p0 =	seq.s32 s7, s2  }
0x1e: {  	s7 =	smul.u32 @!p0 $0xF7A, s2;
	p2 =	seq.s32 @!p0 s5, $0x0  }
0x1f: {  	s9 =	smul.u32 $0xF7A, s1;
	s8 =	simm.s32 @!p0 $0x1BF5;
	p2 =	por !p2, p0  }
0x20: {  	[sflag:s8] =	ssyncset.s32 @!p0 $0xFFFFF086;
	s6 =	sadd.s32 @!p0 s3, s7;
	s7 =	simm.s32 @!p0 $0x108  }
0x21: {  	s3 =	sadd.s32 s3, s9;
	s6 =	sadd.s32 @!p0 $0x88, s6;
	s7 =	simm.s32 @p2 $0x1082  }
0x22: {  	[simem:s7], [sflag:s8] =	dma.local @!p0 [hbm:s6], $0xF7A  }
0x23: {  	s9 =	sor.u32 $0xD0000000, s2;
	s6 =	simm.s32 $0x108;
	_ =	swait.ge @!p0 [sflag:s8], $0x0  }
0x24: {  	s3 =	sadd.s32 $0x88, s3;
	s6 =	simm.s32 @!p1 $0x1082;
	[sflag:s4] =	ssyncset.s32 $0xFFFFF086  }
0x25: {  	[simem:s6], [sflag:s4] =	dma.local [hbm:s3], $0xF7A  }
0x26: {  	[smem:$0x3F94] =	sst s1;
	(tag) =	ssettag s2;
	_ =	strace s9  }
0x27: {  	s1 =	sld [smem:$0x3FA4]  }
0x28: {  	s2 =	sld [smem:$0x3FA5]  }
0x29: {  	s4 =	sld [smem:$0x3FA7]  }
0x2a: {  	p0 =	seq.s32 s5, $0x0;
	s5 =	sld [smem:$0x3FA8]  }
0x2b: {  	s6 =	sld [smem:$0x3FA9]  }
0x2c: {  	s7 =	sld [smem:$0x3FAA]  }
0x2d: {  	s3 =	simm.s32 $0x108;
	s8 =	sld [smem:$0x3FAB]  }
0x2e: {  	s3 =	simm.s32 @!p0 $0x1082;
	s9 =	sld [smem:$0x3FAC]  }
0x2f: {  	lr =	sadd.s32 s0, s3;
	s0 =	sld [smem:$0x3FA3]  }
0x30: {  	s3 =	sld [smem:$0x3FA6]  }
0x31: {  	[smem:$0x3FAF] =	sst s10  }
0x32: {  	s10 =	sld [smem:$0x3FAD];
	_ =	sdelay $0x3  }
0x33: {  	p0 =	seq.s32 s10, $0x1;
	s10 =	sld [smem:$0x3FAF];
	_ =	sdelay $0x3  }
0x34: {  	[smem:$0x3FAF] =	sst s10  }
0x35: {  	s10 =	sld [smem:$0x3FAE];
	_ =	sdelay $0x3  }
0x36: {  	p1 =	seq.s32 s10, $0x1;
	s10 =	sld [smem:$0x3FAF];
	_ =	sdelay $0x3  }
0x37: {  	[smem:$0x3FAF] =	sst s10  }
0x38: {  	s10 =	sld [smem:$0x3FB0]  }
0x39: {  	_ = 	snop;
	(pc) =	sbr.ind lr, $3  }
0x3a: {  	_ = 	snop  }
0x3b: {  	_ = 	snop  }
0x3c: {  	p2 =	seq.s32 s10, $0x1;
	s10 =	sld [smem:$0x3FAF]  }
0x3d: {  	_ =	shalt  }
0x3e: {  	_ =	shalt  }
0x3f: {  	_ =	shalt  }
0x40: {  	_ =	shalt  }
0x41: {  	_ =	shalt  }
0x42: {  	_ =	shalt  }
0x43: {  	_ =	shalt  }
0x44: {  	_ =	shalt  }
0x45: {  	_ =	shalt  }
0x46: {  	_ =	shalt  }
0x47: {  	_ =	shalt  }
0x48: {  	_ =	shalt  }
0x49: {  	_ =	shalt  }
0x4a: {  	_ =	shalt  }
0x4b: {  	_ =	shalt  }
0x4c: {  	_ =	shalt  }
0x4d: {  	_ =	shalt  }
0x4e: {  	_ =	shalt  }
0x4f: {  	_ =	shalt  }
0x50: {  	_ =	shalt  }
0x51: {  	_ =	shalt  }
0x52: {  	_ =	shalt  }
0x53: {  	_ =	shalt  }
0x54: {  	_ =	shalt  }
0x55: {  	_ =	shalt  }
0x56: {  	_ =	shalt  }
0x57: {  	_ =	shalt  }
0x58: {  	_ =	shalt  }
0x59: {  	_ =	shalt  }
0x5a: {  	_ =	shalt  }
0x5b: {  	_ =	shalt  }
0x5c: {  	_ =	shalt  }
0x5d: {  	_ =	shalt  }
0x5e: {  	_ =	shalt  }
0x5f: {  	_ =	shalt  }
0x60: {  	_ =	shalt  }
0x61: {  	_ =	shalt  }
0x62: {  	_ =	shalt  }
0x63: {  	_ =	shalt  }
0x64: {  	_ =	shalt  }
0x65: {  	_ =	shalt  }
0x66: {  	_ =	shalt  }
0x67: {  	_ =	shalt  }
0x68: {  	_ =	shalt  }
0x69: {  	_ =	shalt  }
0x6a: {  	_ =	shalt  }
0x6b: {  	_ =	shalt  }
0x6c: {  	_ =	shalt  }
0x6d: {  	_ =	shalt  }
0x6e: {  	_ =	shalt  }
0x6f: {  	_ =	shalt  }
0x70: {  	_ =	shalt  }
0x71: {  	_ =	shalt  }
0x72: {  	_ =	shalt  }
0x73: {  	_ =	shalt  }
0x74: {  	_ =	shalt  }
0x75: {  	_ =	shalt  }
0x76: {  	_ =	shalt  }
0x77: {  	_ =	shalt  }
0x78: {  	_ =	shalt  }
0x79: {  	_ =	shalt  }
0x7a: {  	_ =	shalt  }
0x7b: {  	_ =	shalt  }
0x7c: {  	_ =	shalt  }
0x7d: {  	_ =	shalt  }
0x7e: {  	_ =	shalt  }
0x7f: {  	_ =	shalt  }
0x80: {  	_ =	shalt  }
0x81: {  	_ =	shalt  }
0x82: {  	_ =	shalt  }
0x83: {  	_ =	shalt  }
0x84: {  	_ =	shalt  }
0x85: {  	_ =	shalt  }
0x86: {  	_ =	shalt  }
0x87: {  	_ =	shalt  }
.Lfunc_end0:
.L_simem_size_0:
called_computation_lowered:
.L_overlay_start_0:
0x88: {  	s2 =	sld [smem:$0x3FD9]  }
0x89: {  	s3 =	sld [smem:$0x3FFE];
	_ =	sdelay $0x1  }
0x8a: {  	s1 =	srdreg.scid  }
0x8b: {  	s0 =	sand.u32 $0x1, s1  }
0x8c: {  	s17 =	sshll.u32 s0, $0xA;
	s2 =	sadd.s32 s3, s2  }
0x8d: {  	s2 =	sadd.s32 s2, s17  }
0x8e: {  	[smem:$0x3FBB] =	sst s2  }
0x8f: {  	_ = 	snop  }
0x90: {  	s2 =	sld [smem:$0x3FD0];
	(tm) =	ssettm $0x1  }
0x91: {  	s18 =	sld [smem:$0x3FFB];
	_ =	sdelay $0x3  }
0x92: {  	_ =	strace s18  }
0x93: {  	s3 =	sld [smem:$0x3FFC];
	_ =	sdelay $0x3  }
0x94: {  	_ =	strace s3  }
0x95: {  	s3 =	sld [smem:$0x3FFD];
	_ =	sdelay $0x3  }
0x96: {  	_ =	strace s3  }
0x97: {  	_ =	strace $0x8FFFFFFF  }
0x98: {  	s19 =	sld [smem:$0x3FDB];
	_ =	sdelay $0x1  }
0x99: {  	s4 =	simm.s32 $_scs_section_size  }
0x9a: {  	s5 =	simm.s32 $_size__tile_overlayer_lowered;
	s6 =	simm.s32 $_tile_overlayer_lowered  }
0x9b: {  	s22 =	simm.s32 $0x1BFF;
	s21 =	sshll.u32 s6, $0x1;
	s3 =	sadd.s32 s4, s19  }
0x9c: {  	s7 =	simm.s32 $0x0;
	s20 =	sshll.u32 s5, $0x1;
	s5 =	sadd.s32 s21, s3  }
0x9d: {  	[timem:s7], [sflag:s22] =	dma.local [hbm:s5], s20  }
0x9e: {  	_ =	swait.ge [sflag:s22], s20  }
0x9f: {  	s4 =	ssub.s32 $0x0, s20;
	[sflag:s22] =	ssyncset.done $0x0  }
0xa0: {  	[sflag:s22] =	ssyncadd.s32 s4;
	_ =	sdelay $0x1  }
0xa1: {  	s23 =	simm.s32 $0x1B8B  }
0xa2: {  	_ =	swait.ge [sflag:s23], $0x1  }
0xa3: {  	[sflag:s23] =	ssyncset.done $0x0  }
0xa4: {  	s25 =	simm.s32 $0x1B8E;
	s24 =	sld [smem:$0x3FFE];
	[sflag:s23] =	ssyncadd.s32 $0xFFFFFFFF  }
0xa5: {  	s26 =	simm.s32 $execute0_lowered;
	[smem:$0x3FD2] =	sst s25  }
0xa6: {  	s5 =	sshll.u32 s26, $0x1;
	_ =	strace $0x80000046;
	[dreg:$0x1] =	wrdreg $0xFFFFFFFF  }
0xa7: {  	s28 =	simm.s32 $_size_execute0_lowered;
	s3 =	sadd.s32 s3, s5;
	[dreg:$0x0] =	wrdreg $0x0  }
0xa8: {  	s5 =	sshll.u32 s28, $0x1;
	[dreg:$0x2] =	wrdreg s3  }
0xa9: {  	[dreg:$0x3] =	wrdreg s5  }
0xaa: {  	[dreg:$0x4] =	wrdreg $0xC0  }
0xab: {  	_ =	task [dreg:s7], $0x5FFFF  }
0xac: {  	[dreg:$0x1] =	wrdreg $0xFFFFFFFF  }
0xad: {  	[dreg:$0x0] =	wrdreg $0x60  }
0xae: {  	[dreg:$0x2] =	wrdreg s24  }
0xaf: {  	[dreg:$0x3] =	wrdreg s2  }
0xb0: {  	[dreg:$0x4] =	wrdreg $0x29000  }
0xb1: {  	[dreg:$0x5] =	wrdreg $0x9  }
0xb2: {  	_ =	task.clear_ibuf [dreg:s7], $0x6FFFF;
	_ =	strace $0x90000046  }
0xb3: {  	s29 =	simm.s32 $0x9;
	_ =	strace $0x80000048  }
0xb4: {  	_ =	swait.ge [sflag:s29], $0x1  }
0xb5: {  	[sflag:s29] =	ssyncadd.s32 $0xFFFFFFFF  }
0xb6: {  	_ =	strace $0x90000048  }
0xb7: {  	_ =	sfence  }
0xb8: {  	s30 =	sld [smem:$0x0];
	_ =	sdelay $0x2  }
0xb9: {  	s31 =	sshll.u32 s1, $0xD;
	s1 =	sshrl.u32 s1, $0x2  }
0xba: {  	s3 =	sand.u32 $0x4000, s31;
	s1 =	sadd.s32 s1, s30  }
0xbb: {  	s0 =	sor.u32 s3, s0;
	s1 =	sshll.u32 s1, $0x11  }
0xbc: {  	s0 =	sor.u32 s1, s0  }
0xbd: {  	s0 =	sadd.s32 $0x8F2B, s0  }
0xbe: {  	[sflag:s0] =	ssyncadd.remote.s32 $0x1  }
0xbf: {  	_ =	sfence.sel $0xFFFF  }
0xc0: {  	[dreg:$0x0] =	wrdreg $0xFFFFFFFF;
	(pc) =	sbr.abs _section_cstart, $3  }
0xc1: {  	[dreg:$0x1] =	wrdreg $0xFFFFFFFF  }
0xc2: {  	_ =	task.clear_ibuf [dreg:s7], $0x2FFFF;
	_ =	strace $0x9FFFFFFF  }
0xc3: {  	(tm) =	ssettm $0x7FFFFFFF  }
tec
execute0_lowered:
.L_overlay_start_1:
0x0: {  	(tag) =	ssettag $0x1  }
0x1: {  	s6 =	rddreg [dreg:$0x0]  }
0x2: {  	s12 =	rddreg [dreg:$0x1]  }
0x3: {  	s2 =	rddreg [dreg:$0x2]  }
0x4: {  	s0 =	rddreg [dreg:$0x3];
	s1 =	stileid.u32;
	s3 =	simm.s32 $0x0  }
0x5: {  	s5 =	srdreg.scid;
	s17 =	simm.s32 $0x28;
	s21 =	simm.s32 $0x0  }
0x6: {  	s4 =	smul.u32 $0x500, s1;
	[smem:$0x7FF] =	sst s3;
	s11 =	sand.u32 $0x1, s5  }
0x7: {  	s13 =	smul.u32 $0x280, s1;
	s14 =	sadd.s32 $0xA800, s6;
	s19 =	sshll.u32 s1, $0x6  }
0x8: {  	_ =	strace $0x80000047;
	s7 =	ssub.s32 $0x2, s11;
	s16 =	smul.u32 $0x28, s11  }
0x9: {  	p0 =	seq.s32 s11, $0x0;
	s18 =	smul.u32 $0x5000, s11;
	s19 =	sor.u32 $0x1C01, s19  }
0xa: {  	s10 =	sadd.s32 s4, s6;
	s4 =	sadd.s32 $0xA600, s6;
	s8 =	sshrl.u32 s7, $0x1  }
0xb: {  	s5 =	sadd.s32 s13, s2;
	s17 =	simm.s32 @!p0 $0x4F;
	s13 =	sshrl.u32 s13, $0x3  }
0xc: {  	s14 =	smov.u32 @p0 s12;
	s15 =	ssub.s32 s7, s8;
	s6 =	sadd.s32 $0x80, s5  }
.Ltmp0:
0xd: {  	s7 =	sadd.s32 $0x100, s5;
	s8 =	sadd.s32 $0x180, s5;
	(pc) =	sbr.rel .LBB2_1-.Ltmp0, $4  }
0xe: {  	s9 =	sadd.s32 $0x200, s5;
	s10 =	sadd.s32 $0x5600, s10;
	s12 =	sadd.s32 s14, s13  }
0xf: {  	s13 =	ssub.s32 s17, s16;
	s14 =	sshrl.u32 s18, $0x2;
	p0 =	sle.u32 s17, s16  }
0x10: {  	s16 =	simm.s32 $0x1;
	s17 =	simm.s32 $0x80;
	s18 =	simm.s32 $0x2800  }
0x11: {  	v0 =	vimm.f32 $1.000000000e+00;
	s20 =	sshrl.u32 s5, $0x3;
	s11 =	smax.u32 s15, $0x1;
	s15 =	simm.s32 $0x2880  }
.LBB2_4:
0x12: {  	[sflag:s16] =	ssyncadd.s32 $0xFFFFFF80  }
.LBB2_5:
0x13: {  	s21 =	sadd.s32 $0x1, s21  }
0x14: {  	p1 =	sne.s32 s21, s11  }
.Ltmp1:
0x15: {  	[bflag:$0x0] =	sbarrier.arrive $0xFFFF;
	(pc) =	sbr.rel @!p1 .LBB2_6-.Ltmp1, $4  }
0x16: {  	[hbm:s12], [sflag:s19] =	dma.local [spmem:s20], $0x50  }
0x17: {  	_ =	swait.ge [sflag:s16], $0x50  }
0x18: {  	[sflag:s16] =	ssyncset.done $0x0  }
0x19: {  	[sflag:s16] =	ssyncadd.s32 $0xFFFFFFB0  }
.LBB2_1:
0x1a: {  	[tilespmem:s15], [sflag:$0x1] =	stream.linear.gather [hbm4b:s4+s3], $0x80, $0x38;
	[tilespmem:$0x2B80] =	vst v63  }
0x1b: {  	_ =	swait.ge [sflag:s16], $0x80  }
0x1c: {  	[sflag:s16] =	ssyncset.done $0x0  }
0x1d: {  	[sflag:s16] =	ssyncadd.s32 $0xFFFFFF80  }
0x1e: {  	[spmem:s5] =	stream.linear.scatter [tilespmem:s15], [sflag:$0x1], $0x80, $0x38;
	[tilespmem:$0x2B80] =	vst v63  }
0x1f: {  	_ =	swait.ge [sflag:s16], $0x80  }
0x20: {  	[sflag:s16] =	ssyncset.done $0x0  }
0x21: {  	[sflag:s16] =	ssyncadd.s32 $0xFFFFFF80  }
0x22: {  	[spmem:s6] =	stream.linear.scatter [tilespmem:s15], [sflag:$0x1], $0x80, $0x38;
	[tilespmem:$0x2B80] =	vst v63  }
0x23: {  	_ =	swait.ge [sflag:s16], $0x80  }
0x24: {  	[sflag:s16] =	ssyncset.done $0x0  }
0x25: {  	[sflag:s16] =	ssyncadd.s32 $0xFFFFFF80  }
0x26: {  	[spmem:s7] =	stream.linear.scatter [tilespmem:s15], [sflag:$0x1], $0x80, $0x38;
	[tilespmem:$0x2B80] =	vst v63  }
0x27: {  	_ =	swait.ge [sflag:s16], $0x80  }
0x28: {  	[sflag:s16] =	ssyncset.done $0x0  }
0x29: {  	[sflag:s16] =	ssyncadd.s32 $0xFFFFFF80  }
0x2a: {  	[spmem:s8] =	stream.linear.scatter [tilespmem:s15], [sflag:$0x1], $0x80, $0x38;
	[tilespmem:$0x2B80] =	vst v63  }
0x2b: {  	_ =	swait.ge [sflag:s16], $0x80  }
0x2c: {  	[sflag:s16] =	ssyncset.done $0x0  }
0x2d: {  	[sflag:s16] =	ssyncadd.s32 $0xFFFFFF80  }
0x2e: {  	[spmem:s9] =	stream.linear.scatter [tilespmem:s15], [sflag:$0x1], $0x80, $0x38;
	[tilespmem:$0x2B80] =	vst v63  }
0x2f: {  	_ =	swait.ge [sflag:s16], $0x80  }
0x30: {  	[sflag:s16] =	ssyncset.done $0x0  }
0x31: {  	[sflag:s16] =	ssyncadd.s32 $0xFFFFFF80  }
0x32: {  	[tilespmem:$0x2800] =	vst v0  }
0x33: {  	[tilespmem:$0x2810] =	vst v0  }
0x34: {  	[tilespmem:$0x2820] =	vst v0  }
0x35: {  	[tilespmem:$0x2830] =	vst v0  }
0x36: {  	[tilespmem:$0x2840] =	vst v0  }
0x37: {  	[tilespmem:$0x2850] =	vst v0  }
0x38: {  	[tilespmem:$0x2860] =	vst v0  }
0x39: {  	[tilespmem:$0x2870] =	vst v0  }
0x3a: {  	[tilespmem:s3], [sflag:$0x1] =	stream.linear.gather [hbm4b:s10+s3], $0x2780, $0x38;
	[tilespmem:$0x2B80] =	vst v63  }
.Ltmp2:
0x3b: {  	_ =	swait.ge [sflag:s16], $0x2780;
	(pc) =	sbr.rel @p0 .LBB2_5-.Ltmp2, $3  }
0x3c: {  	[sflag:s16] =	ssyncset.done $0x0  }
0x3d: {  	[sflag:s16] =	ssyncadd.s32 $0xFFFFD880  }
0x3e: {  	[bflag:$0x0] =	sbarrier.arrive $0xFFFF;
	_ =	sdelay $0x1  }
0x3f: {  	p1 =	sne.s32 s13, $0x1  }
.Ltmp3:
0x40: {  	_ = 	snop;
	(pc) =	sbr.rel @!p1 .LBB2_4-.Ltmp3, $4  }
0x41: {  	_ = 	snop  }
0x42: {  	[spmem:s2] =	stream.indirect.scatter.add.f32 [tilespmem:s18], [sflag:$0x1], $0x1, s14, s17, $0xb8;
	[tilespmem:$0x2B80] =	vst v63  }
0x43: {  	_ =	swait.ge [sflag:s16], $0x80  }
0x44: {  	s22 =	sadd.s32 $0xFFFFFFFF, s13;
	s23 =	smov.u32 s14;
	[sflag:s16] =	ssyncset.done $0x0  }
.LBB2_3:
0x45: {  	p1 =	sne.s32 s22, $0x1;
	[sflag:s16] =	ssyncadd.s32 $0xFFFFFF80;
	s23 =	sadd.s32 $0x80, s23  }
.Ltmp4:
0x46: {  	s22 =	sadd.s32 $0xFFFFFFFF, s22;
	(pc) =	sbr.rel @p1 .LBB2_3-.Ltmp4, $4  }
0x47: {  	_ = 	snop  }
0x48: {  	[spmem:s2] =	stream.indirect.scatter.add.f32 [tilespmem:s18], [sflag:$0x1], $0x1, s23, s17, $0xb8;
	[tilespmem:$0x2B80] =	vst v63  }
0x49: {  	_ =	swait.ge [sflag:s16], $0x80  }
0x4a: {  	[sflag:s16] =	ssyncset.done $0x0  }
.Ltmp5:
0x4b: {  	_ = 	snop;
	(pc) =	sbr.rel .LBB2_4-.Ltmp5, $1  }
0x4c: {  	_ =	sdelay $0x3  }
.LBB2_6:
0x4d: {  	_ =	sfence.sel $0x180000  }
0x4e: {  	[bflag:$0x0] =	sbarrier.arrive $0xFFFF  }
0x4f: {  	p0 =	sne.s32 s1, $0x0;
	_ =	strace $0x90000047  }
0x50: {  	s0 =	sadd.s32 @!p0 $0x100000, s0;
	[bflag:$0x2] =	sbarrier.arrive $0xFFFF  }
0x51: {  	[sflag:s0] =	ssyncadd.tile.s32 @!p0 $0x1;
	_ =	shalt  }
.Lfunc_end2:
_tile_overlayer_lowered:
.L_overlay_start_2:
0x52: {  	(tag) =	ssettag $0x2  }
0x53: {  	s0 =	rddreg [dreg:$0x0];
	s2 =	stileid.u32  }
0x54: {  	s1 =	rddreg [dreg:$0x1];
	p0 =	sne.s32 s2, $0x0  }
0x55: {  	s3 =	rddreg [dreg:$0x2];
	[bflag:$0x3] =	sbarrier.arrive $0xFFFF;
	s2 =	simm.s32 @!p0 $0x1C01  }
0x56: {  	[timem:s3], [sflag:s2] =	dma.local @!p0 [hbm:s0], s1  }
0x57: {  	s0 =	simm.s32 @!p0 $0x1  }
0x58: {  	_ =	swait.ge @!p0 [sflag:s0], s1  }
0x59: {  	s1 =	ssub.s32 @!p0 $0x0, s1;
	[sflag:s0] =	ssyncset.done @!p0 $0x0  }
0x5a: {  	[sflag:s0] =	ssyncadd.s32 @!p0 s1  }
0x5b: {  	[bflag:$0x3] =	sbarrier.arrive $0xFFFF  }
0x5c: {  	_ =	shalt  }

// kernel: kernel.13.cloned.1.call-start
scs
__scs_entry_jumppad:
0x0: {  	(pc) =	sbr.rel $0x88, $3  }
0x1: {  	(tag) =	ssettag $0x0;
	lr =	simm.s32 $0x1  }
0x2: {  	[smem:$0x3F94] =	sst lr;
	_ =	strace $0xD0000000  }
0x3: {  	_ = 	snop  }
0x4: {  	_ = 	snop  }
0x5: {  	_ = 	snop  }
0x6: {  	_ = 	snop  }
0x7: {  	_ = 	snop  }
__scs_overlays_trampoline_lowered:
0x8: {  	[smem:$0x3FA3] =	sst s0  }
0x9: {  	[smem:$0x3FA4] =	sst s1  }
0xa: {  	[smem:$0x3FA5] =	sst s2  }
0xb: {  	[smem:$0x3FA6] =	sst s3  }
0xc: {  	[smem:$0x3FA7] =	sst s4  }
0xd: {  	[smem:$0x3FA8] =	sst s5  }
0xe: {  	[smem:$0x3FA9] =	sst s6  }
0xf: {  	[smem:$0x3FAA] =	sst s7  }
0x10: {  	[smem:$0x3FAB] =	sst s8  }
0x11: {  	[smem:$0x3FAC] =	sst s9;
	s0 =	simm.s32 @!p0 $0x0  }
0x12: {  	s1 =	sld [smem:$0x3F92];
	s0 =	simm.s32 @p0 $0x1  }
0x13: {  	[smem:$0x3FAD] =	sst s0;
	s0 =	simm.s32 @!p1 $0x0  }
0x14: {  	s2 =	sld [smem:$0x3F91];
	s0 =	simm.s32 @p1 $0x1  }
0x15: {  	[smem:$0x3FAE] =	sst s0;
	s0 =	simm.s32 @!p2 $0x0  }
0x16: {  	s3 =	sld [smem:$0x3FDB];
	s0 =	simm.s32 @p2 $0x1  }
0x17: {  	s4 =	simm.s32 $0x1BF5;
	[smem:$0x3FB0] =	sst s0  }
0x18: {  	s0 =	sld [smem:$0x3F93];
	_ =	swait.ge [sflag:s4], $0x0  }
0x19: {  	s7 =	sld [smem:$0x3F94]  }
0x1a: {  	s8 =	sadd.s32 $0xFFFFE003, lr  }
0x1b: {  	s9 =	sadd.s32 $0xFFFFFEF7, lr;
	s5 =	simm.s32 $0xFFFFFFFF;
	p2 =	slt.u32 s8, $0xFFFFF086  }
0x1c: {  	p1 =	slt.u32 s9, $0xF7A;
	s5 =	simm.s32 @!p2 $0x0  }
0x1d: {  	s5 =	simm.s32 @p1 $0x1;
	p0 =	seq.s32 s7, s2  }
0x1e: {  	s7 =	smul.u32 @!p0 $0xF7A, s2;
	p2 =	seq.s32 @!p0 s5, $0x0  }
0x1f: {  	s9 =	smul.u32 $0xF7A, s1;
	s8 =	simm.s32 @!p0 $0x1BF5;
	p2 =	por !p2, p0  }
0x20: {  	[sflag:s8] =	ssyncset.s32 @!p0 $0xFFFFF086;
	s6 =	sadd.s32 @!p0 s3, s7;
	s7 =	simm.s32 @!p0 $0x108  }
0x21: {  	s3 =	sadd.s32 s3, s9;
	s6 =	sadd.s32 @!p0 $0x88, s6;
	s7 =	simm.s32 @p2 $0x1082  }
0x22: {  	[simem:s7], [sflag:s8] =	dma.local @!p0 [hbm:s6], $0xF7A  }
0x23: {  	s9 =	sor.u32 $0xD0000000, s2;
	s6 =	simm.s32 $0x108;
	_ =	swait.ge @!p0 [sflag:s8], $0x0  }
0x24: {  	s3 =	sadd.s32 $0x88, s3;
	s6 =	simm.s32 @!p1 $0x1082;
	[sflag:s4] =	ssyncset.s32 $0xFFFFF086  }
0x25: {  	[simem:s6], [sflag:s4] =	dma.local [hbm:s3], $0xF7A  }
0x26: {  	[smem:$0x3F94] =	sst s1;
	(tag) =	ssettag s2;
	_ =	strace s9  }
0x27: {  	s1 =	sld [smem:$0x3FA4]  }
0x28: {  	s2 =	sld [smem:$0x3FA5]  }
0x29: {  	s4 =	sld [smem:$0x3FA7]  }
0x2a: {  	p0 =	seq.s32 s5, $0x0;
	s5 =	sld [smem:$0x3FA8]  }
0x2b: {  	s6 =	sld [smem:$0x3FA9]  }
0x2c: {  	s7 =	sld [smem:$0x3FAA]  }
0x2d: {  	s3 =	simm.s32 $0x108;
	s8 =	sld [smem:$0x3FAB]  }
0x2e: {  	s3 =	simm.s32 @!p0 $0x1082;
	s9 =	sld [smem:$0x3FAC]  }
0x2f: {  	lr =	sadd.s32 s0, s3;
	s0 =	sld [smem:$0x3FA3]  }
0x30: {  	s3 =	sld [smem:$0x3FA6]  }
0x31: {  	[smem:$0x3FAF] =	sst s10  }
0x32: {  	s10 =	sld [smem:$0x3FAD];
	_ =	sdelay $0x3  }
0x33: {  	p0 =	seq.s32 s10, $0x1;
	s10 =	sld [smem:$0x3FAF];
	_ =	sdelay $0x3  }
0x34: {  	[smem:$0x3FAF] =	sst s10  }
0x35: {  	s10 =	sld [smem:$0x3FAE];
	_ =	sdelay $0x3  }
0x36: {  	p1 =	seq.s32 s10, $0x1;
	s10 =	sld [smem:$0x3FAF];
	_ =	sdelay $0x3  }
0x37: {  	[smem:$0x3FAF] =	sst s10  }
0x38: {  	s10 =	sld [smem:$0x3FB0]  }
0x39: {  	_ = 	snop;
	(pc) =	sbr.ind lr, $3  }
0x3a: {  	_ = 	snop  }
0x3b: {  	_ = 	snop  }
0x3c: {  	p2 =	seq.s32 s10, $0x1;
	s10 =	sld [smem:$0x3FAF]  }
0x3d: {  	_ =	shalt  }
0x3e: {  	_ =	shalt  }
0x3f: {  	_ =	shalt  }
0x40: {  	_ =	shalt  }
0x41: {  	_ =	shalt  }
0x42: {  	_ =	shalt  }
0x43: {  	_ =	shalt  }
0x44: {  	_ =	shalt  }
0x45: {  	_ =	shalt  }
0x46: {  	_ =	shalt  }
0x47: {  	_ =	shalt  }
0x48: {  	_ =	shalt  }
0x49: {  	_ =	shalt  }
0x4a: {  	_ =	shalt  }
0x4b: {  	_ =	shalt  }
0x4c: {  	_ =	shalt  }
0x4d: {  	_ =	shalt  }
0x4e: {  	_ =	shalt  }
0x4f: {  	_ =	shalt  }
0x50: {  	_ =	shalt  }
0x51: {  	_ =	shalt  }
0x52: {  	_ =	shalt  }
0x53: {  	_ =	shalt  }
0x54: {  	_ =	shalt  }
0x55: {  	_ =	shalt  }
0x56: {  	_ =	shalt  }
0x57: {  	_ =	shalt  }
0x58: {  	_ =	shalt  }
0x59: {  	_ =	shalt  }
0x5a: {  	_ =	shalt  }
0x5b: {  	_ =	shalt  }
0x5c: {  	_ =	shalt  }
0x5d: {  	_ =	shalt  }
0x5e: {  	_ =	shalt  }
0x5f: {  	_ =	shalt  }
0x60: {  	_ =	shalt  }
0x61: {  	_ =	shalt  }
0x62: {  	_ =	shalt  }
0x63: {  	_ =	shalt  }
0x64: {  	_ =	shalt  }
0x65: {  	_ =	shalt  }
0x66: {  	_ =	shalt  }
0x67: {  	_ =	shalt  }
0x68: {  	_ =	shalt  }
0x69: {  	_ =	shalt  }
0x6a: {  	_ =	shalt  }
0x6b: {  	_ =	shalt  }
0x6c: {  	_ =	shalt  }
0x6d: {  	_ =	shalt  }
0x6e: {  	_ =	shalt  }
0x6f: {  	_ =	shalt  }
0x70: {  	_ =	shalt  }
0x71: {  	_ =	shalt  }
0x72: {  	_ =	shalt  }
0x73: {  	_ =	shalt  }
0x74: {  	_ =	shalt  }
0x75: {  	_ =	shalt  }
0x76: {  	_ =	shalt  }
0x77: {  	_ =	shalt  }
0x78: {  	_ =	shalt  }
0x79: {  	_ =	shalt  }
0x7a: {  	_ =	shalt  }
0x7b: {  	_ =	shalt  }
0x7c: {  	_ =	shalt  }
0x7d: {  	_ =	shalt  }
0x7e: {  	_ =	shalt  }
0x7f: {  	_ =	shalt  }
0x80: {  	_ =	shalt  }
0x81: {  	_ =	shalt  }
0x82: {  	_ =	shalt  }
0x83: {  	_ =	shalt  }
0x84: {  	_ =	shalt  }
0x85: {  	_ =	shalt  }
0x86: {  	_ =	shalt  }
0x87: {  	_ =	shalt  }
.Lfunc_end0:
.L_simem_size_0:
called_computation.1_lowered:
.L_overlay_start_0:
0x88: {  	s2 =	sld [smem:$0x3FD9]  }
0x89: {  	s3 =	sld [smem:$0x3FFE];
	_ =	sdelay $0x1  }
0x8a: {  	s1 =	srdreg.scid  }
0x8b: {  	s0 =	sand.u32 $0x1, s1  }
0x8c: {  	s16 =	sshll.u32 s0, $0xA;
	s2 =	sadd.s32 s3, s2  }
0x8d: {  	s2 =	sadd.s32 s2, s16  }
0x8e: {  	[smem:$0x3FBB] =	sst s2  }
0x8f: {  	_ = 	snop  }
0x90: {  	(tm) =	ssettm $0x1  }
0x91: {  	s17 =	sld [smem:$0x3FFB];
	_ =	sdelay $0x3  }
0x92: {  	_ =	strace s17  }
0x93: {  	s2 =	sld [smem:$0x3FFC];
	_ =	sdelay $0x3  }
0x94: {  	_ =	strace s2  }
0x95: {  	s2 =	sld [smem:$0x3FFD];
	_ =	sdelay $0x3  }
0x96: {  	_ =	strace s2  }
0x97: {  	_ =	strace $0x8FFFFFFF  }
0x98: {  	s18 =	sld [smem:$0x3FDB];
	_ =	sdelay $0x1  }
0x99: {  	s19 =	simm.s32 $_scs_section_size  }
0x9a: {  	s4 =	simm.s32 $_size__tile_overlayer_lowered;
	s5 =	simm.s32 $_tile_overlayer_lowered  }
0x9b: {  	s22 =	simm.s32 $0x1BFF;
	s21 =	sshll.u32 s5, $0x1;
	s2 =	sadd.s32 s19, s18  }
0x9c: {  	s6 =	simm.s32 $0x0;
	s20 =	sshll.u32 s4, $0x1;
	s4 =	sadd.s32 s21, s2  }
0x9d: {  	[timem:s6], [sflag:s22] =	dma.local [hbm:s4], s20  }
0x9e: {  	_ =	swait.ge [sflag:s22], s20  }
0x9f: {  	s3 =	ssub.s32 $0x0, s20;
	[sflag:s22] =	ssyncset.done $0x0  }
0xa0: {  	[sflag:s22] =	ssyncadd.s32 s3;
	_ =	sdelay $0x1  }
0xa1: {  	s23 =	simm.s32 $0x1B8B  }
0xa2: {  	_ =	swait.ge [sflag:s23], $0x1  }
0xa3: {  	[sflag:s23] =	ssyncset.done $0x0  }
0xa4: {  	s25 =	simm.s32 $0x1B8E;
	s24 =	sld [smem:$0x3FFE];
	[sflag:s23] =	ssyncadd.s32 $0xFFFFFFFF  }
0xa5: {  	s26 =	simm.s32 $execute0_lowered;
	[smem:$0x3FD2] =	sst s25  }
0xa6: {  	s4 =	sshll.u32 s26, $0x1;
	_ =	strace $0x80000049;
	[dreg:$0x1] =	wrdreg $0xFFFFFFFF  }
0xa7: {  	s28 =	simm.s32 $_size_execute0_lowered;
	s2 =	sadd.s32 s2, s4;
	[dreg:$0x0] =	wrdreg $0x0  }
0xa8: {  	s4 =	sshll.u32 s28, $0x1;
	[dreg:$0x2] =	wrdreg s2  }
0xa9: {  	[dreg:$0x3] =	wrdreg s4  }
0xaa: {  	[dreg:$0x4] =	wrdreg $0xC0  }
0xab: {  	_ =	task [dreg:s6], $0x5FFFF  }
0xac: {  	[dreg:$0x1] =	wrdreg $0xFFFFFFFF  }
0xad: {  	[dreg:$0x0] =	wrdreg $0x60  }
0xae: {  	[dreg:$0x2] =	wrdreg s24  }
0xaf: {  	[dreg:$0x3] =	wrdreg $0x90000  }
0xb0: {  	[dreg:$0x4] =	wrdreg $0x9  }
0xb1: {  	_ =	task.clear_ibuf [dreg:s6], $0x5FFFF;
	_ =	strace $0x90000049  }
0xb2: {  	s29 =	simm.s32 $0x9;
	_ =	strace $0x8000004B  }
0xb3: {  	_ =	swait.ge [sflag:s29], $0x1  }
0xb4: {  	[sflag:s29] =	ssyncadd.s32 $0xFFFFFFFF  }
0xb5: {  	_ =	strace $0x9000004B  }
0xb6: {  	_ =	sfence  }
0xb7: {  	s30 =	sld [smem:$0x0];
	_ =	sdelay $0x2  }
0xb8: {  	s31 =	sshll.u32 s1, $0xD;
	s1 =	sshrl.u32 s1, $0x2  }
0xb9: {  	s3 =	sand.u32 $0x4000, s31;
	s1 =	sadd.s32 s1, s30  }
0xba: {  	s0 =	sor.u32 s3, s0;
	s1 =	sshll.u32 s1, $0x11  }
0xbb: {  	s0 =	sor.u32 s1, s0  }
0xbc: {  	s0 =	sadd.s32 $0x8F2B, s0  }
0xbd: {  	[sflag:s0] =	ssyncadd.remote.s32 $0x1  }
0xbe: {  	_ =	sfence.sel $0xFFFF  }
0xbf: {  	[dreg:$0x0] =	wrdreg $0xFFFFFFFF;
	(pc) =	sbr.abs _section_cstart, $3  }
0xc0: {  	[dreg:$0x1] =	wrdreg $0xFFFFFFFF  }
0xc1: {  	_ =	task.clear_ibuf [dreg:s6], $0x2FFFF;
	_ =	strace $0x9FFFFFFF  }
0xc2: {  	(tm) =	ssettm $0x7FFFFFFF  }
0xc3: {  	_ =	shalt  }
tec
execute0_lowered:
.L_overlay_start_1:
0x0: {  	(tag) =	ssettag $0x1  }
0x1: {  	s8 =	rddreg [dreg:$0x0]  }
0x2: {  	s1 =	rddreg [dreg:$0x1]  }
0x3: {  	s0 =	rddreg [dreg:$0x2];
	s3 =	simm.s32 $0x0;
	s2 =	stileid.u32  }
0x4: {  	s7 =	srdreg.scid;
	s19 =	simm.s32 $0x2;
	s20 =	simm.s32 $0x2800  }
0x5: {  	s21 =	simm.s32 $0x80;
	s22 =	simm.s32 $0x1;
	s25 =	simm.s32 $0x0  }
0x6: {  	[smem:$0x7FF] =	sst s3;
	s4 =	sadd.s32 $0x5FE00, s8;
	s6 =	smul.u32 $0x500, s2  }
0x7: {  	s5 =	sadd.s32 $0x87000, s8;
	s18 =	sand.u32 $0x1, s7;
	s9 =	smul.u32 $0x50000, s2  }
0x8: {  	s7 =	sadd.s32 $0xAEA00, s8;
	s16 =	smul.u32 $0x2800, s2;
	s23 =	sshll.u32 s2, $0x6  }
0x9: {  	_ =	strace $0x8000004A;
	s10 =	ssub.s32 $0x2, s18;
	p0 =	sne.s32 s18, $0x0  }
0xa: {  	s18 =	simm.s32 $0x5000;
	s23 =	sor.u32 $0x1C02, s23;
	s15 =	sadd.s32 s6, s8  }
.Ltmp0:
0xb: {  	s6 =	sadd.s32 $0xAE200, s8;
	s11 =	sshrl.u32 s10, $0x1;
	(pc) =	sbr.rel .LBB2_1-.Ltmp0, $4  }
0xc: {  	s9 =	sshrl.u32 s9, $0x2;
	s8 =	sadd.s32 $0xD6A00, s8;
	s17 =	ssub.s32 s10, s11  }
0xd: {  	s9 =	sadd.s32 s9, s1;
	s14 =	sadd.s32 $0xAE00, s15;
	s15 =	sadd.s32 $0x5600, s15  }
0xe: {  	s10 =	sadd.s32 $0x4000, s9;
	s11 =	sadd.s32 $0x8000, s9;
	s12 =	sadd.s32 $0xC000, s9  }
0xf: {  	s13 =	sadd.s32 $0x10000, s9;
	s17 =	smax.u32 s17, $0x1;
	s24 =	sshrl.u32 s9, $0x3  }
.LBB2_7:
0x10: {  	s26 =	sshra.s32 s26, $0x2;
	[sflag:s19] =	ssyncadd.s32 $0xFFFFC000  }
0x11: {  	[tilespmem:s18], [sflag:$0x1] =	stream.indirect.gather [hbm4b:s5+s21], $0x80, s26, s21, $0xb8;
	[tilespmem:$0x1D000] =	vst v63  }
0x12: {  	_ =	swait.ge [sflag:s22], $0x4000  }
0x13: {  	[sflag:s22] =	ssyncset.done $0x0  }
0x14: {  	s26 =	sadd.s32 $0x2800, s26;
	[sflag:s22] =	ssyncadd.s32 $0xFFFFC000  }
0x15: {  	[spmem:s1] =	stream.indirect.scatter.add.f32 [tilespmem:s18], [sflag:$0x2], $0x80, s26, s21, $0xb8;
	[tilespmem:$0x1D000] =	vst v63  }
0x16: {  	_ =	swait.ge [sflag:s19], $0x4000  }
0x17: {  	[sflag:s19] =	ssyncset.done $0x0  }
0x18: {  	s26 =	smov.u32 s8;
	[sflag:s19] =	ssyncadd.s32 $0xFFFFC000  }
.LBB2_8:
0x19: {  	s25 =	sadd.s32 $0x1, s25  }
0x1a: {  	p1 =	sne.s32 s25, s17  }
.Ltmp1:
0x1b: {  	s26 =	sadd.s32 s26, s16;
	[bflag:$0x0] =	sbarrier.arrive $0xFFFF;
	(pc) =	sbr.rel @!p1 .LBB2_9-.Ltmp1, $4  }
0x1c: {  	[hbm:s26], [sflag:s23] =	dma.local [spmem:s24], $0x2800  }
0x1d: {  	_ =	swait.ge [sflag:s19], $0x2800  }
0x1e: {  	[sflag:s19] =	ssyncset.done $0x0  }
0x1f: {  	[sflag:s19] =	ssyncadd.s32 $0xFFFFD800  }
.LBB2_1:
0x20: {  	[tilespmem:s18], [sflag:$0x2] =	stream.linear.gather [hbm4b:s6+s3], $0x4000, $0x38;
	[tilespmem:$0x1D000] =	vst v63  }
0x21: {  	_ =	swait.ge [sflag:s19], $0x4000  }
0x22: {  	[sflag:s19] =	ssyncset.done $0x0  }
0x23: {  	[sflag:s19] =	ssyncadd.s32 $0xFFFFC000  }
0x24: {  	[spmem:s9] =	stream.linear.scatter [tilespmem:s18], [sflag:$0x2], $0x4000, $0x38;
	[tilespmem:$0x1D000] =	vst v63  }
0x25: {  	_ =	swait.ge [sflag:s19], $0x4000  }
0x26: {  	[sflag:s19] =	ssyncset.done $0x0  }
0x27: {  	[sflag:s19] =	ssyncadd.s32 $0xFFFFC000  }
0x28: {  	[spmem:s10] =	stream.linear.scatter [tilespmem:s18], [sflag:$0x2], $0x4000, $0x38;
	[tilespmem:$0x1D000] =	vst v63  }
0x29: {  	_ =	swait.ge [sflag:s19], $0x4000  }
0x2a: {  	[sflag:s19] =	ssyncset.done $0x0  }
0x2b: {  	[sflag:s19] =	ssyncadd.s32 $0xFFFFC000  }
0x2c: {  	[spmem:s11] =	stream.linear.scatter [tilespmem:s18], [sflag:$0x2], $0x4000, $0x38;
	[tilespmem:$0x1D000] =	vst v63  }
0x2d: {  	_ =	swait.ge [sflag:s19], $0x4000  }
0x2e: {  	[sflag:s19] =	ssyncset.done $0x0  }
0x2f: {  	[sflag:s19] =	ssyncadd.s32 $0xFFFFC000  }
0x30: {  	[spmem:s12] =	stream.linear.scatter [tilespmem:s18], [sflag:$0x2], $0x4000, $0x38;
	[tilespmem:$0x1D000] =	vst v63  }
0x31: {  	_ =	swait.ge [sflag:s19], $0x4000  }
0x32: {  	[sflag:s19] =	ssyncset.done $0x0  }
0x33: {  	[sflag:s19] =	ssyncadd.s32 $0xFFFFC000  }
0x34: {  	[spmem:s13] =	stream.linear.scatter [tilespmem:s18], [sflag:$0x2], $0x4000, $0x38;
	[tilespmem:$0x1D000] =	vst v63  }
0x35: {  	_ =	swait.ge [sflag:s19], $0x4000  }
0x36: {  	[sflag:s19] =	ssyncset.done $0x0  }
0x37: {  	[sflag:s19] =	ssyncadd.s32 $0xFFFFC000  }
0x38: {  	[tilespmem:s3], [sflag:$0x2] =	stream.linear.gather [hbm4b:s14+s3], $0x2780, $0x38;
	[tilespmem:$0x1D000] =	vst v63  }
0x39: {  	_ =	swait.ge [sflag:s19], $0x2780  }
0x3a: {  	[sflag:s19] =	ssyncset.done $0x0  }
0x3b: {  	[sflag:s19] =	ssyncadd.s32 $0xFFFFD880  }
0x3c: {  	[tilespmem:s20], [sflag:$0x2] =	stream.linear.gather [hbm4b:s15+s3], $0x2780, $0x38;
	[tilespmem:$0x1D000] =	vst v63  }
.Ltmp2:
0x3d: {  	_ =	swait.ge [sflag:s19], $0x2780;
	(pc) =	sbr.rel @p0 .LBB2_5-.Ltmp2, $4  }
0x3e: {  	[sflag:s19] =	ssyncset.done $0x0  }
0x3f: {  	[sflag:s19] =	ssyncadd.s32 $0xFFFFD880  }
0x40: {  	[bflag:$0x0] =	sbarrier.arrive $0xFFFF  }
0x41: {  	s26 =	simm.s32 $0x0  }
0x42: {  	[tilespmem:s18], [sflag:$0x1] =	stream.indirect.gather [hbm4b:s4+s21], $0x80, s26, s21, $0xb8;
	[tilespmem:$0x1D000] =	vst v63  }
0x43: {  	_ =	swait.ge [sflag:s22], $0x4000  }
0x44: {  	[sflag:s22] =	ssyncset.done $0x0  }
0x45: {  	s31 =	simm.s32 $0x2800;
	[sflag:s22] =	ssyncadd.s32 $0xFFFFC000  }
0x46: {  	[spmem:s1] =	stream.indirect.scatter.add.f32 [tilespmem:s18], [sflag:$0x2], $0x80, s31, s21, $0xb8;
	[tilespmem:$0x1D000] =	vst v63  }
0x47: {  	_ =	swait.ge [sflag:s19], $0x4000  }
0x48: {  	s26 =	simm.s32 $0x200;
	s28 =	simm.s32 $0x400;
	[sflag:s19] =	ssyncset.done $0x0  }
.LBB2_3:
0x49: {  	s29 =	sshra.s32 s26, $0x2  }
0x4a: {  	[sflag:s19] =	ssyncadd.s32 $0xFFFFC000;
	s26 =	smov.u32 s28;
	s30 =	sadd.s32 $0x200, s28  }
0x4b: {  	[tilespmem:s18], [sflag:$0x1] =	stream.indirect.gather [hbm4b:s4+s21], $0x80, s29, s21, $0xb8;
	[tilespmem:$0x1D000] =	vst v63  }
0x4c: {  	p1 =	seq.s32 s28, $0x9C00;
	_ =	swait.ge [sflag:s22], $0x4000  }
.Ltmp3:
0x4d: {  	[sflag:s22] =	ssyncset.done $0x0;
	(pc) =	sbr.rel @!p1 .LBB2_3-.Ltmp3, $4  }
0x4e: {  	s28 =	sadd.s32 $0x2800, s29;
	[sflag:s22] =	ssyncadd.s32 $0xFFFFC000  }
0x4f: {  	[spmem:s1] =	stream.indirect.scatter.add.f32 [tilespmem:s18], [sflag:$0x2], $0x80, s28, s21, $0xb8;
	[tilespmem:$0x1D000] =	vst v63  }
0x50: {  	_ =	swait.ge [sflag:s19], $0x4000  }
0x51: {  	s28 =	smov.u32 s30;
	[sflag:s19] =	ssyncset.done $0x0  }
0x52: {  	s26 =	sshra.s32 s26, $0x2;
	[sflag:s19] =	ssyncadd.s32 $0xFFFFC000  }
0x53: {  	[tilespmem:s18], [sflag:$0x1] =	stream.indirect.gather [hbm4b:s4+s21], $0x80, s26, s21, $0xb8;
	[tilespmem:$0x1D000] =	vst v63  }
0x54: {  	_ =	swait.ge [sflag:s22], $0x4000  }
0x55: {  	[sflag:s22] =	ssyncset.done $0x0  }
.Ltmp4:
0x56: {  	s26 =	sadd.s32 $0x2800, s26;
	[sflag:s22] =	ssyncadd.s32 $0xFFFFC000;
	(pc) =	sbr.rel .LBB2_8-.Ltmp4, $4  }
0x57: {  	[spmem:s1] =	stream.indirect.scatter.add.f32 [tilespmem:s18], [sflag:$0x2], $0x80, s26, s21, $0xb8;
	[tilespmem:$0x1D000] =	vst v63  }
0x58: {  	_ =	swait.ge [sflag:s19], $0x4000  }
0x59: {  	[sflag:s19] =	ssyncset.done $0x0  }
0x5a: {  	s26 =	smov.u32 s7;
	[sflag:s19] =	ssyncadd.s32 $0xFFFFC000  }
.LBB2_5:
0x5b: {  	[tilespmem:s18], [sflag:$0x1] =	stream.indirect.gather [hbm4b:s5+s21], $0x80, s26, s21, $0xb8;
	[tilespmem:$0x1D000] =	vst v63  }
0x5c: {  	_ =	swait.ge [sflag:s22], $0x4000  }
0x5d: {  	[sflag:s22] =	ssyncset.done $0x0  }
0x5e: {  	s31 =	simm.s32 $0x2800;
	[sflag:s22] =	ssyncadd.s32 $0xFFFFC000  }
0x5f: {  	[spmem:s1] =	stream.indirect.scatter.add.f32 [tilespmem:s18], [sflag:$0x2], $0x80, s31, s21, $0xb8;
	[tilespmem:$0x1D000] =	vst v63  }
0x60: {  	_ =	swait.ge [sflag:s19], $0x4000  }
0x61: {  	s26 =	simm.s32 $0x200;
	s28 =	simm.s32 $0x400;
	[sflag:s19] =	ssyncset.done $0x0  }
.LBB2_6:
0x62: {  	s29 =	sshra.s32 s26, $0x2  }
0x63: {  	[sflag:s19] =	ssyncadd.s32 $0xFFFFC000;
	s26 =	smov.u32 s28;
	s30 =	sadd.s32 $0x200, s28  }
0x64: {  	[tilespmem:s18], [sflag:$0x1] =	stream.indirect.gather [hbm4b:s5+s21], $0x80, s29, s21, $0xb8;
	[tilespmem:$0x1D000] =	vst v63  }
0x65: {  	p1 =	sne.s32 s28, $0x9C00;
	_ =	swait.ge [sflag:s22], $0x4000  }
.Ltmp5:
0x66: {  	[sflag:s22] =	ssyncset.done $0x0;
	(pc) =	sbr.rel @p1 .LBB2_6-.Ltmp5, $4  }
0x67: {  	s28 =	sadd.s32 $0x2800, s29;
	[sflag:s22] =	ssyncadd.s32 $0xFFFFC000  }
0x68: {  	[spmem:s1] =	stream.indirect.scatter.add.f32 [tilespmem:s18], [sflag:$0x2], $0x80, s28, s21, $0xb8;
	[tilespmem:$0x1D000] =	vst v63  }
0x69: {  	_ =	swait.ge [sflag:s19], $0x4000  }
0x6a: {  	s28 =	smov.u32 s30;
	[sflag:s19] =	ssyncset.done $0x0  }
.Ltmp6:
0x6b: {  	_ = 	snop;
	(pc) =	sbr.rel .LBB2_7-.Ltmp6, $1  }
0x6c: {  	_ =	sdelay $0x3  }
.LBB2_9:
0x6d: {  	_ =	sfence.sel $0x180000  }
0x6e: {  	[bflag:$0x0] =	sbarrier.arrive $0xFFFF  }
0x6f: {  	p0 =	sne.s32 s2, $0x0;
	_ =	strace $0x9000004A  }
0x70: {  	s0 =	sadd.s32 @!p0 $0x100000, s0;
	[bflag:$0x2] =	sbarrier.arrive $0xFFFF  }
0x71: {  	[sflag:s0] =	ssyncadd.tile.s32 @!p0 $0x1;
	_ =	shalt  }
.Lfunc_end2:
_tile_overlayer_lowered:
.L_overlay_start_2:
0x72: {  	(tag) =	ssettag $0x2  }
0x73: {  	s0 =	rddreg [dreg:$0x0];
	s2 =	stileid.u32  }
0x74: {  	s1 =	rddreg [dreg:$0x1];
	p0 =	sne.s32 s2, $0x0  }
0x75: {  	s3 =	rddreg [dreg:$0x2];
	[bflag:$0x3] =	sbarrier.arrive $0xFFFF;
	s2 =	simm.s32 @!p0 $0x1C02  }
0x76: {  	[timem:s3], [sflag:s2] =	dma.local @!p0 [hbm:s0], s1  }
0x77: {  	s0 =	simm.s32 @!p0 $0x2  }
0x78: {  	_ =	swait.ge @!p0 [sflag:s0], s1  }
0x79: {  	s1 =	ssub.s32 @!p0 $0x0, s1;
	[sflag:s0] =	ssyncset.done @!p0 $0x0  }
0x7a: {  	[sflag:s0] =	ssyncadd.s32 @!p0 s1  }
0x7b: {  	[bflag:$0x3] =	sbarrier.arrive $0xFFFF  }
0x7c: {  	_ =	shalt  }

// kernel: kernel.16.cloned.1.call-start
scs
__scs_entry_jumppad:
0x0: {  	(pc) =	sbr.rel $0x88, $3  }
0x1: {  	(tag) =	ssettag $0x0;
	lr =	simm.s32 $0x1  }
0x2: {  	[smem:$0x3F94] =	sst lr;
	_ =	strace $0xD0000000  }
0x3: {  	_ = 	snop  }
0x4: {  	_ = 	snop  }
0x5: {  	_ = 	snop  }
0x6: {  	_ = 	snop  }
0x7: {  	_ = 	snop  }
__scs_overlays_trampoline_lowered:
0x8: {  	[smem:$0x3FA3] =	sst s0  }
0x9: {  	[smem:$0x3FA4] =	sst s1  }
0xa: {  	[smem:$0x3FA5] =	sst s2  }
0xb: {  	[smem:$0x3FA6] =	sst s3  }
0xc: {  	[smem:$0x3FA7] =	sst s4  }
0xd: {  	[smem:$0x3FA8] =	sst s5  }
0xe: {  	[smem:$0x3FA9] =	sst s6  }
0xf: {  	[smem:$0x3FAA] =	sst s7  }
0x10: {  	[smem:$0x3FAB] =	sst s8  }
0x11: {  	[smem:$0x3FAC] =	sst s9;
	s0 =	simm.s32 @!p0 $0x0  }
0x12: {  	s1 =	sld [smem:$0x3F92];
	s0 =	simm.s32 @p0 $0x1  }
0x13: {  	[smem:$0x3FAD] =	sst s0;
	s0 =	simm.s32 @!p1 $0x0  }
0x14: {  	s2 =	sld [smem:$0x3F91];
	s0 =	simm.s32 @p1 $0x1  }
0x15: {  	[smem:$0x3FAE] =	sst s0;
	s0 =	simm.s32 @!p2 $0x0  }
0x16: {  	s3 =	sld [smem:$0x3FDB];
	s0 =	simm.s32 @p2 $0x1  }
0x17: {  	s4 =	simm.s32 $0x1BF5;
	[smem:$0x3FB0] =	sst s0  }
0x18: {  	s0 =	sld [smem:$0x3F93];
	_ =	swait.ge [sflag:s4], $0x0  }
0x19: {  	s7 =	sld [smem:$0x3F94]  }
0x1a: {  	s8 =	sadd.s32 $0xFFFFE003, lr  }
0x1b: {  	s9 =	sadd.s32 $0xFFFFFEF7, lr;
	s5 =	simm.s32 $0xFFFFFFFF;
	p2 =	slt.u32 s8, $0xFFFFF086  }
0x1c: {  	p1 =	slt.u32 s9, $0xF7A;
	s5 =	simm.s32 @!p2 $0x0  }
0x1d: {  	s5 =	simm.s32 @p1 $0x1;
	p0 =	seq.s32 s7, s2  }
0x1e: {  	s7 =	smul.u32 @!p0 $0xF7A, s2;
	p2 =	seq.s32 @!p0 s5, $0x0  }
0x1f: {  	s9 =	smul.u32 $0xF7A, s1;
	s8 =	simm.s32 @!p0 $0x1BF5;
	p2 =	por !p2, p0  }
0x20: {  	[sflag:s8] =	ssyncset.s32 @!p0 $0xFFFFF086;
	s6 =	sadd.s32 @!p0 s3, s7;
	s7 =	simm.s32 @!p0 $0x108  }
0x21: {  	s3 =	sadd.s32 s3, s9;
	s6 =	sadd.s32 @!p0 $0x88, s6;
	s7 =	simm.s32 @p2 $0x1082  }
0x22: {  	[simem:s7], [sflag:s8] =	dma.local @!p0 [hbm:s6], $0xF7A  }
0x23: {  	s9 =	sor.u32 $0xD0000000, s2;
	s6 =	simm.s32 $0x108;
	_ =	swait.ge @!p0 [sflag:s8], $0x0  }
0x24: {  	s3 =	sadd.s32 $0x88, s3;
	s6 =	simm.s32 @!p1 $0x1082;
	[sflag:s4] =	ssyncset.s32 $0xFFFFF086  }
0x25: {  	[simem:s6], [sflag:s4] =	dma.local [hbm:s3], $0xF7A  }
0x26: {  	[smem:$0x3F94] =	sst s1;
	(tag) =	ssettag s2;
	_ =	strace s9  }
0x27: {  	s1 =	sld [smem:$0x3FA4]  }
0x28: {  	s2 =	sld [smem:$0x3FA5]  }
0x29: {  	s4 =	sld [smem:$0x3FA7]  }
0x2a: {  	p0 =	seq.s32 s5, $0x0;
	s5 =	sld [smem:$0x3FA8]  }
0x2b: {  	s6 =	sld [smem:$0x3FA9]  }
0x2c: {  	s7 =	sld [smem:$0x3FAA]  }
0x2d: {  	s3 =	simm.s32 $0x108;
	s8 =	sld [smem:$0x3FAB]  }
0x2e: {  	s3 =	simm.s32 @!p0 $0x1082;
	s9 =	sld [smem:$0x3FAC]  }
0x2f: {  	lr =	sadd.s32 s0, s3;
	s0 =	sld [smem:$0x3FA3]  }
0x30: {  	s3 =	sld [smem:$0x3FA6]  }
0x31: {  	[smem:$0x3FAF] =	sst s10  }
0x32: {  	s10 =	sld [smem:$0x3FAD];
	_ =	sdelay $0x3  }
0x33: {  	p0 =	seq.s32 s10, $0x1;
	s10 =	sld [smem:$0x3FAF];
	_ =	sdelay $0x3  }
0x34: {  	[smem:$0x3FAF] =	sst s10  }
0x35: {  	s10 =	sld [smem:$0x3FAE];
	_ =	sdelay $0x3  }
0x36: {  	p1 =	seq.s32 s10, $0x1;
	s10 =	sld [smem:$0x3FAF];
	_ =	sdelay $0x3  }
0x37: {  	[smem:$0x3FAF] =	sst s10  }
0x38: {  	s10 =	sld [smem:$0x3FB0]  }
0x39: {  	_ = 	snop;
	(pc) =	sbr.ind lr, $3  }
0x3a: {  	_ = 	snop  }
0x3b: {  	_ = 	snop  }
0x3c: {  	p2 =	seq.s32 s10, $0x1;
	s10 =	sld [smem:$0x3FAF]  }
0x3d: {  	_ =	shalt  }
0x3e: {  	_ =	shalt  }
0x3f: {  	_ =	shalt  }
0x40: {  	_ =	shalt  }
0x41: {  	_ =	shalt  }
0x42: {  	_ =	shalt  }
0x43: {  	_ =	shalt  }
0x44: {  	_ =	shalt  }
0x45: {  	_ =	shalt  }
0x46: {  	_ =	shalt  }
0x47: {  	_ =	shalt  }
0x48: {  	_ =	shalt  }
0x49: {  	_ =	shalt  }
0x4a: {  	_ =	shalt  }
0x4b: {  	_ =	shalt  }
0x4c: {  	_ =	shalt  }
0x4d: {  	_ =	shalt  }
0x4e: {  	_ =	shalt  }
0x4f: {  	_ =	shalt  }
0x50: {  	_ =	shalt  }
0x51: {  	_ =	shalt  }
0x52: {  	_ =	shalt  }
0x53: {  	_ =	shalt  }
0x54: {  	_ =	shalt  }
0x55: {  	_ =	shalt  }
0x56: {  	_ =	shalt  }
0x57: {  	_ =	shalt  }
0x58: {  	_ =	shalt  }
0x59: {  	_ =	shalt  }
0x5a: {  	_ =	shalt  }
0x5b: {  	_ =	shalt  }
0x5c: {  	_ =	shalt  }
0x5d: {  	_ =	shalt  }
0x5e: {  	_ =	shalt  }
0x5f: {  	_ =	shalt  }
0x60: {  	_ =	shalt  }
0x61: {  	_ =	shalt  }
0x62: {  	_ =	shalt  }
0x63: {  	_ =	shalt  }
0x64: {  	_ =	shalt  }
0x65: {  	_ =	shalt  }
0x66: {  	_ =	shalt  }
0x67: {  	_ =	shalt  }
0x68: {  	_ =	shalt  }
0x69: {  	_ =	shalt  }
0x6a: {  	_ =	shalt  }
0x6b: {  	_ =	shalt  }
0x6c: {  	_ =	shalt  }
0x6d: {  	_ =	shalt  }
0x6e: {  	_ =	shalt  }
0x6f: {  	_ =	shalt  }
0x70: {  	_ =	shalt  }
0x71: {  	_ =	shalt  }
0x72: {  	_ =	shalt  }
0x73: {  	_ =	shalt  }
0x74: {  	_ =	shalt  }
0x75: {  	_ =	shalt  }
0x76: {  	_ =	shalt  }
0x77: {  	_ =	shalt  }
0x78: {  	_ =	shalt  }
0x79: {  	_ =	shalt  }
0x7a: {  	_ =	shalt  }
0x7b: {  	_ =	shalt  }
0x7c: {  	_ =	shalt  }
0x7d: {  	_ =	shalt  }
0x7e: {  	_ =	shalt  }
0x7f: {  	_ =	shalt  }
0x80: {  	_ =	shalt  }
0x81: {  	_ =	shalt  }
0x82: {  	_ =	shalt  }
0x83: {  	_ =	shalt  }
0x84: {  	_ =	shalt  }
0x85: {  	_ =	shalt  }
0x86: {  	_ =	shalt  }
0x87: {  	_ =	shalt  }
.Lfunc_end0:
.L_simem_size_0:
called_computation.2_lowered:
.L_overlay_start_0:
0x88: {  	s2 =	sld [smem:$0x3FD9]  }
0x89: {  	s3 =	sld [smem:$0x3FFE];
	_ =	sdelay $0x1  }
0x8a: {  	s1 =	srdreg.scid  }
0x8b: {  	s0 =	sand.u32 $0x1, s1  }
0x8c: {  	s16 =	sshll.u32 s0, $0xA;
	s2 =	sadd.s32 s3, s2  }
0x8d: {  	s2 =	sadd.s32 s2, s16  }
0x8e: {  	[smem:$0x3FBB] =	sst s2  }
0x8f: {  	_ = 	snop  }
0x90: {  	(tm) =	ssettm $0x1  }
0x91: {  	s17 =	sld [smem:$0x3FFB];
	_ =	sdelay $0x3  }
0x92: {  	_ =	strace s17  }
0x93: {  	s2 =	sld [smem:$0x3FFC];
	_ =	sdelay $0x3  }
0x94: {  	_ =	strace s2  }
0x95: {  	s2 =	sld [smem:$0x3FFD];
	_ =	sdelay $0x3  }
0x96: {  	_ =	strace s2  }
0x97: {  	_ =	strace $0x8FFFFFFF  }
0x98: {  	s18 =	sld [smem:$0x3FDB];
	_ =	sdelay $0x1  }
0x99: {  	s19 =	simm.s32 $_scs_section_size  }
0x9a: {  	s4 =	simm.s32 $_size__tile_overlayer_lowered;
	s5 =	simm.s32 $_tile_overlayer_lowered  }
0x9b: {  	s22 =	simm.s32 $0x1BFF;
	s21 =	sshll.u32 s5, $0x1;
	s2 =	sadd.s32 s19, s18  }
0x9c: {  	s6 =	simm.s32 $0x0;
	s20 =	sshll.u32 s4, $0x1;
	s4 =	sadd.s32 s21, s2  }
0x9d: {  	[timem:s6], [sflag:s22] =	dma.local [hbm:s4], s20  }
0x9e: {  	_ =	swait.ge [sflag:s22], s20  }
0x9f: {  	s3 =	ssub.s32 $0x0, s20;
	[sflag:s22] =	ssyncset.done $0x0  }
0xa0: {  	[sflag:s22] =	ssyncadd.s32 s3;
	_ =	sdelay $0x1  }
0xa1: {  	s23 =	simm.s32 $0x1B8B  }
0xa2: {  	_ =	swait.ge [sflag:s23], $0x1  }
0xa3: {  	[sflag:s23] =	ssyncset.done $0x0  }
0xa4: {  	s25 =	simm.s32 $0x1B8E;
	s24 =	sld [smem:$0x3FFE];
	[sflag:s23] =	ssyncadd.s32 $0xFFFFFFFF  }
0xa5: {  	s26 =	simm.s32 $execute0_lowered;
	[smem:$0x3FD2] =	sst s25  }
0xa6: {  	s4 =	sshll.u32 s26, $0x1;
	_ =	strace $0x8000004C;
	[dreg:$0x1] =	wrdreg $0xFFFFFFFF  }
0xa7: {  	s28 =	simm.s32 $_size_execute0_lowered;
	s2 =	sadd.s32 s2, s4;
	[dreg:$0x0] =	wrdreg $0x0  }
0xa8: {  	s4 =	sshll.u32 s28, $0x1;
	[dreg:$0x2] =	wrdreg s2  }
0xa9: {  	[dreg:$0x3] =	wrdreg s4  }
0xaa: {  	[dreg:$0x4] =	wrdreg $0xC0  }
0xab: {  	_ =	task [dreg:s6], $0x5FFFF  }
0xac: {  	[dreg:$0x1] =	wrdreg $0xFFFFFFFF  }
0xad: {  	[dreg:$0x0] =	wrdreg $0x60  }
0xae: {  	[dreg:$0x2] =	wrdreg s24  }
0xaf: {  	[dreg:$0x3] =	wrdreg $0x90000  }
0xb0: {  	[dreg:$0x4] =	wrdreg $0x9  }
0xb1: {  	_ =	task.clear_ibuf [dreg:s6], $0x5FFFF;
	_ =	strace $0x9000004C  }
0xb2: {  	s29 =	simm.s32 $0x9;
	_ =	strace $0x8000004E  }
0xb3: {  	_ =	swait.ge [sflag:s29], $0x1  }
0xb4: {  	[sflag:s29] =	ssyncadd.s32 $0xFFFFFFFF  }
0xb5: {  	_ =	strace $0x9000004E  }
0xb6: {  	_ =	sfence  }
0xb7: {  	s30 =	sld [smem:$0x0];
	_ =	sdelay $0x2  }
0xb8: {  	s31 =	sshll.u32 s1, $0xD;
	s1 =	sshrl.u32 s1, $0x2  }
0xb9: {  	s3 =	sand.u32 $0x4000, s31;
	s1 =	sadd.s32 s1, s30  }
0xba: {  	s0 =	sor.u32 s3, s0;
	s1 =	sshll.u32 s1, $0x11  }
0xbb: {  	s0 =	sor.u32 s1, s0  }
0xbc: {  	s0 =	sadd.s32 $0x8F2B, s0  }
0xbd: {  	[sflag:s0] =	ssyncadd.remote.s32 $0x1  }
0xbe: {  	_ =	sfence.sel $0xFFFF  }
0xbf: {  	[dreg:$0x0] =	wrdreg $0xFFFFFFFF;
	(pc) =	sbr.abs _section_cstart, $3  }
0xc0: {  	[dreg:$0x1] =	wrdreg $0xFFFFFFFF  }
0xc1: {  	_ =	task.clear_ibuf [dreg:s6], $0x2FFFF;
	_ =	strace $0x9FFFFFFF  }
0xc2: {  	(tm) =	ssettm $0x7FFFFFFF  }
0xc3: {  	_ =	shalt  }
tec
execute0_lowered:
.L_overlay_start_1:
0x0: {  	(tag) =	ssettag $0x1  }
0x1: {  	s8 =	rddreg [dreg:$0x0]  }
0x2: {  	s1 =	rddreg [dreg:$0x1]  }
0x3: {  	s0 =	rddreg [dreg:$0x2];
	s3 =	simm.s32 $0x0;
	s2 =	stileid.u32  }
0x4: {  	s7 =	srdreg.scid;
	s19 =	simm.s32 $0x2;
	s20 =	simm.s32 $0x2800  }
0x5: {  	s21 =	simm.s32 $0x80;
	s22 =	simm.s32 $0x1;
	s25 =	simm.s32 $0x0  }
0x6: {  	[smem:$0x7FF] =	sst s3;
	s4 =	sadd.s32 $0x5FE00, s8;
	s6 =	smul.u32 $0x500, s2  }
0x7: {  	s5 =	sadd.s32 $0x87000, s8;
	s18 =	sand.u32 $0x1, s7;
	s9 =	smul.u32 $0x50000, s2  }
0x8: {  	s7 =	sadd.s32 $0xAEA00, s8;
	s16 =	smul.u32 $0x2800, s2;
	s23 =	sshll.u32 s2, $0x6  }
0x9: {  	_ =	strace $0x8000004D;
	s10 =	ssub.s32 $0x2, s18;
	p0 =	sne.s32 s18, $0x0  }
0xa: {  	s18 =	simm.s32 $0x5000;
	s23 =	sor.u32 $0x1C02, s23;
	s15 =	sadd.s32 s6, s8  }
.Ltmp0:
0xb: {  	s6 =	sadd.s32 $0xAE200, s8;
	s11 =	sshrl.u32 s10, $0x1;
	(pc) =	sbr.rel .LBB2_1-.Ltmp0, $4  }
0xc: {  	s9 =	sshrl.u32 s9, $0x2;
	s8 =	sadd.s32 $0xD6A00, s8;
	s17 =	ssub.s32 s10, s11  }
0xd: {  	s9 =	sadd.s32 s9, s1;
	s14 =	sadd.s32 $0xAE00, s15;
	s15 =	sadd.s32 $0x5600, s15  }
0xe: {  	s10 =	sadd.s32 $0x4000, s9;
	s11 =	sadd.s32 $0x8000, s9;
	s12 =	sadd.s32 $0xC000, s9  }
0xf: {  	s13 =	sadd.s32 $0x10000, s9;
	s17 =	smax.u32 s17, $0x1;
	s24 =	sshrl.u32 s9, $0x3  }
.LBB2_7:
0x10: {  	s26 =	sshra.s32 s26, $0x2;
	[sflag:s19] =	ssyncadd.s32 $0xFFFFC000  }
0x11: {  	[tilespmem:s18], [sflag:$0x1] =	stream.indirect.gather [hbm4b:s5+s21], $0x80, s26, s21, $0xb8;
	[tilespmem:$0x1D000] =	vst v63  }
0x12: {  	_ =	swait.ge [sflag:s22], $0x4000  }
0x13: {  	[sflag:s22] =	ssyncset.done $0x0  }
0x14: {  	s26 =	sadd.s32 $0x2800, s26;
	[sflag:s22] =	ssyncadd.s32 $0xFFFFC000  }
0x15: {  	[spmem:s1] =	stream.indirect.scatter.add.f32 [tilespmem:s18], [sflag:$0x2], $0x80, s26, s21, $0xb8;
	[tilespmem:$0x1D000] =	vst v63  }
0x16: {  	_ =	swait.ge [sflag:s19], $0x4000  }
0x17: {  	[sflag:s19] =	ssyncset.done $0x0  }
0x18: {  	s26 =	smov.u32 s8;
	[sflag:s19] =	ssyncadd.s32 $0xFFFFC000  }
.LBB2_8:
0x19: {  	s25 =	sadd.s32 $0x1, s25  }
0x1a: {  	p1 =	sne.s32 s25, s17  }
.Ltmp1:
0x1b: {  	s26 =	sadd.s32 s26, s16;
	[bflag:$0x0] =	sbarrier.arrive $0xFFFF;
	(pc) =	sbr.rel @!p1 .LBB2_9-.Ltmp1, $4  }
0x1c: {  	[hbm:s26], [sflag:s23] =	dma.local [spmem:s24], $0x2800  }
0x1d: {  	_ =	swait.ge [sflag:s19], $0x2800  }
0x1e: {  	[sflag:s19] =	ssyncset.done $0x0  }
0x1f: {  	[sflag:s19] =	ssyncadd.s32 $0xFFFFD800  }
.LBB2_1:
0x20: {  	[tilespmem:s18], [sflag:$0x2] =	stream.linear.gather [hbm4b:s6+s3], $0x4000, $0x38;
	[tilespmem:$0x1D000] =	vst v63  }
0x21: {  	_ =	swait.ge [sflag:s19], $0x4000  }
0x22: {  	[sflag:s19] =	ssyncset.done $0x0  }
0x23: {  	[sflag:s19] =	ssyncadd.s32 $0xFFFFC000  }
0x24: {  	[spmem:s9] =	stream.linear.scatter [tilespmem:s18], [sflag:$0x2], $0x4000, $0x38;
	[tilespmem:$0x1D000] =	vst v63  }
0x25: {  	_ =	swait.ge [sflag:s19], $0x4000  }
0x26: {  	[sflag:s19] =	ssyncset.done $0x0  }
0x27: {  	[sflag:s19] =	ssyncadd.s32 $0xFFFFC000  }
0x28: {  	[spmem:s10] =	stream.linear.scatter [tilespmem:s18], [sflag:$0x2], $0x4000, $0x38;
	[tilespmem:$0x1D000] =	vst v63  }
0x29: {  	_ =	swait.ge [sflag:s19], $0x4000  }
0x2a: {  	[sflag:s19] =	ssyncset.done $0x0  }
0x2b: {  	[sflag:s19] =	ssyncadd.s32 $0xFFFFC000  }
0x2c: {  	[spmem:s11] =	stream.linear.scatter [tilespmem:s18], [sflag:$0x2], $0x4000, $0x38;
	[tilespmem:$0x1D000] =	vst v63  }
0x2d: {  	_ =	swait.ge [sflag:s19], $0x4000  }
0x2e: {  	[sflag:s19] =	ssyncset.done $0x0  }
0x2f: {  	[sflag:s19] =	ssyncadd.s32 $0xFFFFC000  }
0x30: {  	[spmem:s12] =	stream.linear.scatter [tilespmem:s18], [sflag:$0x2], $0x4000, $0x38;
	[tilespmem:$0x1D000] =	vst v63  }
0x31: {  	_ =	swait.ge [sflag:s19], $0x4000  }
0x32: {  	[sflag:s19] =	ssyncset.done $0x0  }
0x33: {  	[sflag:s19] =	ssyncadd.s32 $0xFFFFC000  }
0x34: {  	[spmem:s13] =	stream.linear.scatter [tilespmem:s18], [sflag:$0x2], $0x4000, $0x38;
	[tilespmem:$0x1D000] =	vst v63  }
0x35: {  	_ =	swait.ge [sflag:s19], $0x4000  }
0x36: {  	[sflag:s19] =	ssyncset.done $0x0  }
0x37: {  	[sflag:s19] =	ssyncadd.s32 $0xFFFFC000  }
0x38: {  	[tilespmem:s3], [sflag:$0x2] =	stream.linear.gather [hbm4b:s14+s3], $0x2780, $0x38;
	[tilespmem:$0x1D000] =	vst v63  }
0x39: {  	_ =	swait.ge [sflag:s19], $0x2780  }
0x3a: {  	[sflag:s19] =	ssyncset.done $0x0  }
0x3b: {  	[sflag:s19] =	ssyncadd.s32 $0xFFFFD880  }
0x3c: {  	[tilespmem:s20], [sflag:$0x2] =	stream.linear.gather [hbm4b:s15+s3], $0x2780, $0x38;
	[tilespmem:$0x1D000] =	vst v63  }
.Ltmp2:
0x3d: {  	_ =	swait.ge [sflag:s19], $0x2780;
	(pc) =	sbr.rel @p0 .LBB2_5-.Ltmp2, $4  }
0x3e: {  	[sflag:s19] =	ssyncset.done $0x0  }
0x3f: {  	[sflag:s19] =	ssyncadd.s32 $0xFFFFD880  }
0x40: {  	[bflag:$0x0] =	sbarrier.arrive $0xFFFF  }
0x41: {  	s26 =	simm.s32 $0x0  }
0x42: {  	[tilespmem:s18], [sflag:$0x1] =	stream.indirect.gather [hbm4b:s4+s21], $0x80, s26, s21, $0xb8;
	[tilespmem:$0x1D000] =	vst v63  }
0x43: {  	_ =	swait.ge [sflag:s22], $0x4000  }
0x44: {  	[sflag:s22] =	ssyncset.done $0x0  }
0x45: {  	s31 =	simm.s32 $0x2800;
	[sflag:s22] =	ssyncadd.s32 $0xFFFFC000  }
0x46: {  	[spmem:s1] =	stream.indirect.scatter.add.f32 [tilespmem:s18], [sflag:$0x2], $0x80, s31, s21, $0xb8;
	[tilespmem:$0x1D000] =	vst v63  }
0x47: {  	_ =	swait.ge [sflag:s19], $0x4000  }
0x48: {  	s26 =	simm.s32 $0x200;
	s28 =	simm.s32 $0x400;
	[sflag:s19] =	ssyncset.done $0x0  }
.LBB2_3:
0x49: {  	s29 =	sshra.s32 s26, $0x2  }
0x4a: {  	[sflag:s19] =	ssyncadd.s32 $0xFFFFC000;
	s26 =	smov.u32 s28;
	s30 =	sadd.s32 $0x200, s28  }
0x4b: {  	[tilespmem:s18], [sflag:$0x1] =	stream.indirect.gather [hbm4b:s4+s21], $0x80, s29, s21, $0xb8;
	[tilespmem:$0x1D000] =	vst v63  }
0x4c: {  	p1 =	seq.s32 s28, $0x9C00;
	_ =	swait.ge [sflag:s22], $0x4000  }
.Ltmp3:
0x4d: {  	[sflag:s22] =	ssyncset.done $0x0;
	(pc) =	sbr.rel @!p1 .LBB2_3-.Ltmp3, $4  }
0x4e: {  	s28 =	sadd.s32 $0x2800, s29;
	[sflag:s22] =	ssyncadd.s32 $0xFFFFC000  }
0x4f: {  	[spmem:s1] =	stream.indirect.scatter.add.f32 [tilespmem:s18], [sflag:$0x2], $0x80, s28, s21, $0xb8;
	[tilespmem:$0x1D000] =	vst v63  }
0x50: {  	_ =	swait.ge [sflag:s19], $0x4000  }
0x51: {  	s28 =	smov.u32 s30;
	[sflag:s19] =	ssyncset.done $0x0  }
0x52: {  	s26 =	sshra.s32 s26, $0x2;
	[sflag:s19] =	ssyncadd.s32 $0xFFFFC000  }
0x53: {  	[tilespmem:s18], [sflag:$0x1] =	stream.indirect.gather [hbm4b:s4+s21], $0x80, s26, s21, $0xb8;
	[tilespmem:$0x1D000] =	vst v63  }
0x54: {  	_ =	swait.ge [sflag:s22], $0x4000  }
0x55: {  	[sflag:s22] =	ssyncset.done $0x0  }
.Ltmp4:
0x56: {  	s26 =	sadd.s32 $0x2800, s26;
	[sflag:s22] =	ssyncadd.s32 $0xFFFFC000;
	(pc) =	sbr.rel .LBB2_8-.Ltmp4, $4  }
0x57: {  	[spmem:s1] =	stream.indirect.scatter.add.f32 [tilespmem:s18], [sflag:$0x2], $0x80, s26, s21, $0xb8;
	[tilespmem:$0x1D000] =	vst v63  }
0x58: {  	_ =	swait.ge [sflag:s19], $0x4000  }
0x59: {  	[sflag:s19] =	ssyncset.done $0x0  }
0x5a: {  	s26 =	smov.u32 s7;
	[sflag:s19] =	ssyncadd.s32 $0xFFFFC000  }
.LBB2_5:
0x5b: {  	[tilespmem:s18], [sflag:$0x1] =	stream.indirect.gather [hbm4b:s5+s21], $0x80, s26, s21, $0xb8;
	[tilespmem:$0x1D000] =	vst v63  }
0x5c: {  	_ =	swait.ge [sflag:s22], $0x4000  }
0x5d: {  	[sflag:s22] =	ssyncset.done $0x0  }
0x5e: {  	s31 =	simm.s32 $0x2800;
	[sflag:s22] =	ssyncadd.s32 $0xFFFFC000  }
0x5f: {  	[spmem:s1] =	stream.indirect.scatter.add.f32 [tilespmem:s18], [sflag:$0x2], $0x80, s31, s21, $0xb8;
	[tilespmem:$0x1D000] =	vst v63  }
0x60: {  	_ =	swait.ge [sflag:s19], $0x4000  }
0x61: {  	s26 =	simm.s32 $0x200;
	s28 =	simm.s32 $0x400;
	[sflag:s19] =	ssyncset.done $0x0  }
.LBB2_6:
0x62: {  	s29 =	sshra.s32 s26, $0x2  }
0x63: {  	[sflag:s19] =	ssyncadd.s32 $0xFFFFC000;
	s26 =	smov.u32 s28;
	s30 =	sadd.s32 $0x200, s28  }
0x64: {  	[tilespmem:s18], [sflag:$0x1] =	stream.indirect.gather [hbm4b:s5+s21], $0x80, s29, s21, $0xb8;
	[tilespmem:$0x1D000] =	vst v63  }
0x65: {  	p1 =	sne.s32 s28, $0x9C00;
	_ =	swait.ge [sflag:s22], $0x4000  }
.Ltmp5:
0x66: {  	[sflag:s22] =	ssyncset.done $0x0;
	(pc) =	sbr.rel @p1 .LBB2_6-.Ltmp5, $4  }
0x67: {  	s28 =	sadd.s32 $0x2800, s29;
	[sflag:s22] =	ssyncadd.s32 $0xFFFFC000  }
0x68: {  	[spmem:s1] =	stream.indirect.scatter.add.f32 [tilespmem:s18], [sflag:$0x2], $0x80, s28, s21, $0xb8;
	[tilespmem:$0x1D000] =	vst v63  }
0x69: {  	_ =	swait.ge [sflag:s19], $0x4000  }
0x6a: {  	s28 =	smov.u32 s30;
	[sflag:s19] =	ssyncset.done $0x0  }
.Ltmp6:
0x6b: {  	_ = 	snop;
	(pc) =	sbr.rel .LBB2_7-.Ltmp6, $1  }
0x6c: {  	_ =	sdelay $0x3  }
.LBB2_9:
0x6d: {  	_ =	sfence.sel $0x180000  }
0x6e: {  	[bflag:$0x0] =	sbarrier.arrive $0xFFFF  }
0x6f: {  	p0 =	sne.s32 s2, $0x0;
	_ =	strace $0x9000004D  }
0x70: {  	s0 =	sadd.s32 @!p0 $0x100000, s0;
	[bflag:$0x2] =	sbarrier.arrive $0xFFFF  }
0x71: {  	[sflag:s0] =	ssyncadd.tile.s32 @!p0 $0x1;
	_ =	shalt  }
.Lfunc_end2:
_tile_overlayer_lowered:
.L_overlay_start_2:
0x72: {  	(tag) =	ssettag $0x2  }
0x73: {  	s0 =	rddreg [dreg:$0x0];
	s2 =	stileid.u32  }
0x74: {  	s1 =	rddreg [dreg:$0x1];
	p0 =	sne.s32 s2, $0x0  }
0x75: {  	s3 =	rddreg [dreg:$0x2];
	[bflag:$0x3] =	sbarrier.arrive $0xFFFF;
	s2 =	simm.s32 @!p0 $0x1C02  }
0x76: {  	[timem:s3], [sflag:s2] =	dma.local @!p0 [hbm:s0], s1  }
0x77: {  	s0 =	simm.s32 @!p0 $0x2  }
0x78: {  	_ =	swait.ge @!p0 [sflag:s0], s1  }
0x79: {  	s1 =	ssub.s32 @!p0 $0x0, s1;
	[sflag:s0] =	ssyncset.done @!p0 $0x0  }
0x7a: {  	[sflag:s0] =	ssyncadd.s32 @!p0 s1  }
0x7b: {  	[bflag:$0x3] =	sbarrier.arrive $0xFFFF  }
0x7c: {  	_ =	shalt  }

// kernel: kernel.19.cloned.1.call-start
scs
__scs_entry_jumppad:
0x0: {  	(pc) =	sbr.rel $0x88, $3  }
0x1: {  	(tag) =	ssettag $0x0;
	lr =	simm.s32 $0x1  }
0x2: {  	[smem:$0x3F94] =	sst lr;
	_ =	strace $0xD0000000  }
0x3: {  	_ = 	snop  }
0x4: {  	_ = 	snop  }
0x5: {  	_ = 	snop  }
0x6: {  	_ = 	snop  }
0x7: {  	_ = 	snop  }
__scs_overlays_trampoline_lowered:
0x8: {  	[smem:$0x3FA3] =	sst s0  }
0x9: {  	[smem:$0x3FA4] =	sst s1  }
0xa: {  	[smem:$0x3FA5] =	sst s2  }
0xb: {  	[smem:$0x3FA6] =	sst s3  }
0xc: {  	[smem:$0x3FA7] =	sst s4  }
0xd: {  	[smem:$0x3FA8] =	sst s5  }
0xe: {  	[smem:$0x3FA9] =	sst s6  }
0xf: {  	[smem:$0x3FAA] =	sst s7  }
0x10: {  	[smem:$0x3FAB] =	sst s8  }
0x11: {  	[smem:$0x3FAC] =	sst s9;
	s0 =	simm.s32 @!p0 $0x0  }
0x12: {  	s1 =	sld [smem:$0x3F92];
	s0 =	simm.s32 @p0 $0x1  }
0x13: {  	[smem:$0x3FAD] =	sst s0;
	s0 =	simm.s32 @!p1 $0x0  }
0x14: {  	s2 =	sld [smem:$0x3F91];
	s0 =	simm.s32 @p1 $0x1  }
0x15: {  	[smem:$0x3FAE] =	sst s0;
	s0 =	simm.s32 @!p2 $0x0  }
0x16: {  	s3 =	sld [smem:$0x3FDB];
	s0 =	simm.s32 @p2 $0x1  }
0x17: {  	s4 =	simm.s32 $0x1BF5;
	[smem:$0x3FB0] =	sst s0  }
0x18: {  	s0 =	sld [smem:$0x3F93];
	_ =	swait.ge [sflag:s4], $0x0  }
0x19: {  	s7 =	sld [smem:$0x3F94]  }
0x1a: {  	s8 =	sadd.s32 $0xFFFFE003, lr  }
0x1b: {  	s9 =	sadd.s32 $0xFFFFFEF7, lr;
	s5 =	simm.s32 $0xFFFFFFFF;
	p2 =	slt.u32 s8, $0xFFFFF086  }
0x1c: {  	p1 =	slt.u32 s9, $0xF7A;
	s5 =	simm.s32 @!p2 $0x0  }
0x1d: {  	s5 =	simm.s32 @p1 $0x1;
	p0 =	seq.s32 s7, s2  }
0x1e: {  	s7 =	smul.u32 @!p0 $0xF7A, s2;
	p2 =	seq.s32 @!p0 s5, $0x0  }
0x1f: {  	s9 =	smul.u32 $0xF7A, s1;
	s8 =	simm.s32 @!p0 $0x1BF5;
	p2 =	por !p2, p0  }
0x20: {  	[sflag:s8] =	ssyncset.s32 @!p0 $0xFFFFF086;
	s6 =	sadd.s32 @!p0 s3, s7;
	s7 =	simm.s32 @!p0 $0x108  }
0x21: {  	s3 =	sadd.s32 s3, s9;
	s6 =	sadd.s32 @!p0 $0x88, s6;
	s7 =	simm.s32 @p2 $0x1082  }
0x22: {  	[simem:s7], [sflag:s8] =	dma.local @!p0 [hbm:s6], $0xF7A  }
0x23: {  	s9 =	sor.u32 $0xD0000000, s2;
	s6 =	simm.s32 $0x108;
	_ =	swait.ge @!p0 [sflag:s8], $0x0  }
0x24: {  	s3 =	sadd.s32 $0x88, s3;
	s6 =	simm.s32 @!p1 $0x1082;
	[sflag:s4] =	ssyncset.s32 $0xFFFFF086  }
0x25: {  	[simem:s6], [sflag:s4] =	dma.local [hbm:s3], $0xF7A  }
0x26: {  	[smem:$0x3F94] =	sst s1;
	(tag) =	ssettag s2;
	_ =	strace s9  }
0x27: {  	s1 =	sld [smem:$0x3FA4]  }
0x28: {  	s2 =	sld [smem:$0x3FA5]  }
0x29: {  	s4 =	sld [smem:$0x3FA7]  }
0x2a: {  	p0 =	seq.s32 s5, $0x0;
	s5 =	sld [smem:$0x3FA8]  }
0x2b: {  	s6 =	sld [smem:$0x3FA9]  }
0x2c: {  	s7 =	sld [smem:$0x3FAA]  }
0x2d: {  	s3 =	simm.s32 $0x108;
	s8 =	sld [smem:$0x3FAB]  }
0x2e: {  	s3 =	simm.s32 @!p0 $0x1082;
	s9 =	sld [smem:$0x3FAC]  }
0x2f: {  	lr =	sadd.s32 s0, s3;
	s0 =	sld [smem:$0x3FA3]  }
0x30: {  	s3 =	sld [smem:$0x3FA6]  }
0x31: {  	[smem:$0x3FAF] =	sst s10  }
0x32: {  	s10 =	sld [smem:$0x3FAD];
	_ =	sdelay $0x3  }
0x33: {  	p0 =	seq.s32 s10, $0x1;
	s10 =	sld [smem:$0x3FAF];
	_ =	sdelay $0x3  }
0x34: {  	[smem:$0x3FAF] =	sst s10  }
0x35: {  	s10 =	sld [smem:$0x3FAE];
	_ =	sdelay $0x3  }
0x36: {  	p1 =	seq.s32 s10, $0x1;
	s10 =	sld [smem:$0x3FAF];
	_ =	sdelay $0x3  }
0x37: {  	[smem:$0x3FAF] =	sst s10  }
0x38: {  	s10 =	sld [smem:$0x3FB0]  }
0x39: {  	_ = 	snop;
	(pc) =	sbr.ind lr, $3  }
0x3a: {  	_ = 	snop  }
0x3b: {  	_ = 	snop  }
0x3c: {  	p2 =	seq.s32 s10, $0x1;
	s10 =	sld [smem:$0x3FAF]  }
0x3d: {  	_ =	shalt  }
0x3e: {  	_ =	shalt  }
0x3f: {  	_ =	shalt  }
0x40: {  	_ =	shalt  }
0x41: {  	_ =	shalt  }
0x42: {  	_ =	shalt  }
0x43: {  	_ =	shalt  }
0x44: {  	_ =	shalt  }
0x45: {  	_ =	shalt  }
0x46: {  	_ =	shalt  }
0x47: {  	_ =	shalt  }
0x48: {  	_ =	shalt  }
0x49: {  	_ =	shalt  }
0x4a: {  	_ =	shalt  }
0x4b: {  	_ =	shalt  }
0x4c: {  	_ =	shalt  }
0x4d: {  	_ =	shalt  }
0x4e: {  	_ =	shalt  }
0x4f: {  	_ =	shalt  }
0x50: {  	_ =	shalt  }
0x51: {  	_ =	shalt  }
0x52: {  	_ =	shalt  }
0x53: {  	_ =	shalt  }
0x54: {  	_ =	shalt  }
0x55: {  	_ =	shalt  }
0x56: {  	_ =	shalt  }
0x57: {  	_ =	shalt  }
0x58: {  	_ =	shalt  }
0x59: {  	_ =	shalt  }
0x5a: {  	_ =	shalt  }
0x5b: {  	_ =	shalt  }
0x5c: {  	_ =	shalt  }
0x5d: {  	_ =	shalt  }
0x5e: {  	_ =	shalt  }
0x5f: {  	_ =	shalt  }
0x60: {  	_ =	shalt  }
0x61: {  	_ =	shalt  }
0x62: {  	_ =	shalt  }
0x63: {  	_ =	shalt  }
0x64: {  	_ =	shalt  }
0x65: {  	_ =	shalt  }
0x66: {  	_ =	shalt  }
0x67: {  	_ =	shalt  }
0x68: {  	_ =	shalt  }
0x69: {  	_ =	shalt  }
0x6a: {  	_ =	shalt  }
0x6b: {  	_ =	shalt  }
0x6c: {  	_ =	shalt  }
0x6d: {  	_ =	shalt  }
0x6e: {  	_ =	shalt  }
0x6f: {  	_ =	shalt  }
0x70: {  	_ =	shalt  }
0x71: {  	_ =	shalt  }
0x72: {  	_ =	shalt  }
0x73: {  	_ =	shalt  }
0x74: {  	_ =	shalt  }
0x75: {  	_ =	shalt  }
0x76: {  	_ =	shalt  }
0x77: {  	_ =	shalt  }
0x78: {  	_ =	shalt  }
0x79: {  	_ =	shalt  }
0x7a: {  	_ =	shalt  }
0x7b: {  	_ =	shalt  }
0x7c: {  	_ =	shalt  }
0x7d: {  	_ =	shalt  }
0x7e: {  	_ =	shalt  }
0x7f: {  	_ =	shalt  }
0x80: {  	_ =	shalt  }
0x81: {  	_ =	shalt  }
0x82: {  	_ =	shalt  }
0x83: {  	_ =	shalt  }
0x84: {  	_ =	shalt  }
0x85: {  	_ =	shalt  }
0x86: {  	_ =	shalt  }
0x87: {  	_ =	shalt  }
.Lfunc_end0:
.L_simem_size_0:
called_computation.3_lowered:
.L_overlay_start_0:
0x88: {  	s2 =	sld [smem:$0x3FD9]  }
0x89: {  	s3 =	sld [smem:$0x3FFE];
	_ =	sdelay $0x1  }
0x8a: {  	s1 =	srdreg.scid  }
0x8b: {  	s0 =	sand.u32 $0x1, s1  }
0x8c: {  	s16 =	sshll.u32 s0, $0xA;
	s2 =	sadd.s32 s3, s2  }
0x8d: {  	s2 =	sadd.s32 s2, s16  }
0x8e: {  	[smem:$0x3FBB] =	sst s2  }
0x8f: {  	_ = 	snop  }
0x90: {  	(tm) =	ssettm $0x1  }
0x91: {  	s17 =	sld [smem:$0x3FFB];
	_ =	sdelay $0x3  }
0x92: {  	_ =	strace s17  }
0x93: {  	s2 =	sld [smem:$0x3FFC];
	_ =	sdelay $0x3  }
0x94: {  	_ =	strace s2  }
0x95: {  	s2 =	sld [smem:$0x3FFD];
	_ =	sdelay $0x3  }
0x96: {  	_ =	strace s2  }
0x97: {  	_ =	strace $0x8FFFFFFF  }
0x98: {  	s18 =	sld [smem:$0x3FDB];
	_ =	sdelay $0x1  }
0x99: {  	s19 =	simm.s32 $_scs_section_size  }
0x9a: {  	s4 =	simm.s32 $_size__tile_overlayer_lowered;
	s5 =	simm.s32 $_tile_overlayer_lowered  }
0x9b: {  	s22 =	simm.s32 $0x1BFF;
	s21 =	sshll.u32 s5, $0x1;
	s2 =	sadd.s32 s19, s18  }
0x9c: {  	s6 =	simm.s32 $0x0;
	s20 =	sshll.u32 s4, $0x1;
	s4 =	sadd.s32 s21, s2  }
0x9d: {  	[timem:s6], [sflag:s22] =	dma.local [hbm:s4], s20  }
0x9e: {  	_ =	swait.ge [sflag:s22], s20  }
0x9f: {  	s3 =	ssub.s32 $0x0, s20;
	[sflag:s22] =	ssyncset.done $0x0  }
0xa0: {  	[sflag:s22] =	ssyncadd.s32 s3;
	_ =	sdelay $0x1  }
0xa1: {  	s23 =	simm.s32 $0x1B8B  }
0xa2: {  	_ =	swait.ge [sflag:s23], $0x1  }
0xa3: {  	[sflag:s23] =	ssyncset.done $0x0  }
0xa4: {  	s25 =	simm.s32 $0x1B8E;
	s24 =	sld [smem:$0x3FFE];
	[sflag:s23] =	ssyncadd.s32 $0xFFFFFFFF  }
0xa5: {  	s26 =	simm.s32 $execute0_lowered;
	[smem:$0x3FD2] =	sst s25  }
0xa6: {  	s4 =	sshll.u32 s26, $0x1;
	_ =	strace $0x8000004F;
	[dreg:$0x1] =	wrdreg $0xFFFFFFFF  }
0xa7: {  	s28 =	simm.s32 $_size_execute0_lowered;
	s2 =	sadd.s32 s2, s4;
	[dreg:$0x0] =	wrdreg $0x0  }
0xa8: {  	s4 =	sshll.u32 s28, $0x1;
	[dreg:$0x2] =	wrdreg s2  }
0xa9: {  	[dreg:$0x3] =	wrdreg s4  }
0xaa: {  	[dreg:$0x4] =	wrdreg $0xC0  }
0xab: {  	_ =	task [dreg:s6], $0x5FFFF  }
0xac: {  	[dreg:$0x1] =	wrdreg $0xFFFFFFFF  }
0xad: {  	[dreg:$0x0] =	wrdreg $0x60  }
0xae: {  	[dreg:$0x2] =	wrdreg s24  }
0xaf: {  	[dreg:$0x3] =	wrdreg $0x9  }
0xb0: {  	_ =	task.clear_ibuf [dreg:s6], $0x4FFFF;
	_ =	strace $0x9000004F  }
0xb1: {  	s29 =	simm.s32 $0x9;
	_ =	strace $0x80000051  }
0xb2: {  	_ =	swait.ge [sflag:s29], $0x1  }
0xb3: {  	[sflag:s29] =	ssyncadd.s32 $0xFFFFFFFF  }
0xb4: {  	_ =	strace $0x90000051  }
0xb5: {  	_ =	sfence  }
0xb6: {  	s30 =	sld [smem:$0x0];
	_ =	sdelay $0x2  }
0xb7: {  	s31 =	sshll.u32 s1, $0xD;
	s1 =	sshrl.u32 s1, $0x2  }
0xb8: {  	s3 =	sand.u32 $0x4000, s31;
	s1 =	sadd.s32 s1, s30  }
0xb9: {  	s0 =	sor.u32 s3, s0;
	s1 =	sshll.u32 s1, $0x11  }
0xba: {  	s0 =	sor.u32 s1, s0  }
0xbb: {  	s0 =	sadd.s32 $0x8F2B, s0  }
0xbc: {  	[sflag:s0] =	ssyncadd.remote.s32 $0x1  }
0xbd: {  	_ =	sfence.sel $0xFFFF  }
0xbe: {  	[dreg:$0x0] =	wrdreg $0xFFFFFFFF;
	(pc) =	sbr.abs _section_cstart, $3  }
0xbf: {  	[dreg:$0x1] =	wrdreg $0xFFFFFFFF  }
0xc0: {  	_ =	task.clear_ibuf [dreg:s6], $0x2FFFF;
	_ =	strace $0x9FFFFFFF  }
0xc1: {  	(tm) =	ssettm $0x7FFFFFFF  }
tec
execute0_lowered:
.L_overlay_start_1:
0x0: {  	(tag) =	ssettag $0x1  }
0x1: {  	s4 =	rddreg [dreg:$0x0]  }
0x2: {  	s0 =	rddreg [dreg:$0x1];
	s1 =	simm.s32 $0x0  }
0x3: {  	s5 =	srdreg.scid;
	s2 =	stileid.u32;
	s9 =	simm.s32 $0xC00  }
0x4: {  	s10 =	simm.s32 $0x1400;
	s11 =	simm.s32 $0x1C00;
	s12 =	simm.s32 $0x2400  }
0x5: {  	s13 =	simm.s32 $0x2C00;
	s14 =	simm.s32 $0x3400;
	s15 =	simm.s32 $0x3C00  }
0x6: {  	s16 =	simm.s32 $0x4400;
	s17 =	simm.s32 $0x4C00;
	s18 =	simm.s32 $0x5400  }
0x7: {  	s19 =	simm.s32 $0x5C00;
	s20 =	simm.s32 $0x6400;
	s21 =	simm.s32 $0x6C00  }
0x8: {  	s22 =	simm.s32 $0x7400;
	s23 =	simm.s32 $0x7C00;
	s24 =	simm.s32 $0x1  }
0x9: {  	s25 =	simm.s32 $0x0;
	[smem:$0x7FF] =	sst s1;
	s3 =	sadd.s32 $0x5600, s4  }
0xa: {  	s5 =	sand.u32 $0x1, s5;
	s6 =	sshll.u32 s2, $0x8;
	s8 =	smul.u32 $0xA000, s2  }
0xb: {  	_ =	strace $0x80000050;
	s7 =	sshll.u32 s5, $0x7;
	s29 =	ssub.s32 $0x2, s5  }
0xc: {  	s5 =	smul.u32 $0x5000, s5;
	s6 =	sor.u32 s7, s6;
	s30 =	sshrl.u32 s29, $0x1  }
0xd: {  	v2 =	vlaneseq.u32;
	s8 =	sadd.s32 s8, s4;
	s6 =	sadd.s32 s6, s4;
	s7 =	ssub.s32 s29, s30  }
0xe: {  	vm0 =	vmmov $0xffff;
	v1 =	vshrl.u32 v2, $0x3;
	s31 =	sadd.s32 s5, s8;
	s8 =	simm.s32 $0x400;
	s4 =	sadd.s32 $0xFEA00, s6  }
0xf: {  	v0 =	vand.u32 $0x7, v2;
	v2 =	vor.u32 $0x8, v2;
	v1 =	vmul.u32 $0x8, v1;
	s5 =	smax.u32 s7, $0x1;
	s6 =	sadd.s32 $0x53800, s31;
	s7 =	simm.s32 $0x2  }
.LBB2_1:
0x10: {  	[tilespmem:s1], [sflag:$0x2] =	stream.linear.gather [hbm4b:s4+s1], $0x280, $0x38;
	[tilespmem:$0x8400] =	vst v63  }
0x11: {  	_ =	swait.ge [sflag:s7], $0x280  }
0x12: {  	[sflag:s7] =	ssyncset.done $0x0  }
0x13: {  	s26 =	simm.s32 $0x40;
	s28 =	simm.s32 $0x0;
	[sflag:s7] =	ssyncadd.s32 $0xFFFFFD80  }
.LBB2_2:
0x14: {  	v3 =	vld [tilespmem:s26+$0xFFFFFFC0];
	_ =	sdelay $0x4  }
0x15: {  	v4 =	vshll.u32 v3, $0x1  }
0x16: {  	v3 =	vand.u32 $0x7, v3;
	v4 =	vand.u32 $0xFFFFFFF0, v4  }
0x17: {  	v3 =	vor.u32 v3, v4  }
0x18: {  	v4 =	vperm.xlane v3, v0;
	_ =	sdelay $0x1  }
0x19: {  	v3 =	vperm.xlane v3, v2;
	v4 =	vadd.s32 v1, v4;
	_ =	sdelay $0x1  }
0x1a: {  	v3 =	vadd.s32 v1, v3;
	_ =	sdelay $0x2  }
0x1b: {  	[tilespmem:s8], [sflag:$0x1] =	stream.indirect_vreg.gather [hbm4b:s3+s1], $0x80, v4, vm0, $0xb8;
	[tilespmem:$0x8400] =	vst v63  }
0x1c: {  	_ = 	snop  }
0x1d: {  	[tilespmem:s9], [sflag:$0x1] =	stream.indirect_vreg.gather [hbm4b:s3+s1], $0x80, v3, vm0, $0xb8;
	[tilespmem:$0x8400] =	vst v63  }
0x1e: {  	v3 =	vld [tilespmem:s26+$0xFFFFFFD0];
	_ =	sdelay $0x4  }
0x1f: {  	v57 =	vshll.u32 v3, $0x1  }
0x20: {  	v3 =	vand.u32 $0x7, v3;
	v4 =	vand.u32 $0xFFFFFFF0, v57  }
0x21: {  	v3 =	vor.u32 v3, v4  }
0x22: {  	v4 =	vperm.xlane v3, v0;
	_ =	sdelay $0x1  }
0x23: {  	v3 =	vperm.xlane v3, v2;
	v4 =	vadd.s32 v1, v4;
	_ =	sdelay $0x1  }
0x24: {  	v3 =	vadd.s32 v1, v3;
	_ =	sdelay $0x2  }
0x25: {  	[tilespmem:s10], [sflag:$0x1] =	stream.indirect_vreg.gather [hbm4b:s3+s1], $0x80, v4, vm0, $0xb8;
	[tilespmem:$0x8400] =	vst v63  }
0x26: {  	_ = 	snop  }
0x27: {  	[tilespmem:s11], [sflag:$0x1] =	stream.indirect_vreg.gather [hbm4b:s3+s1], $0x80, v3, vm0, $0xb8;
	[tilespmem:$0x8400] =	vst v63  }
0x28: {  	v3 =	vld [tilespmem:s26+$0xFFFFFFE0];
	_ =	sdelay $0x4  }
0x29: {  	v58 =	vshll.u32 v3, $0x1  }
0x2a: {  	v3 =	vand.u32 $0x7, v3;
	v4 =	vand.u32 $0xFFFFFFF0, v58  }
0x2b: {  	v3 =	vor.u32 v3, v4  }
0x2c: {  	v4 =	vperm.xlane v3, v0;
	_ =	sdelay $0x1  }
0x2d: {  	v3 =	vperm.xlane v3, v2;
	v4 =	vadd.s32 v1, v4;
	_ =	sdelay $0x1  }
0x2e: {  	v3 =	vadd.s32 v1, v3;
	_ =	sdelay $0x2  }
0x2f: {  	[tilespmem:s12], [sflag:$0x1] =	stream.indirect_vreg.gather [hbm4b:s3+s1], $0x80, v4, vm0, $0xb8;
	[tilespmem:$0x8400] =	vst v63  }
0x30: {  	_ = 	snop  }
0x31: {  	[tilespmem:s13], [sflag:$0x1] =	stream.indirect_vreg.gather [hbm4b:s3+s1], $0x80, v3, vm0, $0xb8;
	[tilespmem:$0x8400] =	vst v63  }
0x32: {  	v3 =	vld [tilespmem:s26+$0xFFFFFFF0];
	_ =	sdelay $0x4  }
0x33: {  	v59 =	vshll.u32 v3, $0x1  }
0x34: {  	v3 =	vand.u32 $0x7, v3;
	v4 =	vand.u32 $0xFFFFFFF0, v59  }
0x35: {  	v3 =	vor.u32 v3, v4  }
0x36: {  	v4 =	vperm.xlane v3, v0;
	_ =	sdelay $0x1  }
0x37: {  	v3 =	vperm.xlane v3, v2;
	v4 =	vadd.s32 v1, v4;
	_ =	sdelay $0x1  }
0x38: {  	v3 =	vadd.s32 v1, v3;
	_ =	sdelay $0x2  }
0x39: {  	[tilespmem:s14], [sflag:$0x1] =	stream.indirect_vreg.gather [hbm4b:s3+s1], $0x80, v4, vm0, $0xb8;
	[tilespmem:$0x8400] =	vst v63  }
0x3a: {  	_ = 	snop  }
0x3b: {  	[tilespmem:s15], [sflag:$0x1] =	stream.indirect_vreg.gather [hbm4b:s3+s1], $0x80, v3, vm0, $0xb8;
	[tilespmem:$0x8400] =	vst v63  }
0x3c: {  	v3 =	vld [tilespmem:s26+$0x0];
	_ =	sdelay $0x4  }
0x3d: {  	v60 =	vshll.u32 v3, $0x1  }
0x3e: {  	v3 =	vand.u32 $0x7, v3;
	v4 =	vand.u32 $0xFFFFFFF0, v60  }
0x3f: {  	v3 =	vor.u32 v3, v4  }
0x40: {  	v4 =	vperm.xlane v3, v0;
	_ =	sdelay $0x1  }
0x41: {  	v3 =	vperm.xlane v3, v2;
	v4 =	vadd.s32 v1, v4;
	_ =	sdelay $0x1  }
0x42: {  	v3 =	vadd.s32 v1, v3;
	_ =	sdelay $0x2  }
0x43: {  	[tilespmem:s16], [sflag:$0x1] =	stream.indirect_vreg.gather [hbm4b:s3+s1], $0x80, v4, vm0, $0xb8;
	[tilespmem:$0x8400] =	vst v63  }
0x44: {  	_ = 	snop  }
0x45: {  	[tilespmem:s17], [sflag:$0x1] =	stream.indirect_vreg.gather [hbm4b:s3+s1], $0x80, v3, vm0, $0xb8;
	[tilespmem:$0x8400] =	vst v63  }
0x46: {  	v3 =	vld [tilespmem:s26+$0x10];
	_ =	sdelay $0x4  }
0x47: {  	v61 =	vshll.u32 v3, $0x1  }
0x48: {  	v3 =	vand.u32 $0x7, v3;
	v4 =	vand.u32 $0xFFFFFFF0, v61  }
0x49: {  	v3 =	vor.u32 v3, v4  }
0x4a: {  	v4 =	vperm.xlane v3, v0;
	_ =	sdelay $0x1  }
0x4b: {  	v3 =	vperm.xlane v3, v2;
	v4 =	vadd.s32 v1, v4;
	_ =	sdelay $0x1  }
0x4c: {  	v3 =	vadd.s32 v1, v3;
	_ =	sdelay $0x2  }
0x4d: {  	[tilespmem:s18], [sflag:$0x1] =	stream.indirect_vreg.gather [hbm4b:s3+s1], $0x80, v4, vm0, $0xb8;
	[tilespmem:$0x8400] =	vst v63  }
0x4e: {  	_ = 	snop  }
0x4f: {  	[tilespmem:s19], [sflag:$0x1] =	stream.indirect_vreg.gather [hbm4b:s3+s1], $0x80, v3, vm0, $0xb8;
	[tilespmem:$0x8400] =	vst v63  }
0x50: {  	v3 =	vld [tilespmem:s26+$0x20];
	_ =	sdelay $0x4  }
0x51: {  	v62 =	vshll.u32 v3, $0x1  }
0x52: {  	v3 =	vand.u32 $0x7, v3;
	v4 =	vand.u32 $0xFFFFFFF0, v62  }
0x53: {  	v3 =	vor.u32 v3, v4  }
0x54: {  	v4 =	vperm.xlane v3, v0;
	_ =	sdelay $0x1  }
0x55: {  	v3 =	vperm.xlane v3, v2;
	v4 =	vadd.s32 v1, v4;
	_ =	sdelay $0x1  }
0x56: {  	v3 =	vadd.s32 v1, v3;
	_ =	sdelay $0x2  }
0x57: {  	[tilespmem:s20], [sflag:$0x1] =	stream.indirect_vreg.gather [hbm4b:s3+s1], $0x80, v4, vm0, $0xb8;
	[tilespmem:$0x8400] =	vst v63  }
0x58: {  	_ = 	snop  }
0x59: {  	[tilespmem:s21], [sflag:$0x1] =	stream.indirect_vreg.gather [hbm4b:s3+s1], $0x80, v3, vm0, $0xb8;
	[tilespmem:$0x8400] =	vst v63  }
0x5a: {  	v3 =	vld [tilespmem:s26+$0x30];
	_ =	sdelay $0x4  }
0x5b: {  	v63 =	vshll.u32 v3, $0x1  }
0x5c: {  	v3 =	vand.u32 $0x7, v3;
	v4 =	vand.u32 $0xFFFFFFF0, v63  }
0x5d: {  	v3 =	vor.u32 v3, v4  }
0x5e: {  	v4 =	vperm.xlane v3, v0;
	_ =	sdelay $0x1  }
0x5f: {  	v3 =	vperm.xlane v3, v2;
	v4 =	vadd.s32 v1, v4;
	_ =	sdelay $0x1  }
0x60: {  	v3 =	vadd.s32 v1, v3;
	_ =	sdelay $0x2  }
0x61: {  	[tilespmem:s22], [sflag:$0x1] =	stream.indirect_vreg.gather [hbm4b:s3+s1], $0x80, v4, vm0, $0xb8;
	[tilespmem:$0x8400] =	vst v63  }
0x62: {  	_ = 	snop  }
0x63: {  	[tilespmem:s23], [sflag:$0x1] =	stream.indirect_vreg.gather [hbm4b:s3+s1], $0x80, v3, vm0, $0xb8;
	[tilespmem:$0x8400] =	vst v63  }
0x64: {  	_ =	swait.ge [sflag:s24], $0x8000  }
0x65: {  	p0 =	sne.s32 s28, $0x4000;
	[sflag:s24] =	ssyncset.done $0x0  }
.Ltmp0:
0x66: {  	s29 =	sadd.s32 s28, s6;
	[sflag:s24] =	ssyncadd.s32 $0xFFFF8000;
	(pc) =	sbr.rel @p0 .LBB2_2-.Ltmp0, $4  }
0x67: {  	[hbm4b:s29+s1] =	stream.linear.scatter [tilespmem:s8], [sflag:$0x2], $0x8000, $0x38;
	[tilespmem:$0x8400] =	vst v63  }
0x68: {  	_ =	swait.ge [sflag:s7], $0x8000  }
0x69: {  	[sflag:s7] =	ssyncset.done $0x0  }
0x6a: {  	s28 =	sadd.s32 $0x1000, s28;
	s26 =	sadd.s32 $0x80, s26;
	[sflag:s7] =	ssyncadd.s32 $0xFFFF8000  }
0x6b: {  	s25 =	sadd.s32 $0x1, s25  }
0x6c: {  	p0 =	sne.s32 s25, s5  }
.Ltmp1:
0x6d: {  	_ = 	snop;
	(pc) =	sbr.rel @p0 .LBB2_1-.Ltmp1, $1  }
0x6e: {  	_ =	sdelay $0x3  }
0x6f: {  	_ =	sfence.sel $0x180000  }
0x70: {  	[bflag:$0x0] =	sbarrier.arrive $0xFFFF  }
0x71: {  	p0 =	sne.s32 s2, $0x0;
	_ =	strace $0x90000050  }
0x72: {  	s0 =	sadd.s32 @!p0 $0x100000, s0;
	[bflag:$0x2] =	sbarrier.arrive $0xFFFF  }
0x73: {  	[sflag:s0] =	ssyncadd.tile.s32 @!p0 $0x1;
	_ =	shalt  }
.Lfunc_end2:
_tile_overlayer_lowered:
.L_overlay_start_2:
0x74: {  	(tag) =	ssettag $0x2  }
0x75: {  	s0 =	rddreg [dreg:$0x0];
	s2 =	stileid.u32  }
0x76: {  	s1 =	rddreg [dreg:$0x1];
	p0 =	sne.s32 s2, $0x0  }
0x77: {  	s3 =	rddreg [dreg:$0x2];
	[bflag:$0x3] =	sbarrier.arrive $0xFFFF;
	s2 =	simm.s32 @!p0 $0x1C02  }
0x78: {  	[timem:s3], [sflag:s2] =	dma.local @!p0 [hbm:s0], s1  }
0x79: {  	s0 =	simm.s32 @!p0 $0x2  }
0x7a: {  	_ =	swait.ge @!p0 [sflag:s0], s1  }
0x7b: {  	s1 =	ssub.s32 @!p0 $0x0, s1;
	[sflag:s0] =	ssyncset.done @!p0 $0x0  }
0x7c: {  	[sflag:s0] =	ssyncadd.s32 @!p0 s1  }
0x7d: {  	[bflag:$0x3] =	sbarrier.arrive $0xFFFF  }
0x7e: {  	_ =	shalt  }

</sc_bundles>
